<compile_context>
chip_gen: v7x
topology: tpu7x:2x2x1
jax: 0.10.2.dev20260603
libtpu: 0.0.44.dev20260713+nightly
codegen_flags: <defaults>
</compile_context>

<pallas_src>
import functools

import jax
import jax.numpy as jnp
from jax import lax
from jax.experimental import pallas as pl
from jax.experimental.pallas import tpu as pltpu
from jax.experimental.pallas import tpu_sc as plsc

NUM_ROWS = 100000
FEAT_DIM = 138
N_SAMPLES = 16384
ID_DIM = 128
SHAPE_DIM = 10

_NC = 2
_NS = 16
_NW = _NC * _NS
_BPW = N_SAMPLES // _NW
_CH = 128
_NCHUNK = _BPW // _CH
_FIRE = 16

_mesh = plsc.VectorSubcoreMesh(core_axis_name="c", subcore_axis_name="s")


@functools.partial(
    pl.kernel,
    mesh=_mesh,
    out_type=(
        jax.ShapeDtypeStruct((N_SAMPLES, ID_DIM), jnp.float32),
        jax.ShapeDtypeStruct((N_SAMPLES, SHAPE_DIM), jnp.float32),
    ),
    scratch_types=[
        pltpu.VMEM((_NCHUNK, _CH), jnp.int32),
        pltpu.VMEM((_BPW,), jnp.int32),
        pltpu.VMEM((3, _CH, ID_DIM), jnp.float32),
        pltpu.VMEM((_BPW, SHAPE_DIM), jnp.float32),
        pltpu.SemaphoreType.DMA,
        pltpu.SemaphoreType.DMA,
        pltpu.SemaphoreType.DMA,
        pltpu.SemaphoreType.DMA,
    ],
    compiler_params=pltpu.CompilerParams(
        disable_bounds_checks=True,
        disable_semaphore_checks=True,
    ),
)
def _gather_split(table_hbm, idx_hbm, id_hbm, shape_hbm,
                  idx_v, idx_vf, rows_v, shape_v, sem_i, sem_g, sem_s, sem_w):
    wid = lax.axis_index("s") * _NC + lax.axis_index("c")
    base = wid * _BPW

    idx_copies = [
        pltpu.async_copy(idx_hbm.at[pl.ds(base + j * _CH, _CH)],
                         idx_v.at[j], sem_i)
        for j in range(_NCHUNK)
    ]
    idx_copies.append(
        pltpu.async_copy(idx_hbm.at[pl.ds(base, _BPW)], idx_vf, sem_i))
    for c in idx_copies:
        c.wait()

    def _shape_step(step, carry):
        off = step * _FIRE
        vec = idx_vf[pl.ds(off, _FIRE)]
        for t in range(_FIRE):
            r = vec[t]
            pltpu.async_copy(
                table_hbm.at[pl.ds(r, 1), pl.ds(ID_DIM, SHAPE_DIM)],
                shape_v.at[pl.ds(off + t, 1)],
                sem_s)
        return carry

    lax.fori_loop(0, _BPW // _FIRE, _shape_step, 0)

    id_src = table_hbm.at[:, pl.ds(0, ID_DIM)]

    def _fire(j, s):
        return pltpu.async_copy(id_src.at[idx_v.at[j]], rows_v.at[s], sem_g)

    def _wb(j, s):
        return pltpu.async_copy(
            rows_v.at[s], id_hbm.at[pl.ds(base + j * _CH, _CH)], sem_w)

    g0, g1, g2 = _fire(0, 0), _fire(1, 1), _fire(2, 2)
    g0.wait()
    wb0 = _wb(0, 0)
    g1.wait()
    wb1 = _wb(1, 1)
    wb0.wait()
    g3 = _fire(3, 0)
    g2.wait()
    wb2 = _wb(2, 2)
    g3.wait()
    wb3 = _wb(3, 0)
    wbs = [wb1, wb2, wb3]

    pltpu.make_async_copy(shape_hbm.at[pl.ds(base, _BPW)], shape_v,
                          sem_s).wait()
    pltpu.sync_copy(shape_v, shape_hbm.at[pl.ds(base, _BPW)])
    for wb in wbs:
        wb.wait()


def kernel(table, rand_id):
    return _gather_split(table, rand_id.astype(jnp.int32))

# --- scband reference (transcript-rebuilt; emitter-appended) ---
"""Pipeline reference for scband-idshape-sampler-test-76544907149689 (READ-ONLY COPY).

The authoritative reference and input builder live on the scoring server;
editing this copy changes nothing except your own understanding.
"""

import jax, jax.numpy as jnp
import numpy as np

NUM_ROWS = 100000
FEAT_DIM = 138
N_SAMPLES = 16384

def setup_inputs(seed: int = 0) -> dict:
    key = jax.random.key(seed)
    k_table, k_idx = jax.random.split(key)
    table = jax.random.normal(k_table, (NUM_ROWS, FEAT_DIM), dtype=jnp.float32)
    rand_id = jax.random.randint(k_idx, (N_SAMPLES,), 0, NUM_ROWS, dtype=jnp.int64 if jax.config.jax_enable_x64 else jnp.int32)
    return {"table": table, "rand_id": rand_id}

def reference(table, rand_id):
    # Faithful translation of IDShapeSamplerTest.forward_body:
    # gather rows from the stored id_shape sampler table, then split
    # into id (all but last 10 cols) and shape (last 10 cols).
    id_shape = jnp.take(table, rand_id, axis=0)
    id_part = id_shape[:, :-10]
    shape_part = id_shape[:, -10:]
    return (id_part, shape_part)

if __name__ == "__main__":
    import jax
    _d = setup_inputs()
    print(jax.jit(kernel)(*tuple(_d.values())))

</pallas_src>

<mosaic_0001>
#map = affine_map<(d0, d1) -> (0, 0)>
#map1 = affine_map<(d0, d1) -> (0)>
module attributes {stable_mosaic.version = 14 : i64} {
  func.func @_gather_split(%arg0: i32, %arg1: i32, %arg2: memref<100000x138xf32, #tpu.memory_space<hbm>>, %arg3: memref<16384xi32, #tpu.memory_space<hbm>>, %arg4: memref<16384x128xf32, #tpu.memory_space<hbm>>, %arg5: memref<16384x10xf32, #tpu.memory_space<hbm>>, %arg6: memref<4x128xi32, #tpu.memory_space<vmem>>, %arg7: memref<512xi32, #tpu.memory_space<vmem>>, %arg8: memref<3x128x128xf32, #tpu.memory_space<vmem>>, %arg9: memref<512x10xf32, #tpu.memory_space<vmem>>, %arg10: memref<!tpu.dma_semaphore, #tpu.memory_space<semaphore_mem>>, %arg11: memref<!tpu.dma_semaphore, #tpu.memory_space<semaphore_mem>>, %arg12: memref<!tpu.dma_semaphore, #tpu.memory_space<semaphore_mem>>, %arg13: memref<!tpu.dma_semaphore, #tpu.memory_space<semaphore_mem>>) attributes {dimension_semantics = [#tpu.dimension_semantics<core_parallel>, #tpu.dimension_semantics<subcore_parallel>], iteration_bounds = array<i64: 2, 16>, scalar_prefetch = 0 : i64, scratch_operands = 8 : i64, tpu.core_type = #tpu.core_type<sc_vector_subcore>, window_params = [{transform_indices = #map}, {transform_indices = #map1}, {transform_indices = #map}, {transform_indices = #map}]} {
    %mul3A = arith.constant 2 : i32
    %mul3A_0 = arith.muli %arg1, %mul3A : i32
    %add3A = arith.addi %mul3A_0, %arg0 : i32
    %mul3A_1 = arith.constant 512 : i32
    %mul3A_2 = arith.muli %add3A, %mul3A_1 : i32
    %add3A_3 = arith.constant 0 : i32
    %add3A_4 = arith.addi %mul3A_2, %add3A_3 : i32
    %dma_start3A = arith.constant 0 : i32
    %dma_start3A_5 = arith.constant 0 : i32
    %dma_start3A_6 = tpu.memref_slice %arg6[%dma_start3A, %dma_start3A_5] : memref<4x128xi32, #tpu.memory_space<vmem>> -> memref<1x128xi32, #tpu.memory_space<vmem>>
    %dma_start3A_7 = tpu.memref_squeeze %dma_start3A_6 : memref<1x128xi32, #tpu.memory_space<vmem>> -> memref<128xi32, #tpu.memory_space<vmem>>
    %dma_start3A_8 = tpu.memref_slice %arg3[%add3A_4] : memref<16384xi32, #tpu.memory_space<hbm>> -> memref<128xi32, #tpu.memory_space<hbm>>
    %dma_start3A_9 = arith.constant 0 : i32
    %dma_start3A_10 = tpu.memref_slice %arg6[%dma_start3A, %dma_start3A_9] : memref<4x128xi32, #tpu.memory_space<vmem>> -> memref<1x128xi32, #tpu.memory_space<vmem>>
    %dma_start3A_11 = tpu.memref_squeeze %dma_start3A_10 : memref<1x128xi32, #tpu.memory_space<vmem>> -> memref<128xi32, #tpu.memory_space<vmem>>
    %dma_start3A_12 = tpu.memref_slice %arg3[%add3A_4] : memref<16384xi32, #tpu.memory_space<hbm>> -> memref<128xi32, #tpu.memory_space<hbm>>
    tpu.enqueue_dma source(%dma_start3A_12 : memref<128xi32, #tpu.memory_space<hbm>>) target(%dma_start3A_11 : memref<128xi32, #tpu.memory_space<vmem>>) target_semaphore(%arg10 : memref<!tpu.dma_semaphore, #tpu.memory_space<semaphore_mem>>)
    %add3A_13 = arith.constant 128 : i32
    %add3A_14 = arith.addi %mul3A_2, %add3A_13 : i32
    %dma_start3A_15 = arith.constant 1 : i32
    %dma_start3A_16 = arith.constant 0 : i32
    %dma_start3A_17 = tpu.memref_slice %arg6[%dma_start3A_15, %dma_start3A_16] : memref<4x128xi32, #tpu.memory_space<vmem>> -> memref<1x128xi32, #tpu.memory_space<vmem>>
    %dma_start3A_18 = tpu.memref_squeeze %dma_start3A_17 : memref<1x128xi32, #tpu.memory_space<vmem>> -> memref<128xi32, #tpu.memory_space<vmem>>
    %dma_start3A_19 = tpu.memref_slice %arg3[%add3A_14] : memref<16384xi32, #tpu.memory_space<hbm>> -> memref<128xi32, #tpu.memory_space<hbm>>
    %dma_start3A_20 = arith.constant 0 : i32
    %dma_start3A_21 = tpu.memref_slice %arg6[%dma_start3A_15, %dma_start3A_20] : memref<4x128xi32, #tpu.memory_space<vmem>> -> memref<1x128xi32, #tpu.memory_space<vmem>>
    %dma_start3A_22 = tpu.memref_squeeze %dma_start3A_21 : memref<1x128xi32, #tpu.memory_space<vmem>> -> memref<128xi32, #tpu.memory_space<vmem>>
    %dma_start3A_23 = tpu.memref_slice %arg3[%add3A_14] : memref<16384xi32, #tpu.memory_space<hbm>> -> memref<128xi32, #tpu.memory_space<hbm>>
    tpu.enqueue_dma source(%dma_start3A_23 : memref<128xi32, #tpu.memory_space<hbm>>) target(%dma_start3A_22 : memref<128xi32, #tpu.memory_space<vmem>>) target_semaphore(%arg10 : memref<!tpu.dma_semaphore, #tpu.memory_space<semaphore_mem>>)
    %add3A_24 = arith.constant 256 : i32
    %add3A_25 = arith.addi %mul3A_2, %add3A_24 : i32
    %dma_start3A_26 = arith.constant 2 : i32
    %dma_start3A_27 = arith.constant 0 : i32
    %dma_start3A_28 = tpu.memref_slice %arg6[%dma_start3A_26, %dma_start3A_27] : memref<4x128xi32, #tpu.memory_space<vmem>> -> memref<1x128xi32, #tpu.memory_space<vmem>>
    %dma_start3A_29 = tpu.memref_squeeze %dma_start3A_28 : memref<1x128xi32, #tpu.memory_space<vmem>> -> memref<128xi32, #tpu.memory_space<vmem>>
    %dma_start3A_30 = tpu.memref_slice %arg3[%add3A_25] : memref<16384xi32, #tpu.memory_space<hbm>> -> memref<128xi32, #tpu.memory_space<hbm>>
    %dma_start3A_31 = arith.constant 0 : i32
    %dma_start3A_32 = tpu.memref_slice %arg6[%dma_start3A_26, %dma_start3A_31] : memref<4x128xi32, #tpu.memory_space<vmem>> -> memref<1x128xi32, #tpu.memory_space<vmem>>
    %dma_start3A_33 = tpu.memref_squeeze %dma_start3A_32 : memref<1x128xi32, #tpu.memory_space<vmem>> -> memref<128xi32, #tpu.memory_space<vmem>>
    %dma_start3A_34 = tpu.memref_slice %arg3[%add3A_25] : memref<16384xi32, #tpu.memory_space<hbm>> -> memref<128xi32, #tpu.memory_space<hbm>>
    tpu.enqueue_dma source(%dma_start3A_34 : memref<128xi32, #tpu.memory_space<hbm>>) target(%dma_start3A_33 : memref<128xi32, #tpu.memory_space<vmem>>) target_semaphore(%arg10 : memref<!tpu.dma_semaphore, #tpu.memory_space<semaphore_mem>>)
    %add3A_35 = arith.constant 384 : i32
    %add3A_36 = arith.addi %mul3A_2, %add3A_35 : i32
    %dma_start3A_37 = arith.constant 3 : i32
    %dma_start3A_38 = arith.constant 0 : i32
    %dma_start3A_39 = tpu.memref_slice %arg6[%dma_start3A_37, %dma_start3A_38] : memref<4x128xi32, #tpu.memory_space<vmem>> -> memref<1x128xi32, #tpu.memory_space<vmem>>
    %dma_start3A_40 = tpu.memref_squeeze %dma_start3A_39 : memref<1x128xi32, #tpu.memory_space<vmem>> -> memref<128xi32, #tpu.memory_space<vmem>>
    %dma_start3A_41 = tpu.memref_slice %arg3[%add3A_36] : memref<16384xi32, #tpu.memory_space<hbm>> -> memref<128xi32, #tpu.memory_space<hbm>>
    %dma_start3A_42 = arith.constant 0 : i32
    %dma_start3A_43 = tpu.memref_slice %arg6[%dma_start3A_37, %dma_start3A_42] : memref<4x128xi32, #tpu.memory_space<vmem>> -> memref<1x128xi32, #tpu.memory_space<vmem>>
    %dma_start3A_44 = tpu.memref_squeeze %dma_start3A_43 : memref<1x128xi32, #tpu.memory_space<vmem>> -> memref<128xi32, #tpu.memory_space<vmem>>
    %dma_start3A_45 = tpu.memref_slice %arg3[%add3A_36] : memref<16384xi32, #tpu.memory_space<hbm>> -> memref<128xi32, #tpu.memory_space<hbm>>
    tpu.enqueue_dma source(%dma_start3A_45 : memref<128xi32, #tpu.memory_space<hbm>>) target(%dma_start3A_44 : memref<128xi32, #tpu.memory_space<vmem>>) target_semaphore(%arg10 : memref<!tpu.dma_semaphore, #tpu.memory_space<semaphore_mem>>)
    %dma_start3A_46 = tpu.memref_slice %arg3[%mul3A_2] : memref<16384xi32, #tpu.memory_space<hbm>> -> memref<512xi32, #tpu.memory_space<hbm>>
    %dma_start3A_47 = tpu.memref_slice %arg3[%mul3A_2] : memref<16384xi32, #tpu.memory_space<hbm>> -> memref<512xi32, #tpu.memory_space<hbm>>
    tpu.enqueue_dma source(%dma_start3A_47 : memref<512xi32, #tpu.memory_space<hbm>>) target(%arg7 : memref<512xi32, #tpu.memory_space<vmem>>) target_semaphore(%arg10 : memref<!tpu.dma_semaphore, #tpu.memory_space<semaphore_mem>>)
    %dma_wait3A = arith.constant 0 : i32
    %dma_wait3A_48 = arith.constant 0 : i32
    %dma_wait3A_49 = tpu.memref_slice %arg6[%dma_wait3A, %dma_wait3A_48] : memref<4x128xi32, #tpu.memory_space<vmem>> -> memref<1x128xi32, #tpu.memory_space<vmem>>
    %dma_wait3A_50 = tpu.memref_squeeze %dma_wait3A_49 : memref<1x128xi32, #tpu.memory_space<vmem>> -> memref<128xi32, #tpu.memory_space<vmem>>
    %dma_wait3A_51 = tpu.memref_slice %arg3[%add3A_4] : memref<16384xi32, #tpu.memory_space<hbm>> -> memref<128xi32, #tpu.memory_space<hbm>>
    %dma_wait3A_52 = arith.constant 0 : i32
    %dma_wait3A_53 = tpu.memref_slice %arg6[%dma_wait3A, %dma_wait3A_52] : memref<4x128xi32, #tpu.memory_space<vmem>> -> memref<1x128xi32, #tpu.memory_space<vmem>>
    %dma_wait3A_54 = tpu.memref_squeeze %dma_wait3A_53 : memref<1x128xi32, #tpu.memory_space<vmem>> -> memref<128xi32, #tpu.memory_space<vmem>>
    %dma_wait3A_55 = tpu.memref_slice %arg3[%add3A_4] : memref<16384xi32, #tpu.memory_space<hbm>> -> memref<128xi32, #tpu.memory_space<hbm>>
    tpu.wait_dma2 semaphore(%arg10 : memref<!tpu.dma_semaphore, #tpu.memory_space<semaphore_mem>>) src(%dma_wait3A_55 : memref<128xi32, #tpu.memory_space<hbm>>) dst(%dma_wait3A_54 : memref<128xi32, #tpu.memory_space<vmem>>)
    %dma_wait3A_56 = arith.constant 1 : i32
    %dma_wait3A_57 = arith.constant 0 : i32
    %dma_wait3A_58 = tpu.memref_slice %arg6[%dma_wait3A_56, %dma_wait3A_57] : memref<4x128xi32, #tpu.memory_space<vmem>> -> memref<1x128xi32, #tpu.memory_space<vmem>>
    %dma_wait3A_59 = tpu.memref_squeeze %dma_wait3A_58 : memref<1x128xi32, #tpu.memory_space<vmem>> -> memref<128xi32, #tpu.memory_space<vmem>>
    %dma_wait3A_60 = tpu.memref_slice %arg3[%add3A_14] : memref<16384xi32, #tpu.memory_space<hbm>> -> memref<128xi32, #tpu.memory_space<hbm>>
    %dma_wait3A_61 = arith.constant 0 : i32
    %dma_wait3A_62 = tpu.memref_slice %arg6[%dma_wait3A_56, %dma_wait3A_61] : memref<4x128xi32, #tpu.memory_space<vmem>> -> memref<1x128xi32, #tpu.memory_space<vmem>>
    %dma_wait3A_63 = tpu.memref_squeeze %dma_wait3A_62 : memref<1x128xi32, #tpu.memory_space<vmem>> -> memref<128xi32, #tpu.memory_space<vmem>>
    %dma_wait3A_64 = tpu.memref_slice %arg3[%add3A_14] : memref<16384xi32, #tpu.memory_space<hbm>> -> memref<128xi32, #tpu.memory_space<hbm>>
    tpu.wait_dma2 semaphore(%arg10 : memref<!tpu.dma_semaphore, #tpu.memory_space<semaphore_mem>>) src(%dma_wait3A_64 : memref<128xi32, #tpu.memory_space<hbm>>) dst(%dma_wait3A_63 : memref<128xi32, #tpu.memory_space<vmem>>)
    %dma_wait3A_65 = arith.constant 2 : i32
    %dma_wait3A_66 = arith.constant 0 : i32
    %dma_wait3A_67 = tpu.memref_slice %arg6[%dma_wait3A_65, %dma_wait3A_66] : memref<4x128xi32, #tpu.memory_space<vmem>> -> memref<1x128xi32, #tpu.memory_space<vmem>>
    %dma_wait3A_68 = tpu.memref_squeeze %dma_wait3A_67 : memref<1x128xi32, #tpu.memory_space<vmem>> -> memref<128xi32, #tpu.memory_space<vmem>>
    %dma_wait3A_69 = tpu.memref_slice %arg3[%add3A_25] : memref<16384xi32, #tpu.memory_space<hbm>> -> memref<128xi32, #tpu.memory_space<hbm>>
    %dma_wait3A_70 = arith.constant 0 : i32
    %dma_wait3A_71 = tpu.memref_slice %arg6[%dma_wait3A_65, %dma_wait3A_70] : memref<4x128xi32, #tpu.memory_space<vmem>> -> memref<1x128xi32, #tpu.memory_space<vmem>>
    %dma_wait3A_72 = tpu.memref_squeeze %dma_wait3A_71 : memref<1x128xi32, #tpu.memory_space<vmem>> -> memref<128xi32, #tpu.memory_space<vmem>>
    %dma_wait3A_73 = tpu.memref_slice %arg3[%add3A_25] : memref<16384xi32, #tpu.memory_space<hbm>> -> memref<128xi32, #tpu.memory_space<hbm>>
    tpu.wait_dma2 semaphore(%arg10 : memref<!tpu.dma_semaphore, #tpu.memory_space<semaphore_mem>>) src(%dma_wait3A_73 : memref<128xi32, #tpu.memory_space<hbm>>) dst(%dma_wait3A_72 : memref<128xi32, #tpu.memory_space<vmem>>)
    %dma_wait3A_74 = arith.constant 3 : i32
    %dma_wait3A_75 = arith.constant 0 : i32
    %dma_wait3A_76 = tpu.memref_slice %arg6[%dma_wait3A_74, %dma_wait3A_75] : memref<4x128xi32, #tpu.memory_space<vmem>> -> memref<1x128xi32, #tpu.memory_space<vmem>>
    %dma_wait3A_77 = tpu.memref_squeeze %dma_wait3A_76 : memref<1x128xi32, #tpu.memory_space<vmem>> -> memref<128xi32, #tpu.memory_space<vmem>>
    %dma_wait3A_78 = tpu.memref_slice %arg3[%add3A_36] : memref<16384xi32, #tpu.memory_space<hbm>> -> memref<128xi32, #tpu.memory_space<hbm>>
    %dma_wait3A_79 = arith.constant 0 : i32
    %dma_wait3A_80 = tpu.memref_slice %arg6[%dma_wait3A_74, %dma_wait3A_79] : memref<4x128xi32, #tpu.memory_space<vmem>> -> memref<1x128xi32, #tpu.memory_space<vmem>>
    %dma_wait3A_81 = tpu.memref_squeeze %dma_wait3A_80 : memref<1x128xi32, #tpu.memory_space<vmem>> -> memref<128xi32, #tpu.memory_space<vmem>>
    %dma_wait3A_82 = tpu.memref_slice %arg3[%add3A_36] : memref<16384xi32, #tpu.memory_space<hbm>> -> memref<128xi32, #tpu.memory_space<hbm>>
    tpu.wait_dma2 semaphore(%arg10 : memref<!tpu.dma_semaphore, #tpu.memory_space<semaphore_mem>>) src(%dma_wait3A_82 : memref<128xi32, #tpu.memory_space<hbm>>) dst(%dma_wait3A_81 : memref<128xi32, #tpu.memory_space<vmem>>)
    %dma_wait3A_83 = tpu.memref_slice %arg3[%mul3A_2] : memref<16384xi32, #tpu.memory_space<hbm>> -> memref<512xi32, #tpu.memory_space<hbm>>
    %dma_wait3A_84 = tpu.memref_slice %arg3[%mul3A_2] : memref<16384xi32, #tpu.memory_space<hbm>> -> memref<512xi32, #tpu.memory_space<hbm>>
    tpu.wait_dma2 semaphore(%arg10 : memref<!tpu.dma_semaphore, #tpu.memory_space<semaphore_mem>>) src(%dma_wait3A_84 : memref<512xi32, #tpu.memory_space<hbm>>) dst(%arg7 : memref<512xi32, #tpu.memory_space<vmem>>)
    %scan3A = arith.constant 0 : i32
    %scan3A_85 = arith.constant 0 : i32
    %scan3A_86 = arith.constant 32 : i32
    %scan3A_87 = arith.addi %scan3A_85, %scan3A_86 : i32
    %scan3A_88 = arith.constant 1 : i32
    scf.for %scan3A_326 = %scan3A_85 to %scan3A_87 step %scan3A_88  : i32 {
      %mul3A_327 = arith.constant 16 : i32
      %mul3A_328 = arith.muli %scan3A_326, %mul3A_327 : i32
      %get3A = arith.index_cast %mul3A_328 : i32 to index
      %get3A_329 = tpu.vector_load %arg7[%get3A] {strides = array<i32>} : memref<512xi32, #tpu.memory_space<vmem>>, vector<16xi32>,
      %get3A_330 = vector.shape_cast %get3A_329 : vector<16xi32> to vector<16xi32>
      %slice3A = vector.extract_strided_slice %get3A_330 {offsets = [0], sizes = [1], strides = [1]} : vector<16xi32> to vector<1xi32>
      %squeeze3A = vector.extract %slice3A[0] : i32 from vector<1xi32>
      %add3A_331 = arith.constant 0 : i32
      %add3A_332 = arith.addi %mul3A_328, %add3A_331 : i32
      %dma_start3A_333 = arith.constant 0 : i32
      %dma_start3A_334 = tpu.memref_slice %arg9[%add3A_332, %dma_start3A_333] : memref<512x10xf32, #tpu.memory_space<vmem>> -> memref<1x10xf32, #tpu.memory_space<vmem>>
      %dma_start3A_335 = arith.constant 128 : i32
      %dma_start3A_336 = tpu.memref_slice %arg2[%squeeze3A, %dma_start3A_335] : memref<100000x138xf32, #tpu.memory_space<hbm>> -> memref<1x10xf32, #tpu.memory_space<hbm>>
      %dma_start3A_337 = arith.constant 0 : i32
      %dma_start3A_338 = tpu.memref_slice %arg9[%add3A_332, %dma_start3A_337] : memref<512x10xf32, #tpu.memory_space<vmem>> -> memref<1x10xf32, #tpu.memory_space<vmem>>
      %dma_start3A_339 = arith.constant 128 : i32
      %dma_start3A_340 = tpu.memref_slice %arg2[%squeeze3A, %dma_start3A_339] : memref<100000x138xf32, #tpu.memory_space<hbm>> -> memref<1x10xf32, #tpu.memory_space<hbm>>
      tpu.enqueue_dma source(%dma_start3A_340 : memref<1x10xf32, #tpu.memory_space<hbm>>) target(%dma_start3A_338 : memref<1x10xf32, #tpu.memory_space<vmem>>) target_semaphore(%arg12 : memref<!tpu.dma_semaphore, #tpu.memory_space<semaphore_mem>>)
      %slice3A_341 = vector.extract_strided_slice %get3A_330 {offsets = [1], sizes = [1], strides = [1]} : vector<16xi32> to vector<1xi32>
      %squeeze3A_342 = vector.extract %slice3A_341[0] : i32 from vector<1xi32>
      %add3A_343 = arith.constant 1 : i32
      %add3A_344 = arith.addi %mul3A_328, %add3A_343 : i32
      %dma_start3A_345 = arith.constant 0 : i32
      %dma_start3A_346 = tpu.memref_slice %arg9[%add3A_344, %dma_start3A_345] : memref<512x10xf32, #tpu.memory_space<vmem>> -> memref<1x10xf32, #tpu.memory_space<vmem>>
      %dma_start3A_347 = arith.constant 128 : i32
      %dma_start3A_348 = tpu.memref_slice %arg2[%squeeze3A_342, %dma_start3A_347] : memref<100000x138xf32, #tpu.memory_space<hbm>> -> memref<1x10xf32, #tpu.memory_space<hbm>>
      %dma_start3A_349 = arith.constant 0 : i32
      %dma_start3A_350 = tpu.memref_slice %arg9[%add3A_344, %dma_start3A_349] : memref<512x10xf32, #tpu.memory_space<vmem>> -> memref<1x10xf32, #tpu.memory_space<vmem>>
      %dma_start3A_351 = arith.constant 128 : i32
      %dma_start3A_352 = tpu.memref_slice %arg2[%squeeze3A_342, %dma_start3A_351] : memref<100000x138xf32, #tpu.memory_space<hbm>> -> memref<1x10xf32, #tpu.memory_space<hbm>>
      tpu.enqueue_dma source(%dma_start3A_352 : memref<1x10xf32, #tpu.memory_space<hbm>>) target(%dma_start3A_350 : memref<1x10xf32, #tpu.memory_space<vmem>>) target_semaphore(%arg12 : memref<!tpu.dma_semaphore, #tpu.memory_space<semaphore_mem>>)
      %slice3A_353 = vector.extract_strided_slice %get3A_330 {offsets = [2], sizes = [1], strides = [1]} : vector<16xi32> to vector<1xi32>
      %squeeze3A_354 = vector.extract %slice3A_353[0] : i32 from vector<1xi32>
      %add3A_355 = arith.constant 2 : i32
      %add3A_356 = arith.addi %mul3A_328, %add3A_355 : i32
      %dma_start3A_357 = arith.constant 0 : i32
      %dma_start3A_358 = tpu.memref_slice %arg9[%add3A_356, %dma_start3A_357] : memref<512x10xf32, #tpu.memory_space<vmem>> -> memref<1x10xf32, #tpu.memory_space<vmem>>
      %dma_start3A_359 = arith.constant 128 : i32
      %dma_start3A_360 = tpu.memref_slice %arg2[%squeeze3A_354, %dma_start3A_359] : memref<100000x138xf32, #tpu.memory_space<hbm>> -> memref<1x10xf32, #tpu.memory_space<hbm>>
      %dma_start3A_361 = arith.constant 0 : i32
      %dma_start3A_362 = tpu.memref_slice %arg9[%add3A_356, %dma_start3A_361] : memref<512x10xf32, #tpu.memory_space<vmem>> -> memref<1x10xf32, #tpu.memory_space<vmem>>
      %dma_start3A_363 = arith.constant 128 : i32
      %dma_start3A_364 = tpu.memref_slice %arg2[%squeeze3A_354, %dma_start3A_363] : memref<100000x138xf32, #tpu.memory_space<hbm>> -> memref<1x10xf32, #tpu.memory_space<hbm>>
      tpu.enqueue_dma source(%dma_start3A_364 : memref<1x10xf32, #tpu.memory_space<hbm>>) target(%dma_start3A_362 : memref<1x10xf32, #tpu.memory_space<vmem>>) target_semaphore(%arg12 : memref<!tpu.dma_semaphore, #tpu.memory_space<semaphore_mem>>)
      %slice3A_365 = vector.extract_strided_slice %get3A_330 {offsets = [3], sizes = [1], strides = [1]} : vector<16xi32> to vector<1xi32>
      %squeeze3A_366 = vector.extract %slice3A_365[0] : i32 from vector<1xi32>
      %add3A_367 = arith.constant 3 : i32
      %add3A_368 = arith.addi %mul3A_328, %add3A_367 : i32
      %dma_start3A_369 = arith.constant 0 : i32
      %dma_start3A_370 = tpu.memref_slice %arg9[%add3A_368, %dma_start3A_369] : memref<512x10xf32, #tpu.memory_space<vmem>> -> memref<1x10xf32, #tpu.memory_space<vmem>>
      %dma_start3A_371 = arith.constant 128 : i32
      %dma_start3A_372 = tpu.memref_slice %arg2[%squeeze3A_366, %dma_start3A_371] : memref<100000x138xf32, #tpu.memory_space<hbm>> -> memref<1x10xf32, #tpu.memory_space<hbm>>
      %dma_start3A_373 = arith.constant 0 : i32
      %dma_start3A_374 = tpu.memref_slice %arg9[%add3A_368, %dma_start3A_373] : memref<512x10xf32, #tpu.memory_space<vmem>> -> memref<1x10xf32, #tpu.memory_space<vmem>>
      %dma_start3A_375 = arith.constant 128 : i32
      %dma_start3A_376 = tpu.memref_slice %arg2[%squeeze3A_366, %dma_start3A_375] : memref<100000x138xf32, #tpu.memory_space<hbm>> -> memref<1x10xf32, #tpu.memory_space<hbm>>
      tpu.enqueue_dma source(%dma_start3A_376 : memref<1x10xf32, #tpu.memory_space<hbm>>) target(%dma_start3A_374 : memref<1x10xf32, #tpu.memory_space<vmem>>) target_semaphore(%arg12 : memref<!tpu.dma_semaphore, #tpu.memory_space<semaphore_mem>>)
      %slice3A_377 = vector.extract_strided_slice %get3A_330 {offsets = [4], sizes = [1], strides = [1]} : vector<16xi32> to vector<1xi32>
      %squeeze3A_378 = vector.extract %slice3A_377[0] : i32 from vector<1xi32>
      %add3A_379 = arith.constant 4 : i32
      %add3A_380 = arith.addi %mul3A_328, %add3A_379 : i32
      %dma_start3A_381 = arith.constant 0 : i32
      %dma_start3A_382 = tpu.memref_slice %arg9[%add3A_380, %dma_start3A_381] : memref<512x10xf32, #tpu.memory_space<vmem>> -> memref<1x10xf32, #tpu.memory_space<vmem>>
      %dma_start3A_383 = arith.constant 128 : i32
      %dma_start3A_384 = tpu.memref_slice %arg2[%squeeze3A_378, %dma_start3A_383] : memref<100000x138xf32, #tpu.memory_space<hbm>> -> memref<1x10xf32, #tpu.memory_space<hbm>>
      %dma_start3A_385 = arith.constant 0 : i32
      %dma_start3A_386 = tpu.memref_slice %arg9[%add3A_380, %dma_start3A_385] : memref<512x10xf32, #tpu.memory_space<vmem>> -> memref<1x10xf32, #tpu.memory_space<vmem>>
      %dma_start3A_387 = arith.constant 128 : i32
      %dma_start3A_388 = tpu.memref_slice %arg2[%squeeze3A_378, %dma_start3A_387] : memref<100000x138xf32, #tpu.memory_space<hbm>> -> memref<1x10xf32, #tpu.memory_space<hbm>>
      tpu.enqueue_dma source(%dma_start3A_388 : memref<1x10xf32, #tpu.memory_space<hbm>>) target(%dma_start3A_386 : memref<1x10xf32, #tpu.memory_space<vmem>>) target_semaphore(%arg12 : memref<!tpu.dma_semaphore, #tpu.memory_space<semaphore_mem>>)
      %slice3A_389 = vector.extract_strided_slice %get3A_330 {offsets = [5], sizes = [1], strides = [1]} : vector<16xi32> to vector<1xi32>
      %squeeze3A_390 = vector.extract %slice3A_389[0] : i32 from vector<1xi32>
      %add3A_391 = arith.constant 5 : i32
      %add3A_392 = arith.addi %mul3A_328, %add3A_391 : i32
      %dma_start3A_393 = arith.constant 0 : i32
      %dma_start3A_394 = tpu.memref_slice %arg9[%add3A_392, %dma_start3A_393] : memref<512x10xf32, #tpu.memory_space<vmem>> -> memref<1x10xf32, #tpu.memory_space<vmem>>
      %dma_start3A_395 = arith.constant 128 : i32
      %dma_start3A_396 = tpu.memref_slice %arg2[%squeeze3A_390, %dma_start3A_395] : memref<100000x138xf32, #tpu.memory_space<hbm>> -> memref<1x10xf32, #tpu.memory_space<hbm>>
      %dma_start3A_397 = arith.constant 0 : i32
      %dma_start3A_398 = tpu.memref_slice %arg9[%add3A_392, %dma_start3A_397] : memref<512x10xf32, #tpu.memory_space<vmem>> -> memref<1x10xf32, #tpu.memory_space<vmem>>
      %dma_start3A_399 = arith.constant 128 : i32
      %dma_start3A_400 = tpu.memref_slice %arg2[%squeeze3A_390, %dma_start3A_399] : memref<100000x138xf32, #tpu.memory_space<hbm>> -> memref<1x10xf32, #tpu.memory_space<hbm>>
      tpu.enqueue_dma source(%dma_start3A_400 : memref<1x10xf32, #tpu.memory_space<hbm>>) target(%dma_start3A_398 : memref<1x10xf32, #tpu.memory_space<vmem>>) target_semaphore(%arg12 : memref<!tpu.dma_semaphore, #tpu.memory_space<semaphore_mem>>)
      %slice3A_401 = vector.extract_strided_slice %get3A_330 {offsets = [6], sizes = [1], strides = [1]} : vector<16xi32> to vector<1xi32>
      %squeeze3A_402 = vector.extract %slice3A_401[0] : i32 from vector<1xi32>
      %add3A_403 = arith.constant 6 : i32
      %add3A_404 = arith.addi %mul3A_328, %add3A_403 : i32
      %dma_start3A_405 = arith.constant 0 : i32
      %dma_start3A_406 = tpu.memref_slice %arg9[%add3A_404, %dma_start3A_405] : memref<512x10xf32, #tpu.memory_space<vmem>> -> memref<1x10xf32, #tpu.memory_space<vmem>>
      %dma_start3A_407 = arith.constant 128 : i32
      %dma_start3A_408 = tpu.memref_slice %arg2[%squeeze3A_402, %dma_start3A_407] : memref<100000x138xf32, #tpu.memory_space<hbm>> -> memref<1x10xf32, #tpu.memory_space<hbm>>
      %dma_start3A_409 = arith.constant 0 : i32
      %dma_start3A_410 = tpu.memref_slice %arg9[%add3A_404, %dma_start3A_409] : memref<512x10xf32, #tpu.memory_space<vmem>> -> memref<1x10xf32, #tpu.memory_space<vmem>>
      %dma_start3A_411 = arith.constant 128 : i32
      %dma_start3A_412 = tpu.memref_slice %arg2[%squeeze3A_402, %dma_start3A_411] : memref<100000x138xf32, #tpu.memory_space<hbm>> -> memref<1x10xf32, #tpu.memory_space<hbm>>
      tpu.enqueue_dma source(%dma_start3A_412 : memref<1x10xf32, #tpu.memory_space<hbm>>) target(%dma_start3A_410 : memref<1x10xf32, #tpu.memory_space<vmem>>) target_semaphore(%arg12 : memref<!tpu.dma_semaphore, #tpu.memory_space<semaphore_mem>>)
      %slice3A_413 = vector.extract_strided_slice %get3A_330 {offsets = [7], sizes = [1], strides = [1]} : vector<16xi32> to vector<1xi32>
      %squeeze3A_414 = vector.extract %slice3A_413[0] : i32 from vector<1xi32>
      %add3A_415 = arith.constant 7 : i32
      %add3A_416 = arith.addi %mul3A_328, %add3A_415 : i32
      %dma_start3A_417 = arith.constant 0 : i32
      %dma_start3A_418 = tpu.memref_slice %arg9[%add3A_416, %dma_start3A_417] : memref<512x10xf32, #tpu.memory_space<vmem>> -> memref<1x10xf32, #tpu.memory_space<vmem>>
      %dma_start3A_419 = arith.constant 128 : i32
      %dma_start3A_420 = tpu.memref_slice %arg2[%squeeze3A_414, %dma_start3A_419] : memref<100000x138xf32, #tpu.memory_space<hbm>> -> memref<1x10xf32, #tpu.memory_space<hbm>>
      %dma_start3A_421 = arith.constant 0 : i32
      %dma_start3A_422 = tpu.memref_slice %arg9[%add3A_416, %dma_start3A_421] : memref<512x10xf32, #tpu.memory_space<vmem>> -> memref<1x10xf32, #tpu.memory_space<vmem>>
      %dma_start3A_423 = arith.constant 128 : i32
      %dma_start3A_424 = tpu.memref_slice %arg2[%squeeze3A_414, %dma_start3A_423] : memref<100000x138xf32, #tpu.memory_space<hbm>> -> memref<1x10xf32, #tpu.memory_space<hbm>>
      tpu.enqueue_dma source(%dma_start3A_424 : memref<1x10xf32, #tpu.memory_space<hbm>>) target(%dma_start3A_422 : memref<1x10xf32, #tpu.memory_space<vmem>>) target_semaphore(%arg12 : memref<!tpu.dma_semaphore, #tpu.memory_space<semaphore_mem>>)
      %slice3A_425 = vector.extract_strided_slice %get3A_330 {offsets = [8], sizes = [1], strides = [1]} : vector<16xi32> to vector<1xi32>
      %squeeze3A_426 = vector.extract %slice3A_425[0] : i32 from vector<1xi32>
      %add3A_427 = arith.constant 8 : i32
      %add3A_428 = arith.addi %mul3A_328, %add3A_427 : i32
      %dma_start3A_429 = arith.constant 0 : i32
      %dma_start3A_430 = tpu.memref_slice %arg9[%add3A_428, %dma_start3A_429] : memref<512x10xf32, #tpu.memory_space<vmem>> -> memref<1x10xf32, #tpu.memory_space<vmem>>
      %dma_start3A_431 = arith.constant 128 : i32
      %dma_start3A_432 = tpu.memref_slice %arg2[%squeeze3A_426, %dma_start3A_431] : memref<100000x138xf32, #tpu.memory_space<hbm>> -> memref<1x10xf32, #tpu.memory_space<hbm>>
      %dma_start3A_433 = arith.constant 0 : i32
      %dma_start3A_434 = tpu.memref_slice %arg9[%add3A_428, %dma_start3A_433] : memref<512x10xf32, #tpu.memory_space<vmem>> -> memref<1x10xf32, #tpu.memory_space<vmem>>
      %dma_start3A_435 = arith.constant 128 : i32
      %dma_start3A_436 = tpu.memref_slice %arg2[%squeeze3A_426, %dma_start3A_435] : memref<100000x138xf32, #tpu.memory_space<hbm>> -> memref<1x10xf32, #tpu.memory_space<hbm>>
      tpu.enqueue_dma source(%dma_start3A_436 : memref<1x10xf32, #tpu.memory_space<hbm>>) target(%dma_start3A_434 : memref<1x10xf32, #tpu.memory_space<vmem>>) target_semaphore(%arg12 : memref<!tpu.dma_semaphore, #tpu.memory_space<semaphore_mem>>)
      %slice3A_437 = vector.extract_strided_slice %get3A_330 {offsets = [9], sizes = [1], strides = [1]} : vector<16xi32> to vector<1xi32>
      %squeeze3A_438 = vector.extract %slice3A_437[0] : i32 from vector<1xi32>
      %add3A_439 = arith.constant 9 : i32
      %add3A_440 = arith.addi %mul3A_328, %add3A_439 : i32
      %dma_start3A_441 = arith.constant 0 : i32
      %dma_start3A_442 = tpu.memref_slice %arg9[%add3A_440, %dma_start3A_441] : memref<512x10xf32, #tpu.memory_space<vmem>> -> memref<1x10xf32, #tpu.memory_space<vmem>>
      %dma_start3A_443 = arith.constant 128 : i32
      %dma_start3A_444 = tpu.memref_slice %arg2[%squeeze3A_438, %dma_start3A_443] : memref<100000x138xf32, #tpu.memory_space<hbm>> -> memref<1x10xf32, #tpu.memory_space<hbm>>
      %dma_start3A_445 = arith.constant 0 : i32
      %dma_start3A_446 = tpu.memref_slice %arg9[%add3A_440, %dma_start3A_445] : memref<512x10xf32, #tpu.memory_space<vmem>> -> memref<1x10xf32, #tpu.memory_space<vmem>>
      %dma_start3A_447 = arith.constant 128 : i32
      %dma_start3A_448 = tpu.memref_slice %arg2[%squeeze3A_438, %dma_start3A_447] : memref<100000x138xf32, #tpu.memory_space<hbm>> -> memref<1x10xf32, #tpu.memory_space<hbm>>
      tpu.enqueue_dma source(%dma_start3A_448 : memref<1x10xf32, #tpu.memory_space<hbm>>) target(%dma_start3A_446 : memref<1x10xf32, #tpu.memory_space<vmem>>) target_semaphore(%arg12 : memref<!tpu.dma_semaphore, #tpu.memory_space<semaphore_mem>>)
      %slice3A_449 = vector.extract_strided_slice %get3A_330 {offsets = [10], sizes = [1], strides = [1]} : vector<16xi32> to vector<1xi32>
      %squeeze3A_450 = vector.extract %slice3A_449[0] : i32 from vector<1xi32>
      %add3A_451 = arith.constant 10 : i32
      %add3A_452 = arith.addi %mul3A_328, %add3A_451 : i32
      %dma_start3A_453 = arith.constant 0 : i32
      %dma_start3A_454 = tpu.memref_slice %arg9[%add3A_452, %dma_start3A_453] : memref<512x10xf32, #tpu.memory_space<vmem>> -> memref<1x10xf32, #tpu.memory_space<vmem>>
      %dma_start3A_455 = arith.constant 128 : i32
      %dma_start3A_456 = tpu.memref_slice %arg2[%squeeze3A_450, %dma_start3A_455] : memref<100000x138xf32, #tpu.memory_space<hbm>> -> memref<1x10xf32, #tpu.memory_space<hbm>>
      %dma_start3A_457 = arith.constant 0 : i32
      %dma_start3A_458 = tpu.memref_slice %arg9[%add3A_452, %dma_start3A_457] : memref<512x10xf32, #tpu.memory_space<vmem>> -> memref<1x10xf32, #tpu.memory_space<vmem>>
      %dma_start3A_459 = arith.constant 128 : i32
      %dma_start3A_460 = tpu.memref_slice %arg2[%squeeze3A_450, %dma_start3A_459] : memref<100000x138xf32, #tpu.memory_space<hbm>> -> memref<1x10xf32, #tpu.memory_space<hbm>>
      tpu.enqueue_dma source(%dma_start3A_460 : memref<1x10xf32, #tpu.memory_space<hbm>>) target(%dma_start3A_458 : memref<1x10xf32, #tpu.memory_space<vmem>>) target_semaphore(%arg12 : memref<!tpu.dma_semaphore, #tpu.memory_space<semaphore_mem>>)
      %slice3A_461 = vector.extract_strided_slice %get3A_330 {offsets = [11], sizes = [1], strides = [1]} : vector<16xi32> to vector<1xi32>
      %squeeze3A_462 = vector.extract %slice3A_461[0] : i32 from vector<1xi32>
      %add3A_463 = arith.constant 11 : i32
      %add3A_464 = arith.addi %mul3A_328, %add3A_463 : i32
      %dma_start3A_465 = arith.constant 0 : i32
      %dma_start3A_466 = tpu.memref_slice %arg9[%add3A_464, %dma_start3A_465] : memref<512x10xf32, #tpu.memory_space<vmem>> -> memref<1x10xf32, #tpu.memory_space<vmem>>
      %dma_start3A_467 = arith.constant 128 : i32
      %dma_start3A_468 = tpu.memref_slice %arg2[%squeeze3A_462, %dma_start3A_467] : memref<100000x138xf32, #tpu.memory_space<hbm>> -> memref<1x10xf32, #tpu.memory_space<hbm>>
      %dma_start3A_469 = arith.constant 0 : i32
      %dma_start3A_470 = tpu.memref_slice %arg9[%add3A_464, %dma_start3A_469] : memref<512x10xf32, #tpu.memory_space<vmem>> -> memref<1x10xf32, #tpu.memory_space<vmem>>
      %dma_start3A_471 = arith.constant 128 : i32
      %dma_start3A_472 = tpu.memref_slice %arg2[%squeeze3A_462, %dma_start3A_471] : memref<100000x138xf32, #tpu.memory_space<hbm>> -> memref<1x10xf32, #tpu.memory_space<hbm>>
      tpu.enqueue_dma source(%dma_start3A_472 : memref<1x10xf32, #tpu.memory_space<hbm>>) target(%dma_start3A_470 : memref<1x10xf32, #tpu.memory_space<vmem>>) target_semaphore(%arg12 : memref<!tpu.dma_semaphore, #tpu.memory_space<semaphore_mem>>)
      %slice3A_473 = vector.extract_strided_slice %get3A_330 {offsets = [12], sizes = [1], strides = [1]} : vector<16xi32> to vector<1xi32>
      %squeeze3A_474 = vector.extract %slice3A_473[0] : i32 from vector<1xi32>
      %add3A_475 = arith.constant 12 : i32
      %add3A_476 = arith.addi %mul3A_328, %add3A_475 : i32
      %dma_start3A_477 = arith.constant 0 : i32
      %dma_start3A_478 = tpu.memref_slice %arg9[%add3A_476, %dma_start3A_477] : memref<512x10xf32, #tpu.memory_space<vmem>> -> memref<1x10xf32, #tpu.memory_space<vmem>>
      %dma_start3A_479 = arith.constant 128 : i32
      %dma_start3A_480 = tpu.memref_slice %arg2[%squeeze3A_474, %dma_start3A_479] : memref<100000x138xf32, #tpu.memory_space<hbm>> -> memref<1x10xf32, #tpu.memory_space<hbm>>
      %dma_start3A_481 = arith.constant 0 : i32
      %dma_start3A_482 = tpu.memref_slice %arg9[%add3A_476, %dma_start3A_481] : memref<512x10xf32, #tpu.memory_space<vmem>> -> memref<1x10xf32, #tpu.memory_space<vmem>>
      %dma_start3A_483 = arith.constant 128 : i32
      %dma_start3A_484 = tpu.memref_slice %arg2[%squeeze3A_474, %dma_start3A_483] : memref<100000x138xf32, #tpu.memory_space<hbm>> -> memref<1x10xf32, #tpu.memory_space<hbm>>
      tpu.enqueue_dma source(%dma_start3A_484 : memref<1x10xf32, #tpu.memory_space<hbm>>) target(%dma_start3A_482 : memref<1x10xf32, #tpu.memory_space<vmem>>) target_semaphore(%arg12 : memref<!tpu.dma_semaphore, #tpu.memory_space<semaphore_mem>>)
      %slice3A_485 = vector.extract_strided_slice %get3A_330 {offsets = [13], sizes = [1], strides = [1]} : vector<16xi32> to vector<1xi32>
      %squeeze3A_486 = vector.extract %slice3A_485[0] : i32 from vector<1xi32>
      %add3A_487 = arith.constant 13 : i32
      %add3A_488 = arith.addi %mul3A_328, %add3A_487 : i32
      %dma_start3A_489 = arith.constant 0 : i32
      %dma_start3A_490 = tpu.memref_slice %arg9[%add3A_488, %dma_start3A_489] : memref<512x10xf32, #tpu.memory_space<vmem>> -> memref<1x10xf32, #tpu.memory_space<vmem>>
      %dma_start3A_491 = arith.constant 128 : i32
      %dma_start3A_492 = tpu.memref_slice %arg2[%squeeze3A_486, %dma_start3A_491] : memref<100000x138xf32, #tpu.memory_space<hbm>> -> memref<1x10xf32, #tpu.memory_space<hbm>>
      %dma_start3A_493 = arith.constant 0 : i32
      %dma_start3A_494 = tpu.memref_slice %arg9[%add3A_488, %dma_start3A_493] : memref<512x10xf32, #tpu.memory_space<vmem>> -> memref<1x10xf32, #tpu.memory_space<vmem>>
      %dma_start3A_495 = arith.constant 128 : i32
      %dma_start3A_496 = tpu.memref_slice %arg2[%squeeze3A_486, %dma_start3A_495] : memref<100000x138xf32, #tpu.memory_space<hbm>> -> memref<1x10xf32, #tpu.memory_space<hbm>>
      tpu.enqueue_dma source(%dma_start3A_496 : memref<1x10xf32, #tpu.memory_space<hbm>>) target(%dma_start3A_494 : memref<1x10xf32, #tpu.memory_space<vmem>>) target_semaphore(%arg12 : memref<!tpu.dma_semaphore, #tpu.memory_space<semaphore_mem>>)
      %slice3A_497 = vector.extract_strided_slice %get3A_330 {offsets = [14], sizes = [1], strides = [1]} : vector<16xi32> to vector<1xi32>
      %squeeze3A_498 = vector.extract %slice3A_497[0] : i32 from vector<1xi32>
      %add3A_499 = arith.constant 14 : i32
      %add3A_500 = arith.addi %mul3A_328, %add3A_499 : i32
      %dma_start3A_501 = arith.constant 0 : i32
      %dma_start3A_502 = tpu.memref_slice %arg9[%add3A_500, %dma_start3A_501] : memref<512x10xf32, #tpu.memory_space<vmem>> -> memref<1x10xf32, #tpu.memory_space<vmem>>
      %dma_start3A_503 = arith.constant 128 : i32
      %dma_start3A_504 = tpu.memref_slice %arg2[%squeeze3A_498, %dma_start3A_503] : memref<100000x138xf32, #tpu.memory_space<hbm>> -> memref<1x10xf32, #tpu.memory_space<hbm>>
      %dma_start3A_505 = arith.constant 0 : i32
      %dma_start3A_506 = tpu.memref_slice %arg9[%add3A_500, %dma_start3A_505] : memref<512x10xf32, #tpu.memory_space<vmem>> -> memref<1x10xf32, #tpu.memory_space<vmem>>
      %dma_start3A_507 = arith.constant 128 : i32
      %dma_start3A_508 = tpu.memref_slice %arg2[%squeeze3A_498, %dma_start3A_507] : memref<100000x138xf32, #tpu.memory_space<hbm>> -> memref<1x10xf32, #tpu.memory_space<hbm>>
      tpu.enqueue_dma source(%dma_start3A_508 : memref<1x10xf32, #tpu.memory_space<hbm>>) target(%dma_start3A_506 : memref<1x10xf32, #tpu.memory_space<vmem>>) target_semaphore(%arg12 : memref<!tpu.dma_semaphore, #tpu.memory_space<semaphore_mem>>)
      %slice3A_509 = vector.extract_strided_slice %get3A_330 {offsets = [15], sizes = [1], strides = [1]} : vector<16xi32> to vector<1xi32>
      %squeeze3A_510 = vector.extract %slice3A_509[0] : i32 from vector<1xi32>
      %add3A_511 = arith.constant 15 : i32
      %add3A_512 = arith.addi %mul3A_328, %add3A_511 : i32
      %dma_start3A_513 = arith.constant 0 : i32
      %dma_start3A_514 = tpu.memref_slice %arg9[%add3A_512, %dma_start3A_513] : memref<512x10xf32, #tpu.memory_space<vmem>> -> memref<1x10xf32, #tpu.memory_space<vmem>>
      %dma_start3A_515 = arith.constant 128 : i32
      %dma_start3A_516 = tpu.memref_slice %arg2[%squeeze3A_510, %dma_start3A_515] : memref<100000x138xf32, #tpu.memory_space<hbm>> -> memref<1x10xf32, #tpu.memory_space<hbm>>
      %dma_start3A_517 = arith.constant 0 : i32
      %dma_start3A_518 = tpu.memref_slice %arg9[%add3A_512, %dma_start3A_517] : memref<512x10xf32, #tpu.memory_space<vmem>> -> memref<1x10xf32, #tpu.memory_space<vmem>>
      %dma_start3A_519 = arith.constant 128 : i32
      %dma_start3A_520 = tpu.memref_slice %arg2[%squeeze3A_510, %dma_start3A_519] : memref<100000x138xf32, #tpu.memory_space<hbm>> -> memref<1x10xf32, #tpu.memory_space<hbm>>
      tpu.enqueue_dma source(%dma_start3A_520 : memref<1x10xf32, #tpu.memory_space<hbm>>) target(%dma_start3A_518 : memref<1x10xf32, #tpu.memory_space<vmem>>) target_semaphore(%arg12 : memref<!tpu.dma_semaphore, #tpu.memory_space<semaphore_mem>>)
    }
    %scan3A_89 = arith.constant 32 : i32
    %dma_start3A_90 = arith.constant 0 : i32
    %dma_start3A_91 = arith.constant 0 : i32
    %dma_start3A_92 = arith.constant 0 : i32
    %dma_start3A_93 = arith.constant 0 : i32
    %dma_start3A_94 = tpu.memref_slice %arg8[%dma_start3A_91, %dma_start3A_92, %dma_start3A_93] : memref<3x128x128xf32, #tpu.memory_space<vmem>> -> memref<1x128x128xf32, #tpu.memory_space<vmem>>
    %dma_start3A_95 = tpu.memref_squeeze %dma_start3A_94 : memref<1x128x128xf32, #tpu.memory_space<vmem>> -> memref<128x128xf32, #tpu.memory_space<vmem>>
    %dma_start3A_96 = arith.constant 0 : i32
    %dma_start3A_97 = tpu.memref_slice %arg6[%dma_start3A_90, %dma_start3A_96] : memref<4x128xi32, #tpu.memory_space<vmem>> -> memref<1x128xi32, #tpu.memory_space<vmem>>
    %dma_start3A_98 = tpu.memref_squeeze %dma_start3A_97 : memref<1x128xi32, #tpu.memory_space<vmem>> -> memref<128xi32, #tpu.memory_space<vmem>>
    %dma_start3A_99 = arith.constant 0 : i32
    %dma_start3A_100 = arith.constant 0 : i32
    %dma_start3A_101 = tpu.memref_slice %arg2[%dma_start3A_99, %dma_start3A_100] : memref<100000x138xf32, #tpu.memory_space<hbm>> -> memref<100000x128xf32, #tpu.memory_space<hbm>>
    %dma_start3A_102 = arith.constant 0 : i32
    %dma_start3A_103 = arith.constant 0 : i32
    %dma_start3A_104 = tpu.memref_slice %dma_start3A_101[%dma_start3A_102, %dma_start3A_103] : memref<100000x128xf32, #tpu.memory_space<hbm>> -> memref<100000x128xf32, #tpu.memory_space<hbm>>
    tpu.enqueue_indirect_dma source(%dma_start3A_104 : memref<100000x128xf32, #tpu.memory_space<hbm>>) target(%dma_start3A_95 : memref<128x128xf32, #tpu.memory_space<vmem>>) offsets(%dma_start3A_98 : memref<128xi32, #tpu.memory_space<vmem>>) semaphore(%arg11 : memref<!tpu.dma_semaphore, #tpu.memory_space<semaphore_mem>>)
    %dma_start3A_105 = arith.constant 1 : i32
    %dma_start3A_106 = arith.constant 1 : i32
    %dma_start3A_107 = arith.constant 0 : i32
    %dma_start3A_108 = arith.constant 0 : i32
    %dma_start3A_109 = tpu.memref_slice %arg8[%dma_start3A_106, %dma_start3A_107, %dma_start3A_108] : memref<3x128x128xf32, #tpu.memory_space<vmem>> -> memref<1x128x128xf32, #tpu.memory_space<vmem>>
    %dma_start3A_110 = tpu.memref_squeeze %dma_start3A_109 : memref<1x128x128xf32, #tpu.memory_space<vmem>> -> memref<128x128xf32, #tpu.memory_space<vmem>>
    %dma_start3A_111 = arith.constant 0 : i32
    %dma_start3A_112 = tpu.memref_slice %arg6[%dma_start3A_105, %dma_start3A_111] : memref<4x128xi32, #tpu.memory_space<vmem>> -> memref<1x128xi32, #tpu.memory_space<vmem>>
    %dma_start3A_113 = tpu.memref_squeeze %dma_start3A_112 : memref<1x128xi32, #tpu.memory_space<vmem>> -> memref<128xi32, #tpu.memory_space<vmem>>
    %dma_start3A_114 = arith.constant 0 : i32
    %dma_start3A_115 = arith.constant 0 : i32
    %dma_start3A_116 = tpu.memref_slice %arg2[%dma_start3A_114, %dma_start3A_115] : memref<100000x138xf32, #tpu.memory_space<hbm>> -> memref<100000x128xf32, #tpu.memory_space<hbm>>
    %dma_start3A_117 = arith.constant 0 : i32
    %dma_start3A_118 = arith.constant 0 : i32
    %dma_start3A_119 = tpu.memref_slice %dma_start3A_116[%dma_start3A_117, %dma_start3A_118] : memref<100000x128xf32, #tpu.memory_space<hbm>> -> memref<100000x128xf32, #tpu.memory_space<hbm>>
    tpu.enqueue_indirect_dma source(%dma_start3A_119 : memref<100000x128xf32, #tpu.memory_space<hbm>>) target(%dma_start3A_110 : memref<128x128xf32, #tpu.memory_space<vmem>>) offsets(%dma_start3A_113 : memref<128xi32, #tpu.memory_space<vmem>>) semaphore(%arg11 : memref<!tpu.dma_semaphore, #tpu.memory_space<semaphore_mem>>)
    %dma_start3A_120 = arith.constant 2 : i32
    %dma_start3A_121 = arith.constant 2 : i32
    %dma_start3A_122 = arith.constant 0 : i32
    %dma_start3A_123 = arith.constant 0 : i32
    %dma_start3A_124 = tpu.memref_slice %arg8[%dma_start3A_121, %dma_start3A_122, %dma_start3A_123] : memref<3x128x128xf32, #tpu.memory_space<vmem>> -> memref<1x128x128xf32, #tpu.memory_space<vmem>>
    %dma_start3A_125 = tpu.memref_squeeze %dma_start3A_124 : memref<1x128x128xf32, #tpu.memory_space<vmem>> -> memref<128x128xf32, #tpu.memory_space<vmem>>
    %dma_start3A_126 = arith.constant 0 : i32
    %dma_start3A_127 = tpu.memref_slice %arg6[%dma_start3A_120, %dma_start3A_126] : memref<4x128xi32, #tpu.memory_space<vmem>> -> memref<1x128xi32, #tpu.memory_space<vmem>>
    %dma_start3A_128 = tpu.memref_squeeze %dma_start3A_127 : memref<1x128xi32, #tpu.memory_space<vmem>> -> memref<128xi32, #tpu.memory_space<vmem>>
    %dma_start3A_129 = arith.constant 0 : i32
    %dma_start3A_130 = arith.constant 0 : i32
    %dma_start3A_131 = tpu.memref_slice %arg2[%dma_start3A_129, %dma_start3A_130] : memref<100000x138xf32, #tpu.memory_space<hbm>> -> memref<100000x128xf32, #tpu.memory_space<hbm>>
    %dma_start3A_132 = arith.constant 0 : i32
    %dma_start3A_133 = arith.constant 0 : i32
    %dma_start3A_134 = tpu.memref_slice %dma_start3A_131[%dma_start3A_132, %dma_start3A_133] : memref<100000x128xf32, #tpu.memory_space<hbm>> -> memref<100000x128xf32, #tpu.memory_space<hbm>>
    tpu.enqueue_indirect_dma source(%dma_start3A_134 : memref<100000x128xf32, #tpu.memory_space<hbm>>) target(%dma_start3A_125 : memref<128x128xf32, #tpu.memory_space<vmem>>) offsets(%dma_start3A_128 : memref<128xi32, #tpu.memory_space<vmem>>) semaphore(%arg11 : memref<!tpu.dma_semaphore, #tpu.memory_space<semaphore_mem>>)
    %dma_wait3A_135 = arith.constant 0 : i32
    %dma_wait3A_136 = arith.constant 0 : i32
    %dma_wait3A_137 = arith.constant 0 : i32
    %dma_wait3A_138 = arith.constant 0 : i32
    %dma_wait3A_139 = tpu.memref_slice %arg8[%dma_wait3A_136, %dma_wait3A_137, %dma_wait3A_138] : memref<3x128x128xf32, #tpu.memory_space<vmem>> -> memref<1x128x128xf32, #tpu.memory_space<vmem>>
    %dma_wait3A_140 = tpu.memref_squeeze %dma_wait3A_139 : memref<1x128x128xf32, #tpu.memory_space<vmem>> -> memref<128x128xf32, #tpu.memory_space<vmem>>
    %dma_wait3A_141 = arith.constant 0 : i32
    %dma_wait3A_142 = tpu.memref_slice %arg6[%dma_wait3A_135, %dma_wait3A_141] : memref<4x128xi32, #tpu.memory_space<vmem>> -> memref<1x128xi32, #tpu.memory_space<vmem>>
    %dma_wait3A_143 = tpu.memref_squeeze %dma_wait3A_142 : memref<1x128xi32, #tpu.memory_space<vmem>> -> memref<128xi32, #tpu.memory_space<vmem>>
    %dma_wait3A_144 = arith.constant 0 : i32
    %dma_wait3A_145 = arith.constant 0 : i32
    %dma_wait3A_146 = tpu.memref_slice %arg2[%dma_wait3A_144, %dma_wait3A_145] : memref<100000x138xf32, #tpu.memory_space<hbm>> -> memref<100000x128xf32, #tpu.memory_space<hbm>>
    %dma_wait3A_147 = arith.constant 0 : i32
    %dma_wait3A_148 = arith.constant 0 : i32
    %dma_wait3A_149 = tpu.memref_slice %dma_wait3A_146[%dma_wait3A_147, %dma_wait3A_148] : memref<100000x128xf32, #tpu.memory_space<hbm>> -> memref<100000x128xf32, #tpu.memory_space<hbm>>
    tpu.wait_indirect_dma semaphore(%arg11 : memref<!tpu.dma_semaphore, #tpu.memory_space<semaphore_mem>>) src(%dma_wait3A_149 : memref<100000x128xf32, #tpu.memory_space<hbm>>) dst(%dma_wait3A_140 : memref<128x128xf32, #tpu.memory_space<vmem>>)
    %add3A_150 = arith.constant 0 : i32
    %add3A_151 = arith.addi %mul3A_2, %add3A_150 : i32
    %dma_start3A_152 = arith.constant 0 : i32
    %dma_start3A_153 = arith.constant 0 : i32
    %dma_start3A_154 = arith.constant 0 : i32
    %dma_start3A_155 = tpu.memref_slice %arg8[%dma_start3A_152, %dma_start3A_153, %dma_start3A_154] : memref<3x128x128xf32, #tpu.memory_space<vmem>> -> memref<1x128x128xf32, #tpu.memory_space<vmem>>
    %dma_start3A_156 = tpu.memref_squeeze %dma_start3A_155 : memref<1x128x128xf32, #tpu.memory_space<vmem>> -> memref<128x128xf32, #tpu.memory_space<vmem>>
    %dma_start3A_157 = arith.constant 0 : i32
    %dma_start3A_158 = tpu.memref_slice %arg4[%add3A_151, %dma_start3A_157] : memref<16384x128xf32, #tpu.memory_space<hbm>> -> memref<128x128xf32, #tpu.memory_space<hbm>>
    %dma_start3A_159 = arith.constant 0 : i32
    %dma_start3A_160 = tpu.memref_slice %arg4[%add3A_151, %dma_start3A_159] : memref<16384x128xf32, #tpu.memory_space<hbm>> -> memref<128x128xf32, #tpu.memory_space<hbm>>
    %dma_start3A_161 = arith.constant 0 : i32
    %dma_start3A_162 = arith.constant 0 : i32
    %dma_start3A_163 = tpu.memref_slice %arg8[%dma_start3A_152, %dma_start3A_161, %dma_start3A_162] : memref<3x128x128xf32, #tpu.memory_space<vmem>> -> memref<1x128x128xf32, #tpu.memory_space<vmem>>
    %dma_start3A_164 = tpu.memref_squeeze %dma_start3A_163 : memref<1x128x128xf32, #tpu.memory_space<vmem>> -> memref<128x128xf32, #tpu.memory_space<vmem>>
    tpu.enqueue_dma source(%dma_start3A_164 : memref<128x128xf32, #tpu.memory_space<vmem>>) target(%dma_start3A_160 : memref<128x128xf32, #tpu.memory_space<hbm>>) target_semaphore(%arg13 : memref<!tpu.dma_semaphore, #tpu.memory_space<semaphore_mem>>)
    %dma_wait3A_165 = arith.constant 1 : i32
    %dma_wait3A_166 = arith.constant 1 : i32
    %dma_wait3A_167 = arith.constant 0 : i32
    %dma_wait3A_168 = arith.constant 0 : i32
    %dma_wait3A_169 = tpu.memref_slice %arg8[%dma_wait3A_166, %dma_wait3A_167, %dma_wait3A_168] : memref<3x128x128xf32, #tpu.memory_space<vmem>> -> memref<1x128x128xf32, #tpu.memory_space<vmem>>
    %dma_wait3A_170 = tpu.memref_squeeze %dma_wait3A_169 : memref<1x128x128xf32, #tpu.memory_space<vmem>> -> memref<128x128xf32, #tpu.memory_space<vmem>>
    %dma_wait3A_171 = arith.constant 0 : i32
    %dma_wait3A_172 = tpu.memref_slice %arg6[%dma_wait3A_165, %dma_wait3A_171] : memref<4x128xi32, #tpu.memory_space<vmem>> -> memref<1x128xi32, #tpu.memory_space<vmem>>
    %dma_wait3A_173 = tpu.memref_squeeze %dma_wait3A_172 : memref<1x128xi32, #tpu.memory_space<vmem>> -> memref<128xi32, #tpu.memory_space<vmem>>
    %dma_wait3A_174 = arith.constant 0 : i32
    %dma_wait3A_175 = arith.constant 0 : i32
    %dma_wait3A_176 = tpu.memref_slice %arg2[%dma_wait3A_174, %dma_wait3A_175] : memref<100000x138xf32, #tpu.memory_space<hbm>> -> memref<100000x128xf32, #tpu.memory_space<hbm>>
    %dma_wait3A_177 = arith.constant 0 : i32
    %dma_wait3A_178 = arith.constant 0 : i32
    %dma_wait3A_179 = tpu.memref_slice %dma_wait3A_176[%dma_wait3A_177, %dma_wait3A_178] : memref<100000x128xf32, #tpu.memory_space<hbm>> -> memref<100000x128xf32, #tpu.memory_space<hbm>>
    tpu.wait_indirect_dma semaphore(%arg11 : memref<!tpu.dma_semaphore, #tpu.memory_space<semaphore_mem>>) src(%dma_wait3A_179 : memref<100000x128xf32, #tpu.memory_space<hbm>>) dst(%dma_wait3A_170 : memref<128x128xf32, #tpu.memory_space<vmem>>)
    %add3A_180 = arith.constant 128 : i32
    %add3A_181 = arith.addi %mul3A_2, %add3A_180 : i32
    %dma_start3A_182 = arith.constant 1 : i32
    %dma_start3A_183 = arith.constant 0 : i32
    %dma_start3A_184 = arith.constant 0 : i32
    %dma_start3A_185 = tpu.memref_slice %arg8[%dma_start3A_182, %dma_start3A_183, %dma_start3A_184] : memref<3x128x128xf32, #tpu.memory_space<vmem>> -> memref<1x128x128xf32, #tpu.memory_space<vmem>>
    %dma_start3A_186 = tpu.memref_squeeze %dma_start3A_185 : memref<1x128x128xf32, #tpu.memory_space<vmem>> -> memref<128x128xf32, #tpu.memory_space<vmem>>
    %dma_start3A_187 = arith.constant 0 : i32
    %dma_start3A_188 = tpu.memref_slice %arg4[%add3A_181, %dma_start3A_187] : memref<16384x128xf32, #tpu.memory_space<hbm>> -> memref<128x128xf32, #tpu.memory_space<hbm>>
    %dma_start3A_189 = arith.constant 0 : i32
    %dma_start3A_190 = tpu.memref_slice %arg4[%add3A_181, %dma_start3A_189] : memref<16384x128xf32, #tpu.memory_space<hbm>> -> memref<128x128xf32, #tpu.memory_space<hbm>>
    %dma_start3A_191 = arith.constant 0 : i32
    %dma_start3A_192 = arith.constant 0 : i32
    %dma_start3A_193 = tpu.memref_slice %arg8[%dma_start3A_182, %dma_start3A_191, %dma_start3A_192] : memref<3x128x128xf32, #tpu.memory_space<vmem>> -> memref<1x128x128xf32, #tpu.memory_space<vmem>>
    %dma_start3A_194 = tpu.memref_squeeze %dma_start3A_193 : memref<1x128x128xf32, #tpu.memory_space<vmem>> -> memref<128x128xf32, #tpu.memory_space<vmem>>
    tpu.enqueue_dma source(%dma_start3A_194 : memref<128x128xf32, #tpu.memory_space<vmem>>) target(%dma_start3A_190 : memref<128x128xf32, #tpu.memory_space<hbm>>) target_semaphore(%arg13 : memref<!tpu.dma_semaphore, #tpu.memory_space<semaphore_mem>>)
    %dma_wait3A_195 = arith.constant 0 : i32
    %dma_wait3A_196 = arith.constant 0 : i32
    %dma_wait3A_197 = arith.constant 0 : i32
    %dma_wait3A_198 = tpu.memref_slice %arg8[%dma_wait3A_195, %dma_wait3A_196, %dma_wait3A_197] : memref<3x128x128xf32, #tpu.memory_space<vmem>> -> memref<1x128x128xf32, #tpu.memory_space<vmem>>
    %dma_wait3A_199 = tpu.memref_squeeze %dma_wait3A_198 : memref<1x128x128xf32, #tpu.memory_space<vmem>> -> memref<128x128xf32, #tpu.memory_space<vmem>>
    %dma_wait3A_200 = arith.constant 0 : i32
    %dma_wait3A_201 = tpu.memref_slice %arg4[%add3A_151, %dma_wait3A_200] : memref<16384x128xf32, #tpu.memory_space<hbm>> -> memref<128x128xf32, #tpu.memory_space<hbm>>
    %dma_wait3A_202 = arith.constant 0 : i32
    %dma_wait3A_203 = tpu.memref_slice %arg4[%add3A_151, %dma_wait3A_202] : memref<16384x128xf32, #tpu.memory_space<hbm>> -> memref<128x128xf32, #tpu.memory_space<hbm>>
    %dma_wait3A_204 = arith.constant 0 : i32
    %dma_wait3A_205 = arith.constant 0 : i32
    %dma_wait3A_206 = tpu.memref_slice %arg8[%dma_wait3A_195, %dma_wait3A_204, %dma_wait3A_205] : memref<3x128x128xf32, #tpu.memory_space<vmem>> -> memref<1x128x128xf32, #tpu.memory_space<vmem>>
    %dma_wait3A_207 = tpu.memref_squeeze %dma_wait3A_206 : memref<1x128x128xf32, #tpu.memory_space<vmem>> -> memref<128x128xf32, #tpu.memory_space<vmem>>
    tpu.wait_dma2 semaphore(%arg13 : memref<!tpu.dma_semaphore, #tpu.memory_space<semaphore_mem>>) src(%dma_wait3A_207 : memref<128x128xf32, #tpu.memory_space<vmem>>) dst(%dma_wait3A_203 : memref<128x128xf32, #tpu.memory_space<hbm>>)
    %dma_start3A_208 = arith.constant 3 : i32
    %dma_start3A_209 = arith.constant 0 : i32
    %dma_start3A_210 = arith.constant 0 : i32
    %dma_start3A_211 = arith.constant 0 : i32
    %dma_start3A_212 = tpu.memref_slice %arg8[%dma_start3A_209, %dma_start3A_210, %dma_start3A_211] : memref<3x128x128xf32, #tpu.memory_space<vmem>> -> memref<1x128x128xf32, #tpu.memory_space<vmem>>
    %dma_start3A_213 = tpu.memref_squeeze %dma_start3A_212 : memref<1x128x128xf32, #tpu.memory_space<vmem>> -> memref<128x128xf32, #tpu.memory_space<vmem>>
    %dma_start3A_214 = arith.constant 0 : i32
    %dma_start3A_215 = tpu.memref_slice %arg6[%dma_start3A_208, %dma_start3A_214] : memref<4x128xi32, #tpu.memory_space<vmem>> -> memref<1x128xi32, #tpu.memory_space<vmem>>
    %dma_start3A_216 = tpu.memref_squeeze %dma_start3A_215 : memref<1x128xi32, #tpu.memory_space<vmem>> -> memref<128xi32, #tpu.memory_space<vmem>>
    %dma_start3A_217 = arith.constant 0 : i32
    %dma_start3A_218 = arith.constant 0 : i32
    %dma_start3A_219 = tpu.memref_slice %arg2[%dma_start3A_217, %dma_start3A_218] : memref<100000x138xf32, #tpu.memory_space<hbm>> -> memref<100000x128xf32, #tpu.memory_space<hbm>>
    %dma_start3A_220 = arith.constant 0 : i32
    %dma_start3A_221 = arith.constant 0 : i32
    %dma_start3A_222 = tpu.memref_slice %dma_start3A_219[%dma_start3A_220, %dma_start3A_221] : memref<100000x128xf32, #tpu.memory_space<hbm>> -> memref<100000x128xf32, #tpu.memory_space<hbm>>
    tpu.enqueue_indirect_dma source(%dma_start3A_222 : memref<100000x128xf32, #tpu.memory_space<hbm>>) target(%dma_start3A_213 : memref<128x128xf32, #tpu.memory_space<vmem>>) offsets(%dma_start3A_216 : memref<128xi32, #tpu.memory_space<vmem>>) semaphore(%arg11 : memref<!tpu.dma_semaphore, #tpu.memory_space<semaphore_mem>>)
    %dma_wait3A_223 = arith.constant 2 : i32
    %dma_wait3A_224 = arith.constant 2 : i32
    %dma_wait3A_225 = arith.constant 0 : i32
    %dma_wait3A_226 = arith.constant 0 : i32
    %dma_wait3A_227 = tpu.memref_slice %arg8[%dma_wait3A_224, %dma_wait3A_225, %dma_wait3A_226] : memref<3x128x128xf32, #tpu.memory_space<vmem>> -> memref<1x128x128xf32, #tpu.memory_space<vmem>>
    %dma_wait3A_228 = tpu.memref_squeeze %dma_wait3A_227 : memref<1x128x128xf32, #tpu.memory_space<vmem>> -> memref<128x128xf32, #tpu.memory_space<vmem>>
    %dma_wait3A_229 = arith.constant 0 : i32
    %dma_wait3A_230 = tpu.memref_slice %arg6[%dma_wait3A_223, %dma_wait3A_229] : memref<4x128xi32, #tpu.memory_space<vmem>> -> memref<1x128xi32, #tpu.memory_space<vmem>>
    %dma_wait3A_231 = tpu.memref_squeeze %dma_wait3A_230 : memref<1x128xi32, #tpu.memory_space<vmem>> -> memref<128xi32, #tpu.memory_space<vmem>>
    %dma_wait3A_232 = arith.constant 0 : i32
    %dma_wait3A_233 = arith.constant 0 : i32
    %dma_wait3A_234 = tpu.memref_slice %arg2[%dma_wait3A_232, %dma_wait3A_233] : memref<100000x138xf32, #tpu.memory_space<hbm>> -> memref<100000x128xf32, #tpu.memory_space<hbm>>
    %dma_wait3A_235 = arith.constant 0 : i32
    %dma_wait3A_236 = arith.constant 0 : i32
    %dma_wait3A_237 = tpu.memref_slice %dma_wait3A_234[%dma_wait3A_235, %dma_wait3A_236] : memref<100000x128xf32, #tpu.memory_space<hbm>> -> memref<100000x128xf32, #tpu.memory_space<hbm>>
    tpu.wait_indirect_dma semaphore(%arg11 : memref<!tpu.dma_semaphore, #tpu.memory_space<semaphore_mem>>) src(%dma_wait3A_237 : memref<100000x128xf32, #tpu.memory_space<hbm>>) dst(%dma_wait3A_228 : memref<128x128xf32, #tpu.memory_space<vmem>>)
    %add3A_238 = arith.constant 256 : i32
    %add3A_239 = arith.addi %mul3A_2, %add3A_238 : i32
    %dma_start3A_240 = arith.constant 2 : i32
    %dma_start3A_241 = arith.constant 0 : i32
    %dma_start3A_242 = arith.constant 0 : i32
    %dma_start3A_243 = tpu.memref_slice %arg8[%dma_start3A_240, %dma_start3A_241, %dma_start3A_242] : memref<3x128x128xf32, #tpu.memory_space<vmem>> -> memref<1x128x128xf32, #tpu.memory_space<vmem>>
    %dma_start3A_244 = tpu.memref_squeeze %dma_start3A_243 : memref<1x128x128xf32, #tpu.memory_space<vmem>> -> memref<128x128xf32, #tpu.memory_space<vmem>>
    %dma_start3A_245 = arith.constant 0 : i32
    %dma_start3A_246 = tpu.memref_slice %arg4[%add3A_239, %dma_start3A_245] : memref<16384x128xf32, #tpu.memory_space<hbm>> -> memref<128x128xf32, #tpu.memory_space<hbm>>
    %dma_start3A_247 = arith.constant 0 : i32
    %dma_start3A_248 = tpu.memref_slice %arg4[%add3A_239, %dma_start3A_247] : memref<16384x128xf32, #tpu.memory_space<hbm>> -> memref<128x128xf32, #tpu.memory_space<hbm>>
    %dma_start3A_249 = arith.constant 0 : i32
    %dma_start3A_250 = arith.constant 0 : i32
    %dma_start3A_251 = tpu.memref_slice %arg8[%dma_start3A_240, %dma_start3A_249, %dma_start3A_250] : memref<3x128x128xf32, #tpu.memory_space<vmem>> -> memref<1x128x128xf32, #tpu.memory_space<vmem>>
    %dma_start3A_252 = tpu.memref_squeeze %dma_start3A_251 : memref<1x128x128xf32, #tpu.memory_space<vmem>> -> memref<128x128xf32, #tpu.memory_space<vmem>>
    tpu.enqueue_dma source(%dma_start3A_252 : memref<128x128xf32, #tpu.memory_space<vmem>>) target(%dma_start3A_248 : memref<128x128xf32, #tpu.memory_space<hbm>>) target_semaphore(%arg13 : memref<!tpu.dma_semaphore, #tpu.memory_space<semaphore_mem>>)
    %dma_wait3A_253 = arith.constant 3 : i32
    %dma_wait3A_254 = arith.constant 0 : i32
    %dma_wait3A_255 = arith.constant 0 : i32
    %dma_wait3A_256 = arith.constant 0 : i32
    %dma_wait3A_257 = tpu.memref_slice %arg8[%dma_wait3A_254, %dma_wait3A_255, %dma_wait3A_256] : memref<3x128x128xf32, #tpu.memory_space<vmem>> -> memref<1x128x128xf32, #tpu.memory_space<vmem>>
    %dma_wait3A_258 = tpu.memref_squeeze %dma_wait3A_257 : memref<1x128x128xf32, #tpu.memory_space<vmem>> -> memref<128x128xf32, #tpu.memory_space<vmem>>
    %dma_wait3A_259 = arith.constant 0 : i32
    %dma_wait3A_260 = tpu.memref_slice %arg6[%dma_wait3A_253, %dma_wait3A_259] : memref<4x128xi32, #tpu.memory_space<vmem>> -> memref<1x128xi32, #tpu.memory_space<vmem>>
    %dma_wait3A_261 = tpu.memref_squeeze %dma_wait3A_260 : memref<1x128xi32, #tpu.memory_space<vmem>> -> memref<128xi32, #tpu.memory_space<vmem>>
    %dma_wait3A_262 = arith.constant 0 : i32
    %dma_wait3A_263 = arith.constant 0 : i32
    %dma_wait3A_264 = tpu.memref_slice %arg2[%dma_wait3A_262, %dma_wait3A_263] : memref<100000x138xf32, #tpu.memory_space<hbm>> -> memref<100000x128xf32, #tpu.memory_space<hbm>>
    %dma_wait3A_265 = arith.constant 0 : i32
    %dma_wait3A_266 = arith.constant 0 : i32
    %dma_wait3A_267 = tpu.memref_slice %dma_wait3A_264[%dma_wait3A_265, %dma_wait3A_266] : memref<100000x128xf32, #tpu.memory_space<hbm>> -> memref<100000x128xf32, #tpu.memory_space<hbm>>
    tpu.wait_indirect_dma semaphore(%arg11 : memref<!tpu.dma_semaphore, #tpu.memory_space<semaphore_mem>>) src(%dma_wait3A_267 : memref<100000x128xf32, #tpu.memory_space<hbm>>) dst(%dma_wait3A_258 : memref<128x128xf32, #tpu.memory_space<vmem>>)
    %add3A_268 = arith.constant 384 : i32
    %add3A_269 = arith.addi %mul3A_2, %add3A_268 : i32
    %dma_start3A_270 = arith.constant 0 : i32
    %dma_start3A_271 = arith.constant 0 : i32
    %dma_start3A_272 = arith.constant 0 : i32
    %dma_start3A_273 = tpu.memref_slice %arg8[%dma_start3A_270, %dma_start3A_271, %dma_start3A_272] : memref<3x128x128xf32, #tpu.memory_space<vmem>> -> memref<1x128x128xf32, #tpu.memory_space<vmem>>
    %dma_start3A_274 = tpu.memref_squeeze %dma_start3A_273 : memref<1x128x128xf32, #tpu.memory_space<vmem>> -> memref<128x128xf32, #tpu.memory_space<vmem>>
    %dma_start3A_275 = arith.constant 0 : i32
    %dma_start3A_276 = tpu.memref_slice %arg4[%add3A_269, %dma_start3A_275] : memref<16384x128xf32, #tpu.memory_space<hbm>> -> memref<128x128xf32, #tpu.memory_space<hbm>>
    %dma_start3A_277 = arith.constant 0 : i32
    %dma_start3A_278 = tpu.memref_slice %arg4[%add3A_269, %dma_start3A_277] : memref<16384x128xf32, #tpu.memory_space<hbm>> -> memref<128x128xf32, #tpu.memory_space<hbm>>
    %dma_start3A_279 = arith.constant 0 : i32
    %dma_start3A_280 = arith.constant 0 : i32
    %dma_start3A_281 = tpu.memref_slice %arg8[%dma_start3A_270, %dma_start3A_279, %dma_start3A_280] : memref<3x128x128xf32, #tpu.memory_space<vmem>> -> memref<1x128x128xf32, #tpu.memory_space<vmem>>
    %dma_start3A_282 = tpu.memref_squeeze %dma_start3A_281 : memref<1x128x128xf32, #tpu.memory_space<vmem>> -> memref<128x128xf32, #tpu.memory_space<vmem>>
    tpu.enqueue_dma source(%dma_start3A_282 : memref<128x128xf32, #tpu.memory_space<vmem>>) target(%dma_start3A_278 : memref<128x128xf32, #tpu.memory_space<hbm>>) target_semaphore(%arg13 : memref<!tpu.dma_semaphore, #tpu.memory_space<semaphore_mem>>)
    %dma_wait3A_283 = arith.constant 0 : i32
    %dma_wait3A_284 = tpu.memref_slice %arg5[%mul3A_2, %dma_wait3A_283] : memref<16384x10xf32, #tpu.memory_space<hbm>> -> memref<512x10xf32, #tpu.memory_space<hbm>>
    %dma_wait3A_285 = arith.constant 0 : i32
    %dma_wait3A_286 = tpu.memref_slice %arg5[%mul3A_2, %dma_wait3A_285] : memref<16384x10xf32, #tpu.memory_space<hbm>> -> memref<512x10xf32, #tpu.memory_space<hbm>>
    tpu.wait_dma2 semaphore(%arg12 : memref<!tpu.dma_semaphore, #tpu.memory_space<semaphore_mem>>) src(%dma_wait3A_286 : memref<512x10xf32, #tpu.memory_space<hbm>>) dst(%arg9 : memref<512x10xf32, #tpu.memory_space<vmem>>)
    "tpu.region"() ({
      %run_scoped3A = tpu.sem_alloc : memref<!tpu.dma_semaphore, #tpu.memory_space<semaphore_mem>>
      %dma_start3A_326 = arith.constant 0 : i32
      %dma_start3A_327 = tpu.memref_slice %arg5[%mul3A_2, %dma_start3A_326] : memref<16384x10xf32, #tpu.memory_space<hbm>> -> memref<512x10xf32, #tpu.memory_space<hbm>>
      %dma_start3A_328 = arith.constant 0 : i32
      %dma_start3A_329 = tpu.memref_slice %arg5[%mul3A_2, %dma_start3A_328] : memref<16384x10xf32, #tpu.memory_space<hbm>> -> memref<512x10xf32, #tpu.memory_space<hbm>>
      tpu.enqueue_dma source(%arg9 : memref<512x10xf32, #tpu.memory_space<vmem>>) target(%dma_start3A_329 : memref<512x10xf32, #tpu.memory_space<hbm>>) target_semaphore(%run_scoped3A : memref<!tpu.dma_semaphore, #tpu.memory_space<semaphore_mem>>)
      %dma_wait3A_330 = arith.constant 0 : i32
      %dma_wait3A_331 = tpu.memref_slice %arg5[%mul3A_2, %dma_wait3A_330] : memref<16384x10xf32, #tpu.memory_space<hbm>> -> memref<512x10xf32, #tpu.memory_space<hbm>>
      %dma_wait3A_332 = arith.constant 0 : i32
      %dma_wait3A_333 = tpu.memref_slice %arg5[%mul3A_2, %dma_wait3A_332] : memref<16384x10xf32, #tpu.memory_space<hbm>> -> memref<512x10xf32, #tpu.memory_space<hbm>>
      tpu.wait_dma2 semaphore(%run_scoped3A : memref<!tpu.dma_semaphore, #tpu.memory_space<semaphore_mem>>) src(%arg9 : memref<512x10xf32, #tpu.memory_space<vmem>>) dst(%dma_wait3A_333 : memref<512x10xf32, #tpu.memory_space<hbm>>)
      tpu.yield
    }) : () -> ()
    %dma_wait3A_287 = arith.constant 1 : i32
    %dma_wait3A_288 = arith.constant 0 : i32
    %dma_wait3A_289 = arith.constant 0 : i32
    %dma_wait3A_290 = tpu.memref_slice %arg8[%dma_wait3A_287, %dma_wait3A_288, %dma_wait3A_289] : memref<3x128x128xf32, #tpu.memory_space<vmem>> -> memref<1x128x128xf32, #tpu.memory_space<vmem>>
    %dma_wait3A_291 = tpu.memref_squeeze %dma_wait3A_290 : memref<1x128x128xf32, #tpu.memory_space<vmem>> -> memref<128x128xf32, #tpu.memory_space<vmem>>
    %dma_wait3A_292 = arith.constant 0 : i32
    %dma_wait3A_293 = tpu.memref_slice %arg4[%add3A_181, %dma_wait3A_292] : memref<16384x128xf32, #tpu.memory_space<hbm>> -> memref<128x128xf32, #tpu.memory_space<hbm>>
    %dma_wait3A_294 = arith.constant 0 : i32
    %dma_wait3A_295 = tpu.memref_slice %arg4[%add3A_181, %dma_wait3A_294] : memref<16384x128xf32, #tpu.memory_space<hbm>> -> memref<128x128xf32, #tpu.memory_space<hbm>>
    %dma_wait3A_296 = arith.constant 0 : i32
    %dma_wait3A_297 = arith.constant 0 : i32
    %dma_wait3A_298 = tpu.memref_slice %arg8[%dma_wait3A_287, %dma_wait3A_296, %dma_wait3A_297] : memref<3x128x128xf32, #tpu.memory_space<vmem>> -> memref<1x128x128xf32, #tpu.memory_space<vmem>>
    %dma_wait3A_299 = tpu.memref_squeeze %dma_wait3A_298 : memref<1x128x128xf32, #tpu.memory_space<vmem>> -> memref<128x128xf32, #tpu.memory_space<vmem>>
    tpu.wait_dma2 semaphore(%arg13 : memref<!tpu.dma_semaphore, #tpu.memory_space<semaphore_mem>>) src(%dma_wait3A_299 : memref<128x128xf32, #tpu.memory_space<vmem>>) dst(%dma_wait3A_295 : memref<128x128xf32, #tpu.memory_space<hbm>>)
    %dma_wait3A_300 = arith.constant 2 : i32
    %dma_wait3A_301 = arith.constant 0 : i32
    %dma_wait3A_302 = arith.constant 0 : i32
    %dma_wait3A_303 = tpu.memref_slice %arg8[%dma_wait3A_300, %dma_wait3A_301, %dma_wait3A_302] : memref<3x128x128xf32, #tpu.memory_space<vmem>> -> memref<1x128x128xf32, #tpu.memory_space<vmem>>
    %dma_wait3A_304 = tpu.memref_squeeze %dma_wait3A_303 : memref<1x128x128xf32, #tpu.memory_space<vmem>> -> memref<128x128xf32, #tpu.memory_space<vmem>>
    %dma_wait3A_305 = arith.constant 0 : i32
    %dma_wait3A_306 = tpu.memref_slice %arg4[%add3A_239, %dma_wait3A_305] : memref<16384x128xf32, #tpu.memory_space<hbm>> -> memref<128x128xf32, #tpu.memory_space<hbm>>
    %dma_wait3A_307 = arith.constant 0 : i32
    %dma_wait3A_308 = tpu.memref_slice %arg4[%add3A_239, %dma_wait3A_307] : memref<16384x128xf32, #tpu.memory_space<hbm>> -> memref<128x128xf32, #tpu.memory_space<hbm>>
    %dma_wait3A_309 = arith.constant 0 : i32
    %dma_wait3A_310 = arith.constant 0 : i32
    %dma_wait3A_311 = tpu.memref_slice %arg8[%dma_wait3A_300, %dma_wait3A_309, %dma_wait3A_310] : memref<3x128x128xf32, #tpu.memory_space<vmem>> -> memref<1x128x128xf32, #tpu.memory_space<vmem>>
    %dma_wait3A_312 = tpu.memref_squeeze %dma_wait3A_311 : memref<1x128x128xf32, #tpu.memory_space<vmem>> -> memref<128x128xf32, #tpu.memory_space<vmem>>
    tpu.wait_dma2 semaphore(%arg13 : memref<!tpu.dma_semaphore, #tpu.memory_space<semaphore_mem>>) src(%dma_wait3A_312 : memref<128x128xf32, #tpu.memory_space<vmem>>) dst(%dma_wait3A_308 : memref<128x128xf32, #tpu.memory_space<hbm>>)
    %dma_wait3A_313 = arith.constant 0 : i32
    %dma_wait3A_314 = arith.constant 0 : i32
    %dma_wait3A_315 = arith.constant 0 : i32
    %dma_wait3A_316 = tpu.memref_slice %arg8[%dma_wait3A_313, %dma_wait3A_314, %dma_wait3A_315] : memref<3x128x128xf32, #tpu.memory_space<vmem>> -> memref<1x128x128xf32, #tpu.memory_space<vmem>>
    %dma_wait3A_317 = tpu.memref_squeeze %dma_wait3A_316 : memref<1x128x128xf32, #tpu.memory_space<vmem>> -> memref<128x128xf32, #tpu.memory_space<vmem>>
    %dma_wait3A_318 = arith.constant 0 : i32
    %dma_wait3A_319 = tpu.memref_slice %arg4[%add3A_269, %dma_wait3A_318] : memref<16384x128xf32, #tpu.memory_space<hbm>> -> memref<128x128xf32, #tpu.memory_space<hbm>>
    %dma_wait3A_320 = arith.constant 0 : i32
    %dma_wait3A_321 = tpu.memref_slice %arg4[%add3A_269, %dma_wait3A_320] : memref<16384x128xf32, #tpu.memory_space<hbm>> -> memref<128x128xf32, #tpu.memory_space<hbm>>
    %dma_wait3A_322 = arith.constant 0 : i32
    %dma_wait3A_323 = arith.constant 0 : i32
    %dma_wait3A_324 = tpu.memref_slice %arg8[%dma_wait3A_313, %dma_wait3A_322, %dma_wait3A_323] : memref<3x128x128xf32, #tpu.memory_space<vmem>> -> memref<1x128x128xf32, #tpu.memory_space<vmem>>
    %dma_wait3A_325 = tpu.memref_squeeze %dma_wait3A_324 : memref<1x128x128xf32, #tpu.memory_space<vmem>> -> memref<128x128xf32, #tpu.memory_space<vmem>>
    tpu.wait_dma2 semaphore(%arg13 : memref<!tpu.dma_semaphore, #tpu.memory_space<semaphore_mem>>) src(%dma_wait3A_325 : memref<128x128xf32, #tpu.memory_space<vmem>>) dst(%dma_wait3A_321 : memref<128x128xf32, #tpu.memory_space<hbm>>)
    return
  }
}

</mosaic_0001>

<sc_bundles>
// kernel: kernel.3.cloned.1.call-start
scs
__scs_entry_jumppad:
0x0: {  	(pc) =	sbr.rel $0x88, $3  }
0x1: {  	(tag) =	ssettag $0x0;
	lr =	simm.s32 $0x1  }
0x2: {  	[smem:$0x3F9F] =	sst lr;
	_ =	strace $0xD0000000  }
0x3: {  	_ = 	snop  }
0x4: {  	_ = 	snop  }
0x5: {  	_ = 	snop  }
0x6: {  	_ = 	snop  }
0x7: {  	_ = 	snop  }
__scs_overlays_trampoline_lowered:
0x8: {  	[smem:$0x3FAE] =	sst s0  }
0x9: {  	[smem:$0x3FAF] =	sst s1  }
0xa: {  	[smem:$0x3FB0] =	sst s2  }
0xb: {  	[smem:$0x3FB1] =	sst s3  }
0xc: {  	[smem:$0x3FB2] =	sst s4  }
0xd: {  	[smem:$0x3FB3] =	sst s5  }
0xe: {  	[smem:$0x3FB4] =	sst s6  }
0xf: {  	[smem:$0x3FB5] =	sst s7  }
0x10: {  	[smem:$0x3FB6] =	sst s8  }
0x11: {  	[smem:$0x3FB7] =	sst s9;
	s0 =	simm.s32 @!p0 $0x0  }
0x12: {  	s1 =	sld [smem:$0x3F9D];
	s0 =	simm.s32 @p0 $0x1  }
0x13: {  	[smem:$0x3FB8] =	sst s0;
	s0 =	simm.s32 @!p1 $0x0  }
0x14: {  	s2 =	sld [smem:$0x3F9C];
	s0 =	simm.s32 @p1 $0x1  }
0x15: {  	[smem:$0x3FB9] =	sst s0;
	s0 =	simm.s32 @!p2 $0x0  }
0x16: {  	s3 =	sld [smem:$0x3FDB];
	s0 =	simm.s32 @p2 $0x1  }
0x17: {  	s4 =	simm.s32 $0x1BF5;
	[smem:$0x3FBB] =	sst s0  }
0x18: {  	s0 =	sld [smem:$0x3F9E];
	_ =	swait.ge [sflag:s4], $0x0  }
0x19: {  	s7 =	sld [smem:$0x3F9F]  }
0x1a: {  	s8 =	sadd.s32 $0xFFFFE003, lr  }
0x1b: {  	s9 =	sadd.s32 $0xFFFFFEF7, lr;
	s5 =	simm.s32 $0xFFFFFFFF;
	p2 =	slt.u32 s8, $0xFFFFF086  }
0x1c: {  	p1 =	slt.u32 s9, $0xF7A;
	s5 =	simm.s32 @!p2 $0x0  }
0x1d: {  	s5 =	simm.s32 @p1 $0x1;
	p0 =	seq.s32 s7, s2  }
0x1e: {  	s7 =	smul.u32 @!p0 $0xF7A, s2;
	p2 =	seq.s32 @!p0 s5, $0x0  }
0x1f: {  	s9 =	smul.u32 $0xF7A, s1;
	s8 =	simm.s32 @!p0 $0x1BF5;
	p2 =	por !p2, p0  }
0x20: {  	[sflag:s8] =	ssyncset.s32 @!p0 $0xFFFFF086;
	s6 =	sadd.s32 @!p0 s3, s7;
	s7 =	simm.s32 @!p0 $0x108  }
0x21: {  	s3 =	sadd.s32 s3, s9;
	s6 =	sadd.s32 @!p0 $0x88, s6;
	s7 =	simm.s32 @p2 $0x1082  }
0x22: {  	[simem:s7], [sflag:s8] =	dma.local @!p0 [hbm:s6], $0xF7A  }
0x23: {  	s9 =	sor.u32 $0xD0000000, s2;
	s6 =	simm.s32 $0x108;
	_ =	swait.ge @!p0 [sflag:s8], $0x0  }
0x24: {  	s3 =	sadd.s32 $0x88, s3;
	s6 =	simm.s32 @!p1 $0x1082;
	[sflag:s4] =	ssyncset.s32 $0xFFFFF086  }
0x25: {  	[simem:s6], [sflag:s4] =	dma.local [hbm:s3], $0xF7A  }
0x26: {  	[smem:$0x3F9F] =	sst s1;
	(tag) =	ssettag s2;
	_ =	strace s9  }
0x27: {  	s1 =	sld [smem:$0x3FAF]  }
0x28: {  	s2 =	sld [smem:$0x3FB0]  }
0x29: {  	s4 =	sld [smem:$0x3FB2]  }
0x2a: {  	p0 =	seq.s32 s5, $0x0;
	s5 =	sld [smem:$0x3FB3]  }
0x2b: {  	s6 =	sld [smem:$0x3FB4]  }
0x2c: {  	s7 =	sld [smem:$0x3FB5]  }
0x2d: {  	s3 =	simm.s32 $0x108;
	s8 =	sld [smem:$0x3FB6]  }
0x2e: {  	s3 =	simm.s32 @!p0 $0x1082;
	s9 =	sld [smem:$0x3FB7]  }
0x2f: {  	lr =	sadd.s32 s0, s3;
	s0 =	sld [smem:$0x3FAE]  }
0x30: {  	s3 =	sld [smem:$0x3FB1]  }
0x31: {  	[smem:$0x3FBA] =	sst s10  }
0x32: {  	s10 =	sld [smem:$0x3FB8];
	_ =	sdelay $0x3  }
0x33: {  	p0 =	seq.s32 s10, $0x1;
	s10 =	sld [smem:$0x3FBA];
	_ =	sdelay $0x3  }
0x34: {  	[smem:$0x3FBA] =	sst s10  }
0x35: {  	s10 =	sld [smem:$0x3FB9];
	_ =	sdelay $0x3  }
0x36: {  	p1 =	seq.s32 s10, $0x1;
	s10 =	sld [smem:$0x3FBA];
	_ =	sdelay $0x3  }
0x37: {  	[smem:$0x3FBA] =	sst s10  }
0x38: {  	s10 =	sld [smem:$0x3FBB]  }
0x39: {  	_ = 	snop;
	(pc) =	sbr.ind lr, $3  }
0x3a: {  	_ = 	snop  }
0x3b: {  	_ = 	snop  }
0x3c: {  	p2 =	seq.s32 s10, $0x1;
	s10 =	sld [smem:$0x3FBA]  }
0x3d: {  	_ =	shalt  }
0x3e: {  	_ =	shalt  }
0x3f: {  	_ =	shalt  }
0x40: {  	_ =	shalt  }
0x41: {  	_ =	shalt  }
0x42: {  	_ =	shalt  }
0x43: {  	_ =	shalt  }
0x44: {  	_ =	shalt  }
0x45: {  	_ =	shalt  }
0x46: {  	_ =	shalt  }
0x47: {  	_ =	shalt  }
0x48: {  	_ =	shalt  }
0x49: {  	_ =	shalt  }
0x4a: {  	_ =	shalt  }
0x4b: {  	_ =	shalt  }
0x4c: {  	_ =	shalt  }
0x4d: {  	_ =	shalt  }
0x4e: {  	_ =	shalt  }
0x4f: {  	_ =	shalt  }
0x50: {  	_ =	shalt  }
0x51: {  	_ =	shalt  }
0x52: {  	_ =	shalt  }
0x53: {  	_ =	shalt  }
0x54: {  	_ =	shalt  }
0x55: {  	_ =	shalt  }
0x56: {  	_ =	shalt  }
0x57: {  	_ =	shalt  }
0x58: {  	_ =	shalt  }
0x59: {  	_ =	shalt  }
0x5a: {  	_ =	shalt  }
0x5b: {  	_ =	shalt  }
0x5c: {  	_ =	shalt  }
0x5d: {  	_ =	shalt  }
0x5e: {  	_ =	shalt  }
0x5f: {  	_ =	shalt  }
0x60: {  	_ =	shalt  }
0x61: {  	_ =	shalt  }
0x62: {  	_ =	shalt  }
0x63: {  	_ =	shalt  }
0x64: {  	_ =	shalt  }
0x65: {  	_ =	shalt  }
0x66: {  	_ =	shalt  }
0x67: {  	_ =	shalt  }
0x68: {  	_ =	shalt  }
0x69: {  	_ =	shalt  }
0x6a: {  	_ =	shalt  }
0x6b: {  	_ =	shalt  }
0x6c: {  	_ =	shalt  }
0x6d: {  	_ =	shalt  }
0x6e: {  	_ =	shalt  }
0x6f: {  	_ =	shalt  }
0x70: {  	_ =	shalt  }
0x71: {  	_ =	shalt  }
0x72: {  	_ =	shalt  }
0x73: {  	_ =	shalt  }
0x74: {  	_ =	shalt  }
0x75: {  	_ =	shalt  }
0x76: {  	_ =	shalt  }
0x77: {  	_ =	shalt  }
0x78: {  	_ =	shalt  }
0x79: {  	_ =	shalt  }
0x7a: {  	_ =	shalt  }
0x7b: {  	_ =	shalt  }
0x7c: {  	_ =	shalt  }
0x7d: {  	_ =	shalt  }
0x7e: {  	_ =	shalt  }
0x7f: {  	_ =	shalt  }
0x80: {  	_ =	shalt  }
0x81: {  	_ =	shalt  }
0x82: {  	_ =	shalt  }
0x83: {  	_ =	shalt  }
0x84: {  	_ =	shalt  }
0x85: {  	_ =	shalt  }
0x86: {  	_ =	shalt  }
0x87: {  	_ =	shalt  }
.Lfunc_end0:
.L_simem_size_0:
called_computation_lowered:
.L_overlay_start_0:
0x88: {  	s2 =	sld [smem:$0x3FD9]  }
0x89: {  	s3 =	sld [smem:$0x3FFE];
	_ =	sdelay $0x1  }
0x8a: {  	s1 =	srdreg.scid  }
0x8b: {  	s0 =	sand.u32 $0x1, s1  }
0x8c: {  	s14 =	sshll.u32 s0, $0xA;
	s2 =	sadd.s32 s3, s2  }
0x8d: {  	s2 =	sadd.s32 s2, s14  }
0x8e: {  	[smem:$0x3FC6] =	sst s2  }
0x8f: {  	_ = 	snop  }
0x90: {  	s2 =	sld [smem:$0x3FD0];
	_ =	sdelay $0x2  }
0x91: {  	s4 =	simm.s32 $0xA;
	s5 =	simm.s32 $0x10;
	s15 =	sld [smem:$0x3FC8]  }
0x92: {  	[smem:s5], [sflag:s4] =	dma.local [hbm:s2], $0x1  }
0x93: {  	_ =	swait.eq [sflag:s4], $0x1  }
0x94: {  	[sflag:s4] =	ssyncset.done $0x0  }
0x95: {  	[sflag:s4] =	ssyncadd.s32 $0xFFFFFFFF  }
0x96: {  	s16 =	sld [smem:$0x10];
	(tm) =	ssettm $0x1  }
0x97: {  	s17 =	sld [smem:$0x3FFB];
	_ =	sdelay $0x3  }
0x98: {  	_ =	strace s17  }
0x99: {  	s4 =	sld [smem:$0x3FFC];
	_ =	sdelay $0x3  }
0x9a: {  	_ =	strace s4  }
0x9b: {  	s4 =	sld [smem:$0x3FFD];
	_ =	sdelay $0x3  }
0x9c: {  	_ =	strace s4  }
0x9d: {  	_ =	strace $0x8FFFFFFF  }
0x9e: {  	s18 =	sld [smem:$0x3FDB];
	_ =	sdelay $0x1  }
0x9f: {  	s19 =	simm.s32 $_scs_section_size  }
0xa0: {  	s6 =	simm.s32 $_size__tile_overlayer_lowered;
	s7 =	simm.s32 $_tile_overlayer_lowered  }
0xa1: {  	s22 =	simm.s32 $0x1BFF;
	s21 =	sshll.u32 s7, $0x1;
	s4 =	sadd.s32 s19, s18  }
0xa2: {  	s8 =	simm.s32 $0x0;
	s20 =	sshll.u32 s6, $0x1;
	s6 =	sadd.s32 s21, s4  }
0xa3: {  	[timem:s8], [sflag:s22] =	dma.local [hbm:s6], s20  }
0xa4: {  	_ =	swait.ge [sflag:s22], s20  }
0xa5: {  	s5 =	ssub.s32 $0x0, s20;
	[sflag:s22] =	ssyncset.done $0x0  }
0xa6: {  	[sflag:s22] =	ssyncadd.s32 s5;
	_ =	sdelay $0x1  }
0xa7: {  	s23 =	simm.s32 $0x1B8B  }
0xa8: {  	_ =	swait.ge [sflag:s23], $0x1  }
0xa9: {  	[sflag:s23] =	ssyncset.done $0x0  }
0xaa: {  	s25 =	simm.s32 $0x1B8E;
	s24 =	sld [smem:$0x3FFE];
	[sflag:s23] =	ssyncadd.s32 $0xFFFFFFFF  }
0xab: {  	s26 =	simm.s32 $execute0_lowered;
	[smem:$0x3FD2] =	sst s25  }
0xac: {  	s6 =	sshll.u32 s26, $0x1;
	_ =	strace $0x80000046;
	[dreg:$0x1] =	wrdreg $0xFFFFFFFF  }
0xad: {  	s28 =	simm.s32 $_size_execute0_lowered;
	s4 =	sadd.s32 s4, s6;
	[dreg:$0x0] =	wrdreg $0x0  }
0xae: {  	s6 =	sshll.u32 s28, $0x1;
	[dreg:$0x2] =	wrdreg s4  }
0xaf: {  	[dreg:$0x3] =	wrdreg s6  }
0xb0: {  	[dreg:$0x4] =	wrdreg $0xC0  }
0xb1: {  	_ =	task [dreg:s8], $0x5FFFF  }
0xb2: {  	[dreg:$0x1] =	wrdreg $0xFFFFFFFF  }
0xb3: {  	[dreg:$0x0] =	wrdreg $0x60  }
0xb4: {  	[dreg:$0x2] =	wrdreg s24  }
0xb5: {  	[dreg:$0x3] =	wrdreg s15  }
0xb6: {  	[dreg:$0x4] =	wrdreg s16  }
0xb7: {  	[dreg:$0x5] =	wrdreg $0x9  }
0xb8: {  	_ =	task.clear_ibuf [dreg:s8], $0x6FFFF;
	_ =	strace $0x90000046  }
0xb9: {  	s29 =	simm.s32 $0x9;
	_ =	strace $0x80000048  }
0xba: {  	_ =	swait.ge [sflag:s29], $0x1  }
0xbb: {  	[sflag:s29] =	ssyncadd.s32 $0xFFFFFFFF  }
0xbc: {  	_ =	strace $0x90000048  }
0xbd: {  	_ =	sfence  }
0xbe: {  	s30 =	sld [smem:$0x0];
	_ =	sdelay $0x2  }
0xbf: {  	s31 =	sshll.u32 s1, $0xD;
	s1 =	sshrl.u32 s1, $0x2  }
0xc0: {  	s3 =	sand.u32 $0x4000, s31;
	s1 =	sadd.s32 s1, s30  }
0xc1: {  	s0 =	sor.u32 s3, s0;
	s1 =	sshll.u32 s1, $0x11  }
0xc2: {  	s0 =	sor.u32 s1, s0  }
0xc3: {  	s0 =	sadd.s32 $0x8F2B, s0  }
0xc4: {  	[sflag:s0] =	ssyncadd.remote.s32 $0x1  }
0xc5: {  	_ =	sfence.sel $0xFFFF  }
0xc6: {  	[dreg:$0x0] =	wrdreg $0xFFFFFFFF;
	(pc) =	sbr.abs _section_cstart, $3  }
0xc7: {  	[dreg:$0x1] =	wrdreg $0xFFFFFFFF  }
0xc8: {  	_ =	task.clear_ibuf [dreg:s8], $0x2FFFF;
	_ =	strace $0x9FFFFFFF  }
0xc9: {  	(tm) =	ssettm $0x7FFFFFFF  }
tec
execute0_lowered:
.L_overlay_start_1:
0x0: {  	(tag) =	ssettag $0x1  }
0x1: {  	s0 =	rddreg [dreg:$0x0]  }
0x2: {  	s1 =	rddreg [dreg:$0x1]  }
0x3: {  	s2 =	rddreg [dreg:$0x2];
	s3 =	srdreg.scid  }
0x4: {  	s5 =	simm.s32 $0x0;
	s4 =	stileid.u32;
	s3 =	sand.u32 $0x1, s3  }
0x5: {  	[smem:$0x7FF] =	sst s5;
	s4 =	sshll.u32 s4, $0xA;
	s18 =	sadd.s32 $0x800, s0  }
0x6: {  	s17 =	sshll.u32 s3, $0x9;
	_ =	strace $0x80000047;
	s3 =	ssub.s32 $0x2, s3  }
0x7: {  	[dreg:$0xe] =	wrdreg s18;
	s4 =	sor.u32 s17, s4;
	s6 =	sshrl.u32 s3, $0x1  }
0x8: {  	s19 =	sshll.u32 s4, $0x4;
	s3 =	ssub.s32 s3, s6;
	s20 =	sshrl.u32 s4, $0x3  }
0x9: {  	s21 =	sor.u32 $0x80, s4;
	s8 =	sor.u32 $0x100, s4;
	s6 =	sadd.s32 s1, s20  }
0xa: {  	s7 =	sadd.s32 s19, s0;
	s0 =	sadd.s32 $0x880, s0;
	[dreg:$0xf] =	wrdreg s6  }
0xb: {  	s4 =	sor.u32 $0x180, s4;
	s24 =	sadd.s32 s2, s19;
	[dreg:$0x4] =	wrdreg s0  }
0xc: {  	s9 =	sshrl.u32 s21, $0x3;
	s31 =	smax.u32 s3, $0x1;
	[dreg:$0x13] =	wrdreg s24  }
0xd: {  	s10 =	sshrl.u32 s8, $0x3;
	s9 =	sadd.s32 s1, s9;
	[dreg:$0x18] =	wrdreg s31  }
0xe: {  	v0 =	vimm.s32 $0x7;
	s23 =	sshrl.u32 s4, $0x3;
	s22 =	sadd.s32 s1, s10;
	[dreg:$0x10] =	wrdreg s9  }
0xf: {  	v1 =	vimm.s32 $0x1;
	v2 =	vimm.s32 $0x0;
	v3 =	vlaneseq.u32;
	s25 =	sshll.u32 s21, $0x4;
	s1 =	sadd.s32 s1, s23;
	[dreg:$0x11] =	wrdreg s22  }
0x10: {  	vm0 =	vmmov $0x1;
	v4 =	vimm.s32 $0x2;
	v5 =	vimm.s32 $0x3;
	s26 =	sshll.u32 s8, $0x4;
	s0 =	sadd.s32 s2, s25;
	[dreg:$0x12] =	wrdreg s1  }
0x11: {  	v6 =	vimm.s32 $0x4;
	v7 =	vimm.s32 $0x5;
	v8 =	vimm.s32 $0x6;
	s4 =	sshll.u32 s4, $0x4;
	s28 =	sadd.s32 s2, s26;
	[dreg:$0x14] =	wrdreg s0  }
0x12: {  	v9 =	vimm.s32 $0x8;
	v10 =	vimm.s32 $0x9;
	v11 =	vimm.s32 $0xA;
	s29 =	sadd.s32 s2, s4;
	[dreg:$0x15] =	wrdreg s28  }
0x13: {  	v12 =	vimm.s32 $0xB;
	v13 =	vimm.s32 $0xC;
	v14 =	vimm.s32 $0xD;
	s30 =	sadd.s32 $0x30DC00, s7;
	[dreg:$0x16] =	wrdreg s29  }
0x14: {  	v15 =	vimm.s32 $0xE;
	v16 =	vimm.s32 $0xF;
	v3 =	vmul.u32 $0x8, v3;
	s2 =	simm.s32 $0x0;
	[dreg:$0x17] =	wrdreg s30  }
.LBB2_1:
0x15: {  	[dreg:$0x19] =	wrdreg s2  }
0x16: {  	s24 =	simm.s32 $0x0;
	s1 =	rddreg [dreg:$0xf]  }
0x17: {  	[tilespmem:s24], [sflag:$0x1] =	stream.linear.gather [hbm4b:s1+s24], $0x80, $0x38;
	[tilespmem:$0x1C400] =	vst v63  }
0x18: {  	s0 =	rddreg [dreg:$0x10];
	s31 =	simm.s32 $0x80  }
0x19: {  	[tilespmem:s31], [sflag:$0x1] =	stream.linear.gather [hbm4b:s0+s24], $0x80, $0x38;
	[tilespmem:$0x1C400] =	vst v63  }
0x1a: {  	s2 =	rddreg [dreg:$0x11];
	s3 =	simm.s32 $0x100  }
0x1b: {  	[tilespmem:s3], [sflag:$0x1] =	stream.linear.gather [hbm4b:s2+s24], $0x80, $0x38;
	[tilespmem:$0x1C400] =	vst v63  }
0x1c: {  	s4 =	rddreg [dreg:$0x12];
	s5 =	simm.s32 $0x180  }
0x1d: {  	[tilespmem:s5], [sflag:$0x1] =	stream.linear.gather [hbm4b:s4+s24], $0x80, $0x38;
	[tilespmem:$0x1C400] =	vst v63  }
0x1e: {  	s6 =	simm.s32 $0x200;
	s7 =	simm.s32 $0x1  }
0x1f: {  	[tilespmem:s6], [sflag:$0x1] =	stream.linear.gather [hbm4b:s1+s24], $0x200, $0x38;
	[tilespmem:$0x1C400] =	vst v63  }
0x20: {  	_ =	swait.ge [sflag:s7], $0x80  }
0x21: {  	[sflag:s7] =	ssyncset.done $0x0  }
0x22: {  	[sflag:s7] =	ssyncadd.s32 $0xFFFFFF80  }
0x23: {  	_ =	swait.ge [sflag:s7], $0x80  }
0x24: {  	[sflag:s7] =	ssyncset.done $0x0  }
0x25: {  	[sflag:s7] =	ssyncadd.s32 $0xFFFFFF80  }
0x26: {  	_ =	swait.ge [sflag:s7], $0x80  }
0x27: {  	[sflag:s7] =	ssyncset.done $0x0  }
0x28: {  	[sflag:s7] =	ssyncadd.s32 $0xFFFFFF80  }
0x29: {  	_ =	swait.ge [sflag:s7], $0x80  }
0x2a: {  	[sflag:s7] =	ssyncset.done $0x0  }
0x2b: {  	[sflag:s7] =	ssyncadd.s32 $0xFFFFFF80  }
0x2c: {  	_ =	swait.ge [sflag:s7], $0x200  }
0x2d: {  	[sflag:s7] =	ssyncset.done $0x0  }
0x2e: {  	[sflag:s7] =	ssyncadd.s32 $0xFFFFFE00  }
0x2f: {  	v17 =	vld [tilespmem:s6+$0x0];
	_ =	sdelay $0x4  }
0x30: {  	(v2sf) =	vpush v17, $0xE  }
0x31: {  	(v2sf) =	vpush v17, $0xF  }
0x32: {  	(v2sf) =	vpush v17, $0x2  }
0x33: {  	(v2sf) =	vpush v17, $0x0;
	_ =	sdelay $0x1  }
0x34: {  	(v2sf) =	vpush v17, $0x3  }
0x35: {  	(v2sf) =	vpush v17, $0x4;
	_ =	sdelay $0x1  }
0x36: {  	(v2sf) =	vpush v17, $0x7;
	_ =	sdelay $0x1  }
0x37: {  	(v2sf) =	vpush v17, $0x1;
	_ =	sdelay $0x1  }
0x38: {  	s8 =	simm.s32 $0xC600;
	(v2sf) =	vpush v17, $0x8  }
0x39: {  	s10 =	simm.s32 $0xC880;
	[dreg:$0x7] =	wrdreg s8  }
0x3a: {  	s23 =	simm.s32 $0x2000;
	s11 =	simm.s32 $0xC500;
	[dreg:$0x5] =	wrdreg s10  }
0x3b: {  	s14 =	simm.s32 $0x0;
	[dreg:$0x8] =	wrdreg s11;
	(v2sf) =	vpush v17, $0x5;
	s9 =	spop (v2sf)  }
0x3c: {  	s28 =	simm.s32 $0x210;
	s12 =	spop (v2sf);
	[dreg:$0x6] =	wrdreg s9  }
0x3d: {  	(v2sf) =	vpush v17, $0xC;
	s7 =	sshll.u32 s9, $0x8;
	s9 =	simm.s32 $0xC400;
	s13 =	spop (v2sf)  }
0x3e: {  	s29 =	sshll.u32 s12, $0x8;
	s26 =	sshll.u32 s12, $0x7;
	s16 =	spop (v2sf)  }
0x3f: {  	(v2sf) =	vpush v17, $0x6;
	s15 =	sshll.u32 s13, $0x8;
	s1 =	sshll.u32 s13, $0x7;
	s3 =	sshll.u32 s16, $0x8  }
0x40: {  	s4 =	spop (v2sf);
	s0 =	sand.u32 $0xFFFFF800, s15;
	s1 =	sand.u32 $0x380, s1  }
0x41: {  	s2 =	sshll.u32 s16, $0x7;
	s3 =	sand.u32 $0xFFFFF800, s3;
	s5 =	spop (v2sf)  }
0x42: {  	s6 =	sshll.u32 s4, $0x7;
	s4 =	sshll.u32 s4, $0x8;
	s20 =	sor.u32 s1, s0  }
0x43: {  	s2 =	sand.u32 $0x380, s2;
	s8 =	spop (v2sf);
	s6 =	sand.u32 $0x380, s6  }
0x44: {  	s4 =	sand.u32 $0xFFFFF800, s4;
	s13 =	sshll.u32 s5, $0x7;
	s17 =	sshll.u32 s5, $0x8  }
0x45: {  	s2 =	sor.u32 s2, s3;
	s10 =	spop (v2sf);
	s12 =	sshll.u32 s8, $0x7  }
0x46: {  	s18 =	sor.u32 s6, s4;
	s0 =	sand.u32 $0xFFFFF800, s17;
	s13 =	sand.u32 $0x380, s13  }
0x47: {  	(v2sf) =	vpush v17, $0xD;
	s8 =	sshll.u32 s8, $0x8;
	s2 =	sshrl.u32 s2, $0x3;
	s11 =	spop (v2sf)  }
0x48: {  	s22 =	sshll.u32 s10, $0x7;
	s10 =	sshll.u32 s10, $0x8;
	s12 =	sand.u32 $0x380, s12  }
0x49: {  	(v2sf) =	vpush v17, $0xB;
	s0 =	sor.u32 s13, s0;
	s1 =	sshrl.u32 s18, $0x3;
	s8 =	sand.u32 $0xFFFFF800, s8  }
0x4a: {  	(v2sf) =	vpush v17, $0xA;
	s15 =	sshll.u32 s11, $0x8;
	s11 =	sshll.u32 s11, $0x7;
	s21 =	spop (v2sf)  }
0x4b: {  	s10 =	sand.u32 $0xFFFFF800, s10;
	s5 =	sand.u32 $0x380, s22;
	s22 =	sor.u32 s12, s8  }
0x4c: {  	s25 =	sand.u32 $0xFFFFF800, s15;
	s15 =	spop (v2sf);
	s16 =	sshll.u32 s21, $0x8  }
0x4d: {  	(v2sf) =	vpush v17, $0x9;
	s4 =	sshll.u32 s21, $0x7;
	s30 =	sand.u32 $0x380, s11;
	s5 =	sor.u32 s5, s10  }
0x4e: {  	s22 =	sshrl.u32 s22, $0x3;
	s17 =	spop (v2sf);
	s13 =	sshll.u32 s15, $0x7  }
0x4f: {  	s4 =	sand.u32 $0x380, s4;
	s16 =	sand.u32 $0xFFFFF800, s16;
	s6 =	sor.u32 s30, s25  }
0x50: {  	s8 =	sshrl.u32 s5, $0x3;
	s30 =	simm.s32 $0xC700;
	s19 =	sshll.u32 s17, $0x7  }
0x51: {  	s4 =	sor.u32 s4, s16;
	s18 =	sshll.u32 s17, $0x8;
	s17 =	sshrl.u32 s0, $0x3  }
0x52: {  	s12 =	sshrl.u32 s6, $0x3;
	s10 =	sand.u32 $0x380, s13;
	[dreg:$0xb] =	wrdreg s30  }
0x53: {  	s13 =	simm.s32 $0xC580;
	s21 =	sand.u32 $0xFFFFF800, s18;
	s3 =	sand.u32 $0x380, s19  }
0x54: {  	s5 =	sshrl.u32 s4, $0x3;
	s18 =	rddreg [dreg:$0x4];
	s4 =	sshll.u32 s15, $0x8  }
0x55: {  	s15 =	sand.u32 $0xFFFFF800, s7;
	s21 =	sor.u32 s3, s21;
	s11 =	sadd.s32 s12, s18  }
0x56: {  	s2 =	sadd.s32 s2, s18;
	s18 =	sadd.s32 s5, s18;
	s16 =	spop (v2sf)  }
0x57: {  	[tilespmem:s9], [sflag:$0x3] =	stream.linear.gather [hbm4b:s2+s24], $0x80, $0x38;
	[tilespmem:$0x1C400] =	vst v63  }
0x58: {  	s5 =	sshrl.u32 s20, $0x3;
	s9 =	simm.s32 $0xC480;
	s25 =	spop (v2sf)  }
0x59: {  	s31 =	sshll.u32 s16, $0x7;
	s16 =	sshll.u32 s16, $0x8;
	s19 =	spop (v2sf)  }
0x5a: {  	s12 =	sshll.u32 s25, $0x7;
	s3 =	sshll.u32 s25, $0x8;
	s25 =	simm.s32 $0xC780  }
0x5b: {  	s0 =	sand.u32 $0x380, s31;
	s31 =	simm.s32 $0xCA00;
	[dreg:$0xa] =	wrdreg s25  }
0x5c: {  	s20 =	spop (v2sf);
	[dreg:$0x9] =	wrdreg s31;
	s2 =	sshll.u32 s19, $0x8  }
0x5d: {  	s25 =	simm.s32 $0xC680;
	s24 =	sshll.u32 s20, $0x7;
	s6 =	sshll.u32 s20, $0x8  }
.LBB2_2:
0x5e: {  	s31 =	rddreg [dreg:$0x4];
	s6 =	sand.u32 $0xFFFFF800, s6;
	s19 =	sshll.u32 s19, $0x7  }
0x5f: {  	s20 =	sshrl.u32 s21, $0x3;
	s2 =	sand.u32 $0xFFFFF800, s2;
	s30 =	simm.s32 $0x0  }
0x60: {  	s3 =	sand.u32 $0xFFFFF800, s3;
	s7 =	rddreg [dreg:$0x8];
	s4 =	sand.u32 $0xFFFFF800, s4  }
0x61: {  	s8 =	sadd.s32 s8, s31;
	s5 =	sadd.s32 s5, s31;
	s1 =	sadd.s32 s1, s31  }
0x62: {  	s21 =	sadd.s32 s20, s31;
	s4 =	sor.u32 s10, s4;
	s20 =	sand.u32 $0xFFFFF800, s29  }
0x63: {  	[tilespmem:s9], [sflag:$0x3] =	stream.linear.gather [hbm4b:s8+s30], $0x80, $0x38;
	[tilespmem:$0x1C400] =	vst v63  }
0x64: {  	s8 =	sand.u32 $0x380, s24;
	s24 =	sand.u32 $0x380, s19;
	s19 =	rddreg [dreg:$0x7]  }
0x65: {  	[tilespmem:s7], [sflag:$0x3] =	stream.linear.gather [hbm4b:s5+s30], $0x80, $0x38;
	[tilespmem:$0x1C400] =	vst v63  }
0x66: {  	s4 =	sshrl.u32 s4, $0x3;
	s2 =	sor.u32 s24, s2;
	s24 =	rddreg [dreg:$0x6]  }
0x67: {  	[tilespmem:s13], [sflag:$0x3] =	stream.linear.gather [hbm4b:s1+s30], $0x80, $0x38;
	[tilespmem:$0x1C400] =	vst v63  }
0x68: {  	s6 =	sor.u32 s8, s6;
	s8 =	sadd.s32 $0xCA80, s14;
	s7 =	sadd.s32 s17, s31  }
0x69: {  	[tilespmem:s19], [sflag:$0x3] =	stream.linear.gather [hbm4b:s7+s30], $0x80, $0x38;
	[tilespmem:$0x1C400] =	vst v63  }
0x6a: {  	s17 =	sand.u32 $0xFFFFF800, s16;
	s2 =	sshrl.u32 s2, $0x3;
	s6 =	sshrl.u32 s6, $0x3  }
0x6b: {  	[tilespmem:s25], [sflag:$0x3] =	stream.linear.gather [hbm4b:s18+s30], $0x80, $0x38;
	[tilespmem:$0x1C400] =	vst v63  }
0x6c: {  	s0 =	sor.u32 s0, s17;
	s1 =	sand.u32 $0x380, s12;
	s12 =	rddreg [dreg:$0xb]  }
0x6d: {  	[tilespmem:s12], [sflag:$0x3] =	stream.linear.gather [hbm4b:s21+s30], $0x80, $0x38;
	[tilespmem:$0x1C400] =	vst v63  }
0x6e: {  	s17 =	rddreg [dreg:$0xa];
	s2 =	sadd.s32 s2, s31;
	s13 =	sadd.s32 s22, s31  }
0x6f: {  	[tilespmem:s17], [sflag:$0x3] =	stream.linear.gather [hbm4b:s13+s30], $0x80, $0x38;
	[tilespmem:$0x1C400] =	vst v63  }
0x70: {  	s22 =	sadd.s32 $0xC900, s14;
	s0 =	sshrl.u32 s0, $0x3;
	s18 =	sadd.s32 $0xC800, s14  }
0x71: {  	[tilespmem:s18], [sflag:$0x3] =	stream.linear.gather [hbm4b:s11+s30], $0x80, $0x38;
	[tilespmem:$0x1C400] =	vst v63  }
0x72: {  	s1 =	sor.u32 s1, s3;
	s19 =	sadd.s32 s6, s31;
	s21 =	rddreg [dreg:$0x5]  }
0x73: {  	[tilespmem:s21], [sflag:$0x3] =	stream.linear.gather [hbm4b:s19+s30], $0x80, $0x38;
	[tilespmem:$0x1C400] =	vst v63  }
0x74: {  	s7 =	sshll.u32 s24, $0x7;
	s1 =	sshrl.u32 s1, $0x3;
	s24 =	sand.u32 $0x380, s26  }
0x75: {  	[tilespmem:s22], [sflag:$0x3] =	stream.linear.gather [hbm4b:s2+s30], $0x80, $0x38;
	[tilespmem:$0x1C400] =	vst v63  }
0x76: {  	s10 =	sand.u32 $0x380, s7;
	s1 =	sadd.s32 s1, s31;
	s25 =	sadd.s32 $0xC980, s14  }
0x77: {  	[tilespmem:s25], [sflag:$0x3] =	stream.linear.gather [hbm4b:s1+s30], $0x80, $0x38;
	[tilespmem:$0x1C400] =	vst v63  }
0x78: {  	s26 =	sadd.s32 s4, s31;
	s7 =	rddreg [dreg:$0x9];
	s16 =	sor.u32 s10, s15  }
0x79: {  	[tilespmem:s7], [sflag:$0x3] =	stream.linear.gather [hbm4b:s26+s30], $0x80, $0x38;
	[tilespmem:$0x1C400] =	vst v63  }
0x7a: {  	s0 =	sadd.s32 s0, s31;
	s5 =	sor.u32 s24, s20;
	s3 =	sshrl.u32 s16, $0x3  }
0x7b: {  	[tilespmem:s8], [sflag:$0x3] =	stream.linear.gather [hbm4b:s0+s30], $0x80, $0x38;
	[tilespmem:$0x1C400] =	vst v63  }
0x7c: {  	s9 =	sadd.s32 $0xCB00, s14;
	s6 =	sshrl.u32 s5, $0x3;
	s1 =	sadd.s32 s3, s31  }
0x7d: {  	[tilespmem:s9], [sflag:$0x3] =	stream.linear.gather [hbm4b:s1+s30], $0x80, $0x38;
	[tilespmem:$0x1C400] =	vst v63  }
0x7e: {  	s12 =	sadd.s32 s6, s31;
	s11 =	sadd.s32 $0xCB80, s14  }
0x7f: {  	[tilespmem:s11], [sflag:$0x3] =	stream.linear.gather [hbm4b:s12+s30], $0x80, $0x38;
	[tilespmem:$0x1C400] =	vst v63  }
0x80: {  	v17 =	vld [tilespmem:s28+$0x0];
	_ =	sdelay $0x4  }
0x81: {  	(v2sf) =	vpush v17, $0xE;
	_ =	sdelay $0x1  }
0x82: {  	(v2sf) =	vpush v17, $0xF  }
0x83: {  	(v2sf) =	vpush v17, $0x2  }
0x84: {  	(v2sf) =	vpush v17, $0x0  }
0x85: {  	(v2sf) =	vpush v17, $0x3  }
0x86: {  	s10 =	smov.u32 s23  }
0x87: {  	s14 =	sshra.s32 s10, $0x2;
	(v2sf) =	vpush v17, $0x4  }
0x88: {  	s13 =	sadd.s32 $0xC600, s14  }
0x89: {  	s15 =	sadd.s32 $0xC880, s14;
	[dreg:$0x7] =	wrdreg s13;
	(v2sf) =	vpush v17, $0x7  }
0x8a: {  	s16 =	sadd.s32 $0xC500, s14;
	[dreg:$0x5] =	wrdreg s15  }
0x8b: {  	s17 =	sadd.s32 $0xC780, s14;
	[dreg:$0x8] =	wrdreg s16;
	(v2sf) =	vpush v17, $0x1  }
0x8c: {  	s18 =	sadd.s32 $0xC700, s14;
	[dreg:$0xa] =	wrdreg s17  }
0x8d: {  	s20 =	sadd.s32 $0xCA00, s14;
	[dreg:$0xb] =	wrdreg s18;
	(v2sf) =	vpush v17, $0x8  }
0x8e: {  	p0 =	sne.s32 s23, $0x3E000;
	s23 =	sadd.s32 $0x2000, s23;
	[dreg:$0x9] =	wrdreg s20;
	(v2sf) =	vpush v17, $0x5  }
0x8f: {  	s20 =	sadd.s32 $0xC400, s14;
	s13 =	sadd.s32 $0xC580, s14;
	(v2sf) =	vpush v17, $0xC;
	s19 =	spop (v2sf)  }
0x90: {  	s9 =	sadd.s32 $0xC480, s14;
	(v2sf) =	vpush v17, $0x6;
	[dreg:$0x6] =	wrdreg s19;
	s0 =	sshll.u32 s19, $0x8  }
0x91: {  	s28 =	sadd.s32 $0x10, s28;
	s21 =	spop (v2sf);
	[dreg:$0xc] =	wrdreg s0  }
0x92: {  	s15 =	sshll.u32 s21, $0x8;
	s0 =	sshll.u32 s21, $0x7;
	s22 =	spop (v2sf)  }
0x93: {  	[dreg:$0xd] =	wrdreg s0;
	s24 =	sshll.u32 s22, $0x8;
	s25 =	spop (v2sf)  }
0x94: {  	s0 =	sshll.u32 s22, $0x7;
	s5 =	sshll.u32 s25, $0x8;
	s6 =	spop (v2sf)  }
0x95: {  	s1 =	sand.u32 $0xFFFFF800, s24;
	s0 =	sand.u32 $0x380, s0;
	s2 =	sshll.u32 s25, $0x7  }
0x96: {  	s3 =	sand.u32 $0xFFFFF800, s5;
	s7 =	sshll.u32 s6, $0x7;
	s10 =	spop (v2sf)  }
0x97: {  	s4 =	sshll.u32 s6, $0x8;
	s12 =	sor.u32 s0, s1;
	s2 =	sand.u32 $0x380, s2  }
0x98: {  	(v2sf) =	vpush v17, $0xD;
	s8 =	spop (v2sf);
	s5 =	sand.u32 $0x380, s7;
	s4 =	sand.u32 $0xFFFFF800, s4  }
0x99: {  	s21 =	sshll.u32 s10, $0x7;
	s6 =	sshll.u32 s10, $0x8;
	s3 =	sor.u32 s2, s3  }
0x9a: {  	s11 =	spop (v2sf);
	s16 =	sshll.u32 s8, $0x7;
	s5 =	sor.u32 s5, s4  }
0x9b: {  	s7 =	sand.u32 $0xFFFFF800, s6;
	s8 =	sshll.u32 s8, $0x8;
	s3 =	sshrl.u32 s3, $0x3  }
0x9c: {  	s19 =	spop (v2sf);
	s6 =	sshll.u32 s11, $0x7;
	s25 =	sshll.u32 s11, $0x8  }
0x9d: {  	(v2sf) =	vpush v17, $0xB;
	s11 =	sand.u32 $0x380, s16;
	s16 =	sand.u32 $0x380, s21;
	s17 =	spop (v2sf)  }
0x9e: {  	(v2sf) =	vpush v17, $0xA;
	s1 =	sshrl.u32 s5, $0x3;
	s26 =	sshll.u32 s19, $0x8;
	s22 =	spop (v2sf)  }
0x9f: {  	s18 =	sshll.u32 s19, $0x7;
	s19 =	sand.u32 $0xFFFFF800, s26;
	s26 =	spop (v2sf);
	(v2sf) =	vpush v17, $0x9  }
0xa0: {  	s8 =	sand.u32 $0xFFFFF800, s8;
	s25 =	sand.u32 $0xFFFFF800, s25;
	s0 =	sor.u32 s16, s7  }
0xa1: {  	s6 =	sand.u32 $0x380, s6;
	s29 =	sor.u32 s11, s8;
	s10 =	sshll.u32 s17, $0x8  }
0xa2: {  	s7 =	sshll.u32 s17, $0x7;
	s17 =	sshrl.u32 s0, $0x3;
	s18 =	sand.u32 $0x380, s18  }
0xa3: {  	s24 =	sshll.u32 s22, $0x7;
	s16 =	sand.u32 $0x380, s7;
	s10 =	sand.u32 $0xFFFFF800, s10  }
0xa4: {  	s21 =	sshll.u32 s26, $0x7;
	s26 =	sshll.u32 s26, $0x8;
	s10 =	sor.u32 s16, s10  }
0xa5: {  	s16 =	sor.u32 s18, s19;
	s18 =	sor.u32 s6, s25;
	s4 =	sand.u32 $0xFFFFF800, s26  }
0xa6: {  	s11 =	sand.u32 $0x380, s21;
	s8 =	sshrl.u32 s18, $0x3;
	s25 =	sshrl.u32 s10, $0x3  }
0xa7: {  	s10 =	sand.u32 $0x380, s24;
	s21 =	sor.u32 s11, s4;
	s5 =	spop (v2sf)  }
0xa8: {  	s18 =	sadd.s32 s25, s31;
	s4 =	sshll.u32 s22, $0x8;
	s26 =	sshll.u32 s5, $0x7  }
0xa9: {  	s22 =	sshrl.u32 s29, $0x3;
	s0 =	sand.u32 $0x380, s26;
	s26 =	sshrl.u32 s16, $0x3  }
0xaa: {  	s29 =	smov.u32 s15;
	s11 =	sadd.s32 s26, s31;
	s26 =	sadd.s32 s3, s31  }
0xab: {  	[tilespmem:s20], [sflag:$0x3] =	stream.linear.gather [hbm4b:s26+s30], $0x80, $0x38;
	[tilespmem:$0x1C400] =	vst v63  }
.Ltmp0:
0xac: {  	s25 =	sadd.s32 $0xC680, s14;
	s7 =	spop (v2sf);
	(pc) =	sbr.rel @p0 .LBB2_2-.Ltmp0, $4  }
0xad: {  	s16 =	sshll.u32 s5, $0x8;
	s5 =	sshrl.u32 s12, $0x3;
	s19 =	spop (v2sf)  }
0xae: {  	s26 =	rddreg [dreg:$0xd];
	s12 =	sshll.u32 s7, $0x7;
	s31 =	spop (v2sf)  }
0xaf: {  	s24 =	sshll.u32 s31, $0x7;
	s6 =	sshll.u32 s31, $0x8;
	s31 =	rddreg [dreg:$0xc]  }
0xb0: {  	s3 =	sshll.u32 s7, $0x8;
	s2 =	sshll.u32 s19, $0x8;
	s15 =	sand.u32 $0xFFFFF800, s31  }
0xb1: {  	s20 =	rddreg [dreg:$0x4]  }
0xb2: {  	s7 =	sadd.s32 s8, s20;
	s8 =	simm.s32 $0x0  }
0xb3: {  	[tilespmem:s9], [sflag:$0x3] =	stream.linear.gather [hbm4b:s7+s8], $0x80, $0x38;
	[tilespmem:$0x1C400] =	vst v63  }
0xb4: {  	s5 =	sadd.s32 s5, s20;
	s9 =	rddreg [dreg:$0x8]  }
0xb5: {  	[tilespmem:s9], [sflag:$0x3] =	stream.linear.gather [hbm4b:s5+s8], $0x80, $0x38;
	[tilespmem:$0x1C400] =	vst v63  }
0xb6: {  	s1 =	sadd.s32 s1, s20  }
0xb7: {  	[tilespmem:s13], [sflag:$0x3] =	stream.linear.gather [hbm4b:s1+s8], $0x80, $0x38;
	[tilespmem:$0x1C400] =	vst v63  }
0xb8: {  	s13 =	sadd.s32 s17, s20;
	s17 =	rddreg [dreg:$0x7]  }
0xb9: {  	[tilespmem:s17], [sflag:$0x3] =	stream.linear.gather [hbm4b:s13+s8], $0x80, $0x38;
	[tilespmem:$0x1C400] =	vst v63  }
0xba: {  	_ = 	snop  }
0xbb: {  	[tilespmem:s25], [sflag:$0x3] =	stream.linear.gather [hbm4b:s18+s8], $0x80, $0x38;
	[tilespmem:$0x1C400] =	vst v63  }
0xbc: {  	s30 =	sand.u32 $0xFFFFF800, s6;
	s18 =	sshrl.u32 s21, $0x3  }
0xbd: {  	s31 =	sand.u32 $0x380, s24;
	s21 =	rddreg [dreg:$0xb];
	s1 =	sadd.s32 s18, s20  }
0xbe: {  	[tilespmem:s21], [sflag:$0x3] =	stream.linear.gather [hbm4b:s1+s8], $0x80, $0x38;
	[tilespmem:$0x1C400] =	vst v63  }
0xbf: {  	s23 =	sadd.s32 s22, s20;
	s25 =	rddreg [dreg:$0xa];
	s1 =	sor.u32 s31, s30  }
0xc0: {  	[tilespmem:s25], [sflag:$0x3] =	stream.linear.gather [hbm4b:s23+s8], $0x80, $0x38;
	[tilespmem:$0x1C400] =	vst v63  }
0xc1: {  	s28 =	sadd.s32 $0xC800, s14;
	s1 =	sshrl.u32 s1, $0x3  }
0xc2: {  	[tilespmem:s28], [sflag:$0x3] =	stream.linear.gather [hbm4b:s11+s8], $0x80, $0x38;
	[tilespmem:$0x1C400] =	vst v63  }
0xc3: {  	s6 =	rddreg [dreg:$0x5];
	s7 =	sshll.u32 s19, $0x7;
	s1 =	sadd.s32 s1, s20  }
0xc4: {  	[tilespmem:s6], [sflag:$0x3] =	stream.linear.gather [hbm4b:s1+s8], $0x80, $0x38;
	[tilespmem:$0x1C400] =	vst v63  }
0xc5: {  	s2 =	sand.u32 $0xFFFFF800, s2;
	s1 =	sand.u32 $0x380, s7  }
0xc6: {  	s1 =	sor.u32 s1, s2  }
0xc7: {  	s9 =	sadd.s32 $0xC900, s14;
	s1 =	sshrl.u32 s1, $0x3  }
0xc8: {  	s13 =	sand.u32 $0x380, s12;
	s11 =	sand.u32 $0xFFFFF800, s3;
	s1 =	sadd.s32 s1, s20  }
0xc9: {  	[tilespmem:s9], [sflag:$0x3] =	stream.linear.gather [hbm4b:s1+s8], $0x80, $0x38;
	[tilespmem:$0x1C400] =	vst v63  }
0xca: {  	s1 =	sor.u32 s13, s11  }
0xcb: {  	s1 =	sshrl.u32 s1, $0x3  }
0xcc: {  	s17 =	sadd.s32 $0xC980, s14;
	s18 =	sand.u32 $0xFFFFF800, s4;
	s1 =	sadd.s32 s1, s20  }
0xcd: {  	[tilespmem:s17], [sflag:$0x3] =	stream.linear.gather [hbm4b:s1+s8], $0x80, $0x38;
	[tilespmem:$0x1C400] =	vst v63  }
0xce: {  	s21 =	sand.u32 $0xFFFFF800, s16;
	s1 =	sor.u32 s10, s18  }
0xcf: {  	s0 =	sor.u32 s0, s21;
	s1 =	sshrl.u32 s1, $0x3  }
0xd0: {  	s19 =	rddreg [dreg:$0x9];
	s0 =	sshrl.u32 s0, $0x3;
	s1 =	sadd.s32 s1, s20  }
0xd1: {  	[tilespmem:s19], [sflag:$0x3] =	stream.linear.gather [hbm4b:s1+s8], $0x80, $0x38;
	[tilespmem:$0x1C400] =	vst v63  }
0xd2: {  	s22 =	sadd.s32 $0xCA80, s14;
	s23 =	rddreg [dreg:$0x6];
	s0 =	sadd.s32 s0, s20  }
0xd3: {  	[tilespmem:s22], [sflag:$0x3] =	stream.linear.gather [hbm4b:s0+s8], $0x80, $0x38;
	[tilespmem:$0x1C400] =	vst v63  }
0xd4: {  	s0 =	sshll.u32 s23, $0x7  }
0xd5: {  	s0 =	sand.u32 $0x380, s0  }
0xd6: {  	s0 =	sor.u32 s0, s15  }
0xd7: {  	s24 =	sadd.s32 $0xCB00, s14;
	s0 =	sshrl.u32 s0, $0x3  }
0xd8: {  	s25 =	sand.u32 $0xFFFFF800, s29;
	s28 =	sand.u32 $0x380, s26;
	s0 =	sadd.s32 s0, s20  }
0xd9: {  	[tilespmem:s24], [sflag:$0x3] =	stream.linear.gather [hbm4b:s0+s8], $0x80, $0x38;
	[tilespmem:$0x1C400] =	vst v63  }
0xda: {  	s0 =	sor.u32 s28, s25  }
0xdb: {  	s0 =	sshrl.u32 s0, $0x3  }
0xdc: {  	s29 =	sadd.s32 $0xCB80, s14;
	s0 =	sadd.s32 s0, s20  }
0xdd: {  	[tilespmem:s29], [sflag:$0x3] =	stream.linear.gather [hbm4b:s0+s8], $0x80, $0x38;
	[tilespmem:$0x1C400] =	vst v63  }
0xde: {  	v17 =	vld [tilespmem:$0x0];
	_ =	sdelay $0x4  }
0xdf: {  	v18 =	vshll.u32 v17, $0x1  }
0xe0: {  	v17 =	vand.u32 $0x7, v17;
	v18 =	vand.u32 $0xFFFFFFF0, v18  }
0xe1: {  	v17 =	vor.u32 v17, v18  }
0xe2: {  	v18 =	vperm.xlane v17, v2;
	_ =	sdelay $0x1  }
0xe3: {  	v19 =	vperm.xlane v17, v1;
	v18 =	vadd.s32 v3, v18;
	_ =	sdelay $0x1  }
0xe4: {  	v20 =	vperm.xlane v17, v4;
	v19 =	vadd.s32 v3, v19;
	_ =	sdelay $0x1  }
0xe5: {  	s5 =	simm.s32 $0x400;
	s0 =	rddreg [dreg:$0xe];
	v21 =	vperm.xlane v17, v5;
	v20 =	vadd.s32 v3, v20  }
0xe6: {  	[tilespmem:s5], [sflag:$0x2] =	stream.indirect_vreg.gather [hbm4b:s0+s8], $0x80, v18, vm0, $0xb8;
	[tilespmem:$0x1C400] =	vst v63  }
0xe7: {  	s30 =	simm.s32 $0x480;
	v42 =	vperm.xlane v17, v6;
	v18 =	vadd.s32 v3, v21  }
0xe8: {  	[tilespmem:s30], [sflag:$0x2] =	stream.indirect_vreg.gather [hbm4b:s0+s8], $0x80, v19, vm0, $0xb8;
	[tilespmem:$0x1C400] =	vst v63  }
0xe9: {  	s31 =	simm.s32 $0x500;
	v43 =	vperm.xlane v17, v7;
	v19 =	vadd.s32 v3, v42  }
0xea: {  	[tilespmem:s31], [sflag:$0x2] =	stream.indirect_vreg.gather [hbm4b:s0+s8], $0x80, v20, vm0, $0xb8;
	[tilespmem:$0x1C400] =	vst v63  }
0xeb: {  	s2 =	simm.s32 $0x580;
	v45 =	vperm.xlane v17, v8;
	v44 =	vadd.s32 v3, v43  }
0xec: {  	[tilespmem:s2], [sflag:$0x2] =	stream.indirect_vreg.gather [hbm4b:s0+s8], $0x80, v18, vm0, $0xb8;
	[tilespmem:$0x1C400] =	vst v63  }
0xed: {  	s6 =	simm.s32 $0x600;
	v46 =	vperm.xlane v17, v0;
	v18 =	vadd.s32 v3, v45  }
0xee: {  	[tilespmem:s6], [sflag:$0x2] =	stream.indirect_vreg.gather [hbm4b:s0+s8], $0x80, v19, vm0, $0xb8;
	[tilespmem:$0x1C400] =	vst v63  }
0xef: {  	s7 =	simm.s32 $0x680;
	v47 =	vperm.xlane v17, v9;
	v19 =	vadd.s32 v3, v46  }
0xf0: {  	[tilespmem:s7], [sflag:$0x2] =	stream.indirect_vreg.gather [hbm4b:s0+s8], $0x80, v44, vm0, $0xb8;
	[tilespmem:$0x1C400] =	vst v63  }
0xf1: {  	s9 =	simm.s32 $0x700;
	v49 =	vperm.xlane v17, v10;
	v48 =	vadd.s32 v3, v47  }
0xf2: {  	[tilespmem:s9], [sflag:$0x2] =	stream.indirect_vreg.gather [hbm4b:s0+s8], $0x80, v18, vm0, $0xb8;
	[tilespmem:$0x1C400] =	vst v63  }
0xf3: {  	s10 =	simm.s32 $0x780;
	v50 =	vperm.xlane v17, v11;
	v18 =	vadd.s32 v3, v49  }
0xf4: {  	[tilespmem:s10], [sflag:$0x2] =	stream.indirect_vreg.gather [hbm4b:s0+s8], $0x80, v19, vm0, $0xb8;
	[tilespmem:$0x1C400] =	vst v63  }
0xf5: {  	s11 =	simm.s32 $0x800;
	v51 =	vperm.xlane v17, v12;
	v19 =	vadd.s32 v3, v50  }
0xf6: {  	[tilespmem:s11], [sflag:$0x2] =	stream.indirect_vreg.gather [hbm4b:s0+s8], $0x80, v48, vm0, $0xb8;
	[tilespmem:$0x1C400] =	vst v63  }
0xf7: {  	s12 =	simm.s32 $0x880;
	v53 =	vperm.xlane v17, v13;
	v52 =	vadd.s32 v3, v51  }
0xf8: {  	[tilespmem:s12], [sflag:$0x2] =	stream.indirect_vreg.gather [hbm4b:s0+s8], $0x80, v18, vm0, $0xb8;
	[tilespmem:$0x1C400] =	vst v63  }
0xf9: {  	s13 =	simm.s32 $0x900;
	v54 =	vperm.xlane v17, v14;
	v18 =	vadd.s32 v3, v53  }
0xfa: {  	[tilespmem:s13], [sflag:$0x2] =	stream.indirect_vreg.gather [hbm4b:s0+s8], $0x80, v19, vm0, $0xb8;
	[tilespmem:$0x1C400] =	vst v63  }
0xfb: {  	s14 =	simm.s32 $0x980;
	v55 =	vperm.xlane v17, v15;
	v19 =	vadd.s32 v3, v54  }
0xfc: {  	[tilespmem:s14], [sflag:$0x2] =	stream.indirect_vreg.gather [hbm4b:s0+s8], $0x80, v52, vm0, $0xb8;
	[tilespmem:$0x1C400] =	vst v63  }
0xfd: {  	s15 =	simm.s32 $0xA00;
	v17 =	vperm.xlane v17, v16;
	v56 =	vadd.s32 v3, v55  }
0xfe: {  	[tilespmem:s15], [sflag:$0x2] =	stream.indirect_vreg.gather [hbm4b:s0+s8], $0x80, v18, vm0, $0xb8;
	[tilespmem:$0x1C400] =	vst v63  }
0xff: {  	s16 =	simm.s32 $0xA80;
	v17 =	vadd.s32 v3, v17  }
0x100: {  	[tilespmem:s16], [sflag:$0x2] =	stream.indirect_vreg.gather [hbm4b:s0+s8], $0x80, v19, vm0, $0xb8;
	[tilespmem:$0x1C400] =	vst v63  }
0x101: {  	s17 =	simm.s32 $0xB00  }
0x102: {  	[tilespmem:s17], [sflag:$0x2] =	stream.indirect_vreg.gather [hbm4b:s0+s8], $0x80, v56, vm0, $0xb8;
	[tilespmem:$0x1C400] =	vst v63  }
0x103: {  	s18 =	simm.s32 $0xB80  }
0x104: {  	[tilespmem:s18], [sflag:$0x2] =	stream.indirect_vreg.gather [hbm4b:s0+s8], $0x80, v17, vm0, $0xb8;
	[tilespmem:$0x1C400] =	vst v63  }
0x105: {  	v17 =	vld [tilespmem:$0x10];
	_ =	sdelay $0x4  }
0x106: {  	v18 =	vshll.u32 v17, $0x1  }
0x107: {  	v17 =	vand.u32 $0x7, v17;
	v18 =	vand.u32 $0xFFFFFFF0, v18  }
0x108: {  	v17 =	vor.u32 v17, v18  }
0x109: {  	v18 =	vperm.xlane v17, v2;
	_ =	sdelay $0x1  }
0x10a: {  	v19 =	vperm.xlane v17, v1;
	v18 =	vadd.s32 v3, v18;
	_ =	sdelay $0x1  }
0x10b: {  	v57 =	vperm.xlane v17, v4;
	v19 =	vadd.s32 v3, v19;
	_ =	sdelay $0x1  }
0x10c: {  	s19 =	simm.s32 $0xC00;
	v58 =	vperm.xlane v17, v5;
	v20 =	vadd.s32 v3, v57  }
0x10d: {  	[tilespmem:s19], [sflag:$0x2] =	stream.indirect_vreg.gather [hbm4b:s0+s8], $0x80, v18, vm0, $0xb8;
	[tilespmem:$0x1C400] =	vst v63  }
0x10e: {  	s20 =	simm.s32 $0xC80;
	v59 =	vperm.xlane v17, v6;
	v18 =	vadd.s32 v3, v58  }
0x10f: {  	[tilespmem:s20], [sflag:$0x2] =	stream.indirect_vreg.gather [hbm4b:s0+s8], $0x80, v19, vm0, $0xb8;
	[tilespmem:$0x1C400] =	vst v63  }
0x110: {  	s21 =	simm.s32 $0xD00;
	v60 =	vperm.xlane v17, v7;
	v19 =	vadd.s32 v3, v59  }
0x111: {  	[tilespmem:s21], [sflag:$0x2] =	stream.indirect_vreg.gather [hbm4b:s0+s8], $0x80, v20, vm0, $0xb8;
	[tilespmem:$0x1C400] =	vst v63  }
0x112: {  	s22 =	simm.s32 $0xD80;
	v62 =	vperm.xlane v17, v8;
	v61 =	vadd.s32 v3, v60  }
0x113: {  	[tilespmem:s22], [sflag:$0x2] =	stream.indirect_vreg.gather [hbm4b:s0+s8], $0x80, v18, vm0, $0xb8;
	[tilespmem:$0x1C400] =	vst v63  }
0x114: {  	s23 =	simm.s32 $0xE00;
	v63 =	vperm.xlane v17, v0;
	v18 =	vadd.s32 v3, v62  }
0x115: {  	[tilespmem:s23], [sflag:$0x2] =	stream.indirect_vreg.gather [hbm4b:s0+s8], $0x80, v19, vm0, $0xb8;
	[tilespmem:$0x1C400] =	vst v63  }
0x116: {  	s24 =	simm.s32 $0xE80;
	v24 =	vperm.xlane v17, v9;
	v19 =	vadd.s32 v3, v63  }
0x117: {  	[tilespmem:s24], [sflag:$0x2] =	stream.indirect_vreg.gather [hbm4b:s0+s8], $0x80, v61, vm0, $0xb8;
	[tilespmem:$0x1C400] =	vst v63  }
0x118: {  	s25 =	simm.s32 $0xF00;
	v26 =	vperm.xlane v17, v10;
	v25 =	vadd.s32 v3, v24  }
0x119: {  	[tilespmem:s25], [sflag:$0x2] =	stream.indirect_vreg.gather [hbm4b:s0+s8], $0x80, v18, vm0, $0xb8;
	[tilespmem:$0x1C400] =	vst v63  }
0x11a: {  	s26 =	simm.s32 $0xF80;
	v27 =	vperm.xlane v17, v11;
	v18 =	vadd.s32 v3, v26  }
0x11b: {  	[tilespmem:s26], [sflag:$0x2] =	stream.indirect_vreg.gather [hbm4b:s0+s8], $0x80, v19, vm0, $0xb8;
	[tilespmem:$0x1C400] =	vst v63  }
0x11c: {  	s28 =	simm.s32 $0x1000;
	v28 =	vperm.xlane v17, v12;
	v19 =	vadd.s32 v3, v27  }
0x11d: {  	[tilespmem:s28], [sflag:$0x2] =	stream.indirect_vreg.gather [hbm4b:s0+s8], $0x80, v25, vm0, $0xb8;
	[tilespmem:$0x1C400] =	vst v63  }
0x11e: {  	s29 =	simm.s32 $0x1080;
	v30 =	vperm.xlane v17, v13;
	v29 =	vadd.s32 v3, v28  }
0x11f: {  	[tilespmem:s29], [sflag:$0x2] =	stream.indirect_vreg.gather [hbm4b:s0+s8], $0x80, v18, vm0, $0xb8;
	[tilespmem:$0x1C400] =	vst v63  }
0x120: {  	s30 =	simm.s32 $0x1100;
	v31 =	vperm.xlane v17, v14;
	v18 =	vadd.s32 v3, v30  }
0x121: {  	[tilespmem:s30], [sflag:$0x2] =	stream.indirect_vreg.gather [hbm4b:s0+s8], $0x80, v19, vm0, $0xb8;
	[tilespmem:$0x1C400] =	vst v63  }
0x122: {  	s31 =	simm.s32 $0x1180;
	v32 =	vperm.xlane v17, v15;
	v19 =	vadd.s32 v3, v31  }
0x123: {  	[tilespmem:s31], [sflag:$0x2] =	stream.indirect_vreg.gather [hbm4b:s0+s8], $0x80, v29, vm0, $0xb8;
	[tilespmem:$0x1C400] =	vst v63  }
0x124: {  	s3 =	simm.s32 $0x1200;
	v17 =	vperm.xlane v17, v16;
	v33 =	vadd.s32 v3, v32  }
0x125: {  	[tilespmem:s3], [sflag:$0x2] =	stream.indirect_vreg.gather [hbm4b:s0+s8], $0x80, v18, vm0, $0xb8;
	[tilespmem:$0x1C400] =	vst v63  }
0x126: {  	s4 =	simm.s32 $0x1280;
	v17 =	vadd.s32 v3, v17  }
0x127: {  	[tilespmem:s4], [sflag:$0x2] =	stream.indirect_vreg.gather [hbm4b:s0+s8], $0x80, v19, vm0, $0xb8;
	[tilespmem:$0x1C400] =	vst v63  }
0x128: {  	s2 =	simm.s32 $0x1300  }
0x129: {  	[tilespmem:s2], [sflag:$0x2] =	stream.indirect_vreg.gather [hbm4b:s0+s8], $0x80, v33, vm0, $0xb8;
	[tilespmem:$0x1C400] =	vst v63  }
0x12a: {  	s3 =	simm.s32 $0x1380  }
0x12b: {  	[tilespmem:s3], [sflag:$0x2] =	stream.indirect_vreg.gather [hbm4b:s0+s8], $0x80, v17, vm0, $0xb8;
	[tilespmem:$0x1C400] =	vst v63  }
0x12c: {  	v17 =	vld [tilespmem:$0x20];
	_ =	sdelay $0x4  }
0x12d: {  	v18 =	vshll.u32 v17, $0x1  }
0x12e: {  	v17 =	vand.u32 $0x7, v17;
	v18 =	vand.u32 $0xFFFFFFF0, v18  }
0x12f: {  	v17 =	vor.u32 v17, v18  }
0x130: {  	v18 =	vperm.xlane v17, v2;
	_ =	sdelay $0x1  }
0x131: {  	v19 =	vperm.xlane v17, v1;
	v18 =	vadd.s32 v3, v18;
	_ =	sdelay $0x1  }
0x132: {  	v34 =	vperm.xlane v17, v4;
	v19 =	vadd.s32 v3, v19;
	_ =	sdelay $0x1  }
0x133: {  	s4 =	simm.s32 $0x1400;
	v35 =	vperm.xlane v17, v5;
	v20 =	vadd.s32 v3, v34  }
0x134: {  	[tilespmem:s4], [sflag:$0x2] =	stream.indirect_vreg.gather [hbm4b:s0+s8], $0x80, v18, vm0, $0xb8;
	[tilespmem:$0x1C400] =	vst v63  }
0x135: {  	s2 =	simm.s32 $0x1480;
	v36 =	vperm.xlane v17, v6;
	v18 =	vadd.s32 v3, v35  }
0x136: {  	[tilespmem:s2], [sflag:$0x2] =	stream.indirect_vreg.gather [hbm4b:s0+s8], $0x80, v19, vm0, $0xb8;
	[tilespmem:$0x1C400] =	vst v63  }
0x137: {  	s3 =	simm.s32 $0x1500;
	v37 =	vperm.xlane v17, v7;
	v19 =	vadd.s32 v3, v36  }
0x138: {  	[tilespmem:s3], [sflag:$0x2] =	stream.indirect_vreg.gather [hbm4b:s0+s8], $0x80, v20, vm0, $0xb8;
	[tilespmem:$0x1C400] =	vst v63  }
0x139: {  	v39 =	vperm.xlane v17, v8;
	v38 =	vadd.s32 v3, v37;
	s4 =	simm.s32 $0x1580  }
0x13a: {  	[tilespmem:s4], [sflag:$0x2] =	stream.indirect_vreg.gather [hbm4b:s0+s8], $0x80, v18, vm0, $0xb8;
	[tilespmem:$0x1C400] =	vst v63  }
0x13b: {  	v40 =	vperm.xlane v17, v0;
	s2 =	simm.s32 $0x1600;
	v18 =	vadd.s32 v3, v39  }
0x13c: {  	[tilespmem:s2], [sflag:$0x2] =	stream.indirect_vreg.gather [hbm4b:s0+s8], $0x80, v19, vm0, $0xb8;
	[tilespmem:$0x1C400] =	vst v63  }
0x13d: {  	v41 =	vperm.xlane v17, v9;
	s3 =	simm.s32 $0x1680;
	v19 =	vadd.s32 v3, v40  }
0x13e: {  	[tilespmem:s3], [sflag:$0x2] =	stream.indirect_vreg.gather [hbm4b:s0+s8], $0x80, v38, vm0, $0xb8;
	[tilespmem:$0x1C400] =	vst v63  }
0x13f: {  	v43 =	vperm.xlane v17, v10;
	v42 =	vadd.s32 v3, v41;
	s4 =	simm.s32 $0x1700  }
0x140: {  	[tilespmem:s4], [sflag:$0x2] =	stream.indirect_vreg.gather [hbm4b:s0+s8], $0x80, v18, vm0, $0xb8;
	[tilespmem:$0x1C400] =	vst v63  }
0x141: {  	v44 =	vperm.xlane v17, v11;
	s2 =	simm.s32 $0x1780;
	v18 =	vadd.s32 v3, v43  }
0x142: {  	[tilespmem:s2], [sflag:$0x2] =	stream.indirect_vreg.gather [hbm4b:s0+s8], $0x80, v19, vm0, $0xb8;
	[tilespmem:$0x1C400] =	vst v63  }
0x143: {  	v45 =	vperm.xlane v17, v12;
	s3 =	simm.s32 $0x1800;
	v19 =	vadd.s32 v3, v44  }
0x144: {  	[tilespmem:s3], [sflag:$0x2] =	stream.indirect_vreg.gather [hbm4b:s0+s8], $0x80, v42, vm0, $0xb8;
	[tilespmem:$0x1C400] =	vst v63  }
0x145: {  	v47 =	vperm.xlane v17, v13;
	v46 =	vadd.s32 v3, v45;
	s4 =	simm.s32 $0x1880  }
0x146: {  	[tilespmem:s4], [sflag:$0x2] =	stream.indirect_vreg.gather [hbm4b:s0+s8], $0x80, v18, vm0, $0xb8;
	[tilespmem:$0x1C400] =	vst v63  }
0x147: {  	v48 =	vperm.xlane v17, v14;
	s2 =	simm.s32 $0x1900;
	v18 =	vadd.s32 v3, v47  }
0x148: {  	[tilespmem:s2], [sflag:$0x2] =	stream.indirect_vreg.gather [hbm4b:s0+s8], $0x80, v19, vm0, $0xb8;
	[tilespmem:$0x1C400] =	vst v63  }
0x149: {  	v49 =	vperm.xlane v17, v15;
	s3 =	simm.s32 $0x1980;
	v19 =	vadd.s32 v3, v48  }
0x14a: {  	[tilespmem:s3], [sflag:$0x2] =	stream.indirect_vreg.gather [hbm4b:s0+s8], $0x80, v46, vm0, $0xb8;
	[tilespmem:$0x1C400] =	vst v63  }
0x14b: {  	v17 =	vperm.xlane v17, v16;
	v50 =	vadd.s32 v3, v49;
	s4 =	simm.s32 $0x1A00  }
0x14c: {  	[tilespmem:s4], [sflag:$0x2] =	stream.indirect_vreg.gather [hbm4b:s0+s8], $0x80, v18, vm0, $0xb8;
	[tilespmem:$0x1C400] =	vst v63  }
0x14d: {  	v17 =	vadd.s32 v3, v17;
	s2 =	simm.s32 $0x1A80  }
0x14e: {  	[tilespmem:s2], [sflag:$0x2] =	stream.indirect_vreg.gather [hbm4b:s0+s8], $0x80, v19, vm0, $0xb8;
	[tilespmem:$0x1C400] =	vst v63  }
0x14f: {  	s3 =	simm.s32 $0x1B00  }
0x150: {  	[tilespmem:s3], [sflag:$0x2] =	stream.indirect_vreg.gather [hbm4b:s0+s8], $0x80, v50, vm0, $0xb8;
	[tilespmem:$0x1C400] =	vst v63  }
0x151: {  	s4 =	simm.s32 $0x1B80  }
0x152: {  	[tilespmem:s4], [sflag:$0x2] =	stream.indirect_vreg.gather [hbm4b:s0+s8], $0x80, v17, vm0, $0xb8;
	[tilespmem:$0x1C400] =	vst v63  }
0x153: {  	v17 =	vld [tilespmem:$0x30];
	_ =	sdelay $0x4  }
0x154: {  	v18 =	vshll.u32 v17, $0x1  }
0x155: {  	v17 =	vand.u32 $0x7, v17;
	v18 =	vand.u32 $0xFFFFFFF0, v18  }
0x156: {  	v17 =	vor.u32 v17, v18  }
0x157: {  	v18 =	vperm.xlane v17, v2;
	_ =	sdelay $0x1  }
0x158: {  	v19 =	vperm.xlane v17, v1;
	v18 =	vadd.s32 v3, v18;
	_ =	sdelay $0x1  }
0x159: {  	v51 =	vperm.xlane v17, v4;
	v19 =	vadd.s32 v3, v19;
	_ =	sdelay $0x1  }
0x15a: {  	s2 =	simm.s32 $0x1C00;
	v52 =	vperm.xlane v17, v5;
	v20 =	vadd.s32 v3, v51  }
0x15b: {  	[tilespmem:s2], [sflag:$0x2] =	stream.indirect_vreg.gather [hbm4b:s0+s8], $0x80, v18, vm0, $0xb8;
	[tilespmem:$0x1C400] =	vst v63  }
0x15c: {  	s3 =	simm.s32 $0x1C80;
	v53 =	vperm.xlane v17, v6;
	v18 =	vadd.s32 v3, v52  }
0x15d: {  	[tilespmem:s3], [sflag:$0x2] =	stream.indirect_vreg.gather [hbm4b:s0+s8], $0x80, v19, vm0, $0xb8;
	[tilespmem:$0x1C400] =	vst v63  }
0x15e: {  	s4 =	simm.s32 $0x1D00;
	v54 =	vperm.xlane v17, v7;
	v19 =	vadd.s32 v3, v53  }
0x15f: {  	[tilespmem:s4], [sflag:$0x2] =	stream.indirect_vreg.gather [hbm4b:s0+s8], $0x80, v20, vm0, $0xb8;
	[tilespmem:$0x1C400] =	vst v63  }
0x160: {  	v56 =	vperm.xlane v17, v8;
	v55 =	vadd.s32 v3, v54;
	s2 =	simm.s32 $0x1D80  }
0x161: {  	[tilespmem:s2], [sflag:$0x2] =	stream.indirect_vreg.gather [hbm4b:s0+s8], $0x80, v18, vm0, $0xb8;
	[tilespmem:$0x1C400] =	vst v63  }
0x162: {  	v57 =	vperm.xlane v17, v0;
	s3 =	simm.s32 $0x1E00;
	v18 =	vadd.s32 v3, v56  }
0x163: {  	[tilespmem:s3], [sflag:$0x2] =	stream.indirect_vreg.gather [hbm4b:s0+s8], $0x80, v19, vm0, $0xb8;
	[tilespmem:$0x1C400] =	vst v63  }
0x164: {  	v58 =	vperm.xlane v17, v9;
	s4 =	simm.s32 $0x1E80;
	v19 =	vadd.s32 v3, v57  }
0x165: {  	[tilespmem:s4], [sflag:$0x2] =	stream.indirect_vreg.gather [hbm4b:s0+s8], $0x80, v55, vm0, $0xb8;
	[tilespmem:$0x1C400] =	vst v63  }
0x166: {  	v60 =	vperm.xlane v17, v10;
	v59 =	vadd.s32 v3, v58;
	s2 =	simm.s32 $0x1F00  }
0x167: {  	[tilespmem:s2], [sflag:$0x2] =	stream.indirect_vreg.gather [hbm4b:s0+s8], $0x80, v18, vm0, $0xb8;
	[tilespmem:$0x1C400] =	vst v63  }
0x168: {  	v61 =	vperm.xlane v17, v11;
	s3 =	simm.s32 $0x1F80;
	v18 =	vadd.s32 v3, v60  }
0x169: {  	[tilespmem:s3], [sflag:$0x2] =	stream.indirect_vreg.gather [hbm4b:s0+s8], $0x80, v19, vm0, $0xb8;
	[tilespmem:$0x1C400] =	vst v63  }
0x16a: {  	v62 =	vperm.xlane v17, v12;
	s4 =	simm.s32 $0x2000;
	v19 =	vadd.s32 v3, v61  }
0x16b: {  	[tilespmem:s4], [sflag:$0x2] =	stream.indirect_vreg.gather [hbm4b:s0+s8], $0x80, v59, vm0, $0xb8;
	[tilespmem:$0x1C400] =	vst v63  }
0x16c: {  	v24 =	vperm.xlane v17, v13;
	v63 =	vadd.s32 v3, v62;
	s2 =	simm.s32 $0x2080  }
0x16d: {  	[tilespmem:s2], [sflag:$0x2] =	stream.indirect_vreg.gather [hbm4b:s0+s8], $0x80, v18, vm0, $0xb8;
	[tilespmem:$0x1C400] =	vst v63  }
0x16e: {  	v25 =	vperm.xlane v17, v14;
	s3 =	simm.s32 $0x2100;
	v18 =	vadd.s32 v3, v24  }
0x16f: {  	[tilespmem:s3], [sflag:$0x2] =	stream.indirect_vreg.gather [hbm4b:s0+s8], $0x80, v19, vm0, $0xb8;
	[tilespmem:$0x1C400] =	vst v63  }
0x170: {  	v26 =	vperm.xlane v17, v15;
	s4 =	simm.s32 $0x2180;
	v19 =	vadd.s32 v3, v25  }
0x171: {  	[tilespmem:s4], [sflag:$0x2] =	stream.indirect_vreg.gather [hbm4b:s0+s8], $0x80, v63, vm0, $0xb8;
	[tilespmem:$0x1C400] =	vst v63  }
0x172: {  	v17 =	vperm.xlane v17, v16;
	v27 =	vadd.s32 v3, v26;
	s2 =	simm.s32 $0x2200  }
0x173: {  	[tilespmem:s2], [sflag:$0x2] =	stream.indirect_vreg.gather [hbm4b:s0+s8], $0x80, v18, vm0, $0xb8;
	[tilespmem:$0x1C400] =	vst v63  }
0x174: {  	v17 =	vadd.s32 v3, v17;
	s3 =	simm.s32 $0x2280  }
0x175: {  	[tilespmem:s3], [sflag:$0x2] =	stream.indirect_vreg.gather [hbm4b:s0+s8], $0x80, v19, vm0, $0xb8;
	[tilespmem:$0x1C400] =	vst v63  }
0x176: {  	s4 =	simm.s32 $0x2300  }
0x177: {  	[tilespmem:s4], [sflag:$0x2] =	stream.indirect_vreg.gather [hbm4b:s0+s8], $0x80, v27, vm0, $0xb8;
	[tilespmem:$0x1C400] =	vst v63  }
0x178: {  	s2 =	simm.s32 $0x2380  }
0x179: {  	[tilespmem:s2], [sflag:$0x2] =	stream.indirect_vreg.gather [hbm4b:s0+s8], $0x80, v17, vm0, $0xb8;
	[tilespmem:$0x1C400] =	vst v63  }
0x17a: {  	v17 =	vld [tilespmem:$0x40];
	_ =	sdelay $0x4  }
0x17b: {  	v18 =	vshll.u32 v17, $0x1  }
0x17c: {  	v17 =	vand.u32 $0x7, v17;
	v18 =	vand.u32 $0xFFFFFFF0, v18  }
0x17d: {  	v17 =	vor.u32 v17, v18  }
0x17e: {  	v18 =	vperm.xlane v17, v2;
	_ =	sdelay $0x1  }
0x17f: {  	v19 =	vperm.xlane v17, v1;
	v18 =	vadd.s32 v3, v18;
	_ =	sdelay $0x1  }
0x180: {  	v28 =	vperm.xlane v17, v4;
	v19 =	vadd.s32 v3, v19;
	_ =	sdelay $0x1  }
0x181: {  	s3 =	simm.s32 $0x2400;
	v29 =	vperm.xlane v17, v5;
	v20 =	vadd.s32 v3, v28  }
0x182: {  	[tilespmem:s3], [sflag:$0x2] =	stream.indirect_vreg.gather [hbm4b:s0+s8], $0x80, v18, vm0, $0xb8;
	[tilespmem:$0x1C400] =	vst v63  }
0x183: {  	s4 =	simm.s32 $0x2480;
	v30 =	vperm.xlane v17, v6;
	v18 =	vadd.s32 v3, v29  }
0x184: {  	[tilespmem:s4], [sflag:$0x2] =	stream.indirect_vreg.gather [hbm4b:s0+s8], $0x80, v19, vm0, $0xb8;
	[tilespmem:$0x1C400] =	vst v63  }
0x185: {  	s2 =	simm.s32 $0x2500;
	v31 =	vperm.xlane v17, v7;
	v19 =	vadd.s32 v3, v30  }
0x186: {  	[tilespmem:s2], [sflag:$0x2] =	stream.indirect_vreg.gather [hbm4b:s0+s8], $0x80, v20, vm0, $0xb8;
	[tilespmem:$0x1C400] =	vst v63  }
0x187: {  	v33 =	vperm.xlane v17, v8;
	v32 =	vadd.s32 v3, v31;
	s3 =	simm.s32 $0x2580  }
0x188: {  	[tilespmem:s3], [sflag:$0x2] =	stream.indirect_vreg.gather [hbm4b:s0+s8], $0x80, v18, vm0, $0xb8;
	[tilespmem:$0x1C400] =	vst v63  }
0x189: {  	v34 =	vperm.xlane v17, v0;
	s4 =	simm.s32 $0x2600;
	v18 =	vadd.s32 v3, v33  }
0x18a: {  	[tilespmem:s4], [sflag:$0x2] =	stream.indirect_vreg.gather [hbm4b:s0+s8], $0x80, v19, vm0, $0xb8;
	[tilespmem:$0x1C400] =	vst v63  }
0x18b: {  	v35 =	vperm.xlane v17, v9;
	s2 =	simm.s32 $0x2680;
	v19 =	vadd.s32 v3, v34  }
0x18c: {  	[tilespmem:s2], [sflag:$0x2] =	stream.indirect_vreg.gather [hbm4b:s0+s8], $0x80, v32, vm0, $0xb8;
	[tilespmem:$0x1C400] =	vst v63  }
0x18d: {  	v37 =	vperm.xlane v17, v10;
	v36 =	vadd.s32 v3, v35;
	s3 =	simm.s32 $0x2700  }
0x18e: {  	[tilespmem:s3], [sflag:$0x2] =	stream.indirect_vreg.gather [hbm4b:s0+s8], $0x80, v18, vm0, $0xb8;
	[tilespmem:$0x1C400] =	vst v63  }
0x18f: {  	v38 =	vperm.xlane v17, v11;
	s4 =	simm.s32 $0x2780;
	v18 =	vadd.s32 v3, v37  }
0x190: {  	[tilespmem:s4], [sflag:$0x2] =	stream.indirect_vreg.gather [hbm4b:s0+s8], $0x80, v19, vm0, $0xb8;
	[tilespmem:$0x1C400] =	vst v63  }
0x191: {  	v39 =	vperm.xlane v17, v12;
	s2 =	simm.s32 $0x2800;
	v19 =	vadd.s32 v3, v38  }
0x192: {  	[tilespmem:s2], [sflag:$0x2] =	stream.indirect_vreg.gather [hbm4b:s0+s8], $0x80, v36, vm0, $0xb8;
	[tilespmem:$0x1C400] =	vst v63  }
0x193: {  	v41 =	vperm.xlane v17, v13;
	v40 =	vadd.s32 v3, v39;
	s3 =	simm.s32 $0x2880  }
0x194: {  	[tilespmem:s3], [sflag:$0x2] =	stream.indirect_vreg.gather [hbm4b:s0+s8], $0x80, v18, vm0, $0xb8;
	[tilespmem:$0x1C400] =	vst v63  }
0x195: {  	v42 =	vperm.xlane v17, v14;
	s4 =	simm.s32 $0x2900;
	v18 =	vadd.s32 v3, v41  }
0x196: {  	[tilespmem:s4], [sflag:$0x2] =	stream.indirect_vreg.gather [hbm4b:s0+s8], $0x80, v19, vm0, $0xb8;
	[tilespmem:$0x1C400] =	vst v63  }
0x197: {  	v43 =	vperm.xlane v17, v15;
	s2 =	simm.s32 $0x2980;
	v19 =	vadd.s32 v3, v42  }
0x198: {  	[tilespmem:s2], [sflag:$0x2] =	stream.indirect_vreg.gather [hbm4b:s0+s8], $0x80, v40, vm0, $0xb8;
	[tilespmem:$0x1C400] =	vst v63  }
0x199: {  	v17 =	vperm.xlane v17, v16;
	v44 =	vadd.s32 v3, v43;
	s3 =	simm.s32 $0x2A00  }
0x19a: {  	[tilespmem:s3], [sflag:$0x2] =	stream.indirect_vreg.gather [hbm4b:s0+s8], $0x80, v18, vm0, $0xb8;
	[tilespmem:$0x1C400] =	vst v63  }
0x19b: {  	v17 =	vadd.s32 v3, v17;
	s4 =	simm.s32 $0x2A80  }
0x19c: {  	[tilespmem:s4], [sflag:$0x2] =	stream.indirect_vreg.gather [hbm4b:s0+s8], $0x80, v19, vm0, $0xb8;
	[tilespmem:$0x1C400] =	vst v63  }
0x19d: {  	s2 =	simm.s32 $0x2B00  }
0x19e: {  	[tilespmem:s2], [sflag:$0x2] =	stream.indirect_vreg.gather [hbm4b:s0+s8], $0x80, v44, vm0, $0xb8;
	[tilespmem:$0x1C400] =	vst v63  }
0x19f: {  	s3 =	simm.s32 $0x2B80  }
0x1a0: {  	[tilespmem:s3], [sflag:$0x2] =	stream.indirect_vreg.gather [hbm4b:s0+s8], $0x80, v17, vm0, $0xb8;
	[tilespmem:$0x1C400] =	vst v63  }
0x1a1: {  	v17 =	vld [tilespmem:$0x50];
	_ =	sdelay $0x4  }
0x1a2: {  	v18 =	vshll.u32 v17, $0x1  }
0x1a3: {  	v17 =	vand.u32 $0x7, v17;
	v18 =	vand.u32 $0xFFFFFFF0, v18  }
0x1a4: {  	v17 =	vor.u32 v17, v18  }
0x1a5: {  	v18 =	vperm.xlane v17, v2;
	_ =	sdelay $0x1  }
0x1a6: {  	v19 =	vperm.xlane v17, v1;
	v18 =	vadd.s32 v3, v18;
	_ =	sdelay $0x1  }
0x1a7: {  	v45 =	vperm.xlane v17, v4;
	v19 =	vadd.s32 v3, v19;
	_ =	sdelay $0x1  }
0x1a8: {  	s4 =	simm.s32 $0x2C00;
	v46 =	vperm.xlane v17, v5;
	v20 =	vadd.s32 v3, v45  }
0x1a9: {  	[tilespmem:s4], [sflag:$0x2] =	stream.indirect_vreg.gather [hbm4b:s0+s8], $0x80, v18, vm0, $0xb8;
	[tilespmem:$0x1C400] =	vst v63  }
0x1aa: {  	s2 =	simm.s32 $0x2C80;
	v47 =	vperm.xlane v17, v6;
	v18 =	vadd.s32 v3, v46  }
0x1ab: {  	[tilespmem:s2], [sflag:$0x2] =	stream.indirect_vreg.gather [hbm4b:s0+s8], $0x80, v19, vm0, $0xb8;
	[tilespmem:$0x1C400] =	vst v63  }
0x1ac: {  	s3 =	simm.s32 $0x2D00;
	v48 =	vperm.xlane v17, v7;
	v19 =	vadd.s32 v3, v47  }
0x1ad: {  	[tilespmem:s3], [sflag:$0x2] =	stream.indirect_vreg.gather [hbm4b:s0+s8], $0x80, v20, vm0, $0xb8;
	[tilespmem:$0x1C400] =	vst v63  }
0x1ae: {  	v50 =	vperm.xlane v17, v8;
	v49 =	vadd.s32 v3, v48;
	s4 =	simm.s32 $0x2D80  }
0x1af: {  	[tilespmem:s4], [sflag:$0x2] =	stream.indirect_vreg.gather [hbm4b:s0+s8], $0x80, v18, vm0, $0xb8;
	[tilespmem:$0x1C400] =	vst v63  }
0x1b0: {  	v51 =	vperm.xlane v17, v0;
	s2 =	simm.s32 $0x2E00;
	v18 =	vadd.s32 v3, v50  }
0x1b1: {  	[tilespmem:s2], [sflag:$0x2] =	stream.indirect_vreg.gather [hbm4b:s0+s8], $0x80, v19, vm0, $0xb8;
	[tilespmem:$0x1C400] =	vst v63  }
0x1b2: {  	v52 =	vperm.xlane v17, v9;
	s3 =	simm.s32 $0x2E80;
	v19 =	vadd.s32 v3, v51  }
0x1b3: {  	[tilespmem:s3], [sflag:$0x2] =	stream.indirect_vreg.gather [hbm4b:s0+s8], $0x80, v49, vm0, $0xb8;
	[tilespmem:$0x1C400] =	vst v63  }
0x1b4: {  	v54 =	vperm.xlane v17, v10;
	v53 =	vadd.s32 v3, v52;
	s4 =	simm.s32 $0x2F00  }
0x1b5: {  	[tilespmem:s4], [sflag:$0x2] =	stream.indirect_vreg.gather [hbm4b:s0+s8], $0x80, v18, vm0, $0xb8;
	[tilespmem:$0x1C400] =	vst v63  }
0x1b6: {  	v55 =	vperm.xlane v17, v11;
	s2 =	simm.s32 $0x2F80;
	v18 =	vadd.s32 v3, v54  }
0x1b7: {  	[tilespmem:s2], [sflag:$0x2] =	stream.indirect_vreg.gather [hbm4b:s0+s8], $0x80, v19, vm0, $0xb8;
	[tilespmem:$0x1C400] =	vst v63  }
0x1b8: {  	v56 =	vperm.xlane v17, v12;
	s3 =	simm.s32 $0x3000;
	v19 =	vadd.s32 v3, v55  }
0x1b9: {  	[tilespmem:s3], [sflag:$0x2] =	stream.indirect_vreg.gather [hbm4b:s0+s8], $0x80, v53, vm0, $0xb8;
	[tilespmem:$0x1C400] =	vst v63  }
0x1ba: {  	v58 =	vperm.xlane v17, v13;
	v57 =	vadd.s32 v3, v56;
	s4 =	simm.s32 $0x3080  }
0x1bb: {  	[tilespmem:s4], [sflag:$0x2] =	stream.indirect_vreg.gather [hbm4b:s0+s8], $0x80, v18, vm0, $0xb8;
	[tilespmem:$0x1C400] =	vst v63  }
0x1bc: {  	v59 =	vperm.xlane v17, v14;
	s2 =	simm.s32 $0x3100;
	v18 =	vadd.s32 v3, v58  }
0x1bd: {  	[tilespmem:s2], [sflag:$0x2] =	stream.indirect_vreg.gather [hbm4b:s0+s8], $0x80, v19, vm0, $0xb8;
	[tilespmem:$0x1C400] =	vst v63  }
0x1be: {  	v60 =	vperm.xlane v17, v15;
	s3 =	simm.s32 $0x3180;
	v19 =	vadd.s32 v3, v59  }
0x1bf: {  	[tilespmem:s3], [sflag:$0x2] =	stream.indirect_vreg.gather [hbm4b:s0+s8], $0x80, v57, vm0, $0xb8;
	[tilespmem:$0x1C400] =	vst v63  }
0x1c0: {  	v17 =	vperm.xlane v17, v16;
	v61 =	vadd.s32 v3, v60;
	s4 =	simm.s32 $0x3200  }
0x1c1: {  	[tilespmem:s4], [sflag:$0x2] =	stream.indirect_vreg.gather [hbm4b:s0+s8], $0x80, v18, vm0, $0xb8;
	[tilespmem:$0x1C400] =	vst v63  }
0x1c2: {  	v17 =	vadd.s32 v3, v17;
	s2 =	simm.s32 $0x3280  }
0x1c3: {  	[tilespmem:s2], [sflag:$0x2] =	stream.indirect_vreg.gather [hbm4b:s0+s8], $0x80, v19, vm0, $0xb8;
	[tilespmem:$0x1C400] =	vst v63  }
0x1c4: {  	s3 =	simm.s32 $0x3300  }
0x1c5: {  	[tilespmem:s3], [sflag:$0x2] =	stream.indirect_vreg.gather [hbm4b:s0+s8], $0x80, v61, vm0, $0xb8;
	[tilespmem:$0x1C400] =	vst v63  }
0x1c6: {  	s4 =	simm.s32 $0x3380  }
0x1c7: {  	[tilespmem:s4], [sflag:$0x2] =	stream.indirect_vreg.gather [hbm4b:s0+s8], $0x80, v17, vm0, $0xb8;
	[tilespmem:$0x1C400] =	vst v63  }
0x1c8: {  	v17 =	vld [tilespmem:$0x60];
	_ =	sdelay $0x4  }
0x1c9: {  	v18 =	vshll.u32 v17, $0x1  }
0x1ca: {  	v17 =	vand.u32 $0x7, v17;
	v18 =	vand.u32 $0xFFFFFFF0, v18  }
0x1cb: {  	v17 =	vor.u32 v17, v18  }
0x1cc: {  	v18 =	vperm.xlane v17, v2;
	_ =	sdelay $0x1  }
0x1cd: {  	v19 =	vperm.xlane v17, v1;
	v18 =	vadd.s32 v3, v18;
	_ =	sdelay $0x1  }
0x1ce: {  	v62 =	vperm.xlane v17, v4;
	v19 =	vadd.s32 v3, v19;
	_ =	sdelay $0x1  }
0x1cf: {  	s2 =	simm.s32 $0x3400;
	v63 =	vperm.xlane v17, v5;
	v20 =	vadd.s32 v3, v62  }
0x1d0: {  	[tilespmem:s2], [sflag:$0x2] =	stream.indirect_vreg.gather [hbm4b:s0+s8], $0x80, v18, vm0, $0xb8;
	[tilespmem:$0x1C400] =	vst v63  }
0x1d1: {  	s3 =	simm.s32 $0x3480;
	v24 =	vperm.xlane v17, v6;
	v18 =	vadd.s32 v3, v63  }
0x1d2: {  	[tilespmem:s3], [sflag:$0x2] =	stream.indirect_vreg.gather [hbm4b:s0+s8], $0x80, v19, vm0, $0xb8;
	[tilespmem:$0x1C400] =	vst v63  }
0x1d3: {  	s4 =	simm.s32 $0x3500;
	v25 =	vperm.xlane v17, v7;
	v19 =	vadd.s32 v3, v24  }
0x1d4: {  	[tilespmem:s4], [sflag:$0x2] =	stream.indirect_vreg.gather [hbm4b:s0+s8], $0x80, v20, vm0, $0xb8;
	[tilespmem:$0x1C400] =	vst v63  }
0x1d5: {  	v27 =	vperm.xlane v17, v8;
	v26 =	vadd.s32 v3, v25;
	s2 =	simm.s32 $0x3580  }
0x1d6: {  	[tilespmem:s2], [sflag:$0x2] =	stream.indirect_vreg.gather [hbm4b:s0+s8], $0x80, v18, vm0, $0xb8;
	[tilespmem:$0x1C400] =	vst v63  }
0x1d7: {  	v28 =	vperm.xlane v17, v0;
	s3 =	simm.s32 $0x3600;
	v18 =	vadd.s32 v3, v27  }
0x1d8: {  	[tilespmem:s3], [sflag:$0x2] =	stream.indirect_vreg.gather [hbm4b:s0+s8], $0x80, v19, vm0, $0xb8;
	[tilespmem:$0x1C400] =	vst v63  }
0x1d9: {  	v29 =	vperm.xlane v17, v9;
	s4 =	simm.s32 $0x3680;
	v19 =	vadd.s32 v3, v28  }
0x1da: {  	[tilespmem:s4], [sflag:$0x2] =	stream.indirect_vreg.gather [hbm4b:s0+s8], $0x80, v26, vm0, $0xb8;
	[tilespmem:$0x1C400] =	vst v63  }
0x1db: {  	v31 =	vperm.xlane v17, v10;
	v30 =	vadd.s32 v3, v29;
	s2 =	simm.s32 $0x3700  }
0x1dc: {  	[tilespmem:s2], [sflag:$0x2] =	stream.indirect_vreg.gather [hbm4b:s0+s8], $0x80, v18, vm0, $0xb8;
	[tilespmem:$0x1C400] =	vst v63  }
0x1dd: {  	v32 =	vperm.xlane v17, v11;
	s3 =	simm.s32 $0x3780;
	v18 =	vadd.s32 v3, v31  }
0x1de: {  	[tilespmem:s3], [sflag:$0x2] =	stream.indirect_vreg.gather [hbm4b:s0+s8], $0x80, v19, vm0, $0xb8;
	[tilespmem:$0x1C400] =	vst v63  }
0x1df: {  	v33 =	vperm.xlane v17, v12;
	s4 =	simm.s32 $0x3800;
	v19 =	vadd.s32 v3, v32  }
0x1e0: {  	[tilespmem:s4], [sflag:$0x2] =	stream.indirect_vreg.gather [hbm4b:s0+s8], $0x80, v30, vm0, $0xb8;
	[tilespmem:$0x1C400] =	vst v63  }
0x1e1: {  	v35 =	vperm.xlane v17, v13;
	v34 =	vadd.s32 v3, v33;
	s2 =	simm.s32 $0x3880  }
0x1e2: {  	[tilespmem:s2], [sflag:$0x2] =	stream.indirect_vreg.gather [hbm4b:s0+s8], $0x80, v18, vm0, $0xb8;
	[tilespmem:$0x1C400] =	vst v63  }
0x1e3: {  	v36 =	vperm.xlane v17, v14;
	s3 =	simm.s32 $0x3900;
	v18 =	vadd.s32 v3, v35  }
0x1e4: {  	[tilespmem:s3], [sflag:$0x2] =	stream.indirect_vreg.gather [hbm4b:s0+s8], $0x80, v19, vm0, $0xb8;
	[tilespmem:$0x1C400] =	vst v63  }
0x1e5: {  	v37 =	vperm.xlane v17, v15;
	s4 =	simm.s32 $0x3980;
	v19 =	vadd.s32 v3, v36  }
0x1e6: {  	[tilespmem:s4], [sflag:$0x2] =	stream.indirect_vreg.gather [hbm4b:s0+s8], $0x80, v34, vm0, $0xb8;
	[tilespmem:$0x1C400] =	vst v63  }
0x1e7: {  	v17 =	vperm.xlane v17, v16;
	v38 =	vadd.s32 v3, v37;
	s2 =	simm.s32 $0x3A00  }
0x1e8: {  	[tilespmem:s2], [sflag:$0x2] =	stream.indirect_vreg.gather [hbm4b:s0+s8], $0x80, v18, vm0, $0xb8;
	[tilespmem:$0x1C400] =	vst v63  }
0x1e9: {  	v17 =	vadd.s32 v3, v17;
	s3 =	simm.s32 $0x3A80  }
0x1ea: {  	[tilespmem:s3], [sflag:$0x2] =	stream.indirect_vreg.gather [hbm4b:s0+s8], $0x80, v19, vm0, $0xb8;
	[tilespmem:$0x1C400] =	vst v63  }
0x1eb: {  	s4 =	simm.s32 $0x3B00  }
0x1ec: {  	[tilespmem:s4], [sflag:$0x2] =	stream.indirect_vreg.gather [hbm4b:s0+s8], $0x80, v38, vm0, $0xb8;
	[tilespmem:$0x1C400] =	vst v63  }
0x1ed: {  	s2 =	simm.s32 $0x3B80  }
0x1ee: {  	[tilespmem:s2], [sflag:$0x2] =	stream.indirect_vreg.gather [hbm4b:s0+s8], $0x80, v17, vm0, $0xb8;
	[tilespmem:$0x1C400] =	vst v63  }
0x1ef: {  	v17 =	vld [tilespmem:$0x70];
	_ =	sdelay $0x4  }
0x1f0: {  	v18 =	vshll.u32 v17, $0x1  }
0x1f1: {  	v17 =	vand.u32 $0x7, v17;
	v18 =	vand.u32 $0xFFFFFFF0, v18  }
0x1f2: {  	v17 =	vor.u32 v17, v18  }
0x1f3: {  	v18 =	vperm.xlane v17, v2;
	_ =	sdelay $0x1  }
0x1f4: {  	v19 =	vperm.xlane v17, v1;
	v18 =	vadd.s32 v3, v18;
	_ =	sdelay $0x1  }
0x1f5: {  	v39 =	vperm.xlane v17, v4;
	v19 =	vadd.s32 v3, v19;
	_ =	sdelay $0x1  }
0x1f6: {  	s3 =	simm.s32 $0x3C00;
	v40 =	vperm.xlane v17, v5;
	v20 =	vadd.s32 v3, v39  }
0x1f7: {  	[tilespmem:s3], [sflag:$0x2] =	stream.indirect_vreg.gather [hbm4b:s0+s8], $0x80, v18, vm0, $0xb8;
	[tilespmem:$0x1C400] =	vst v63  }
0x1f8: {  	s4 =	simm.s32 $0x3C80;
	v41 =	vperm.xlane v17, v6;
	v18 =	vadd.s32 v3, v40  }
0x1f9: {  	[tilespmem:s4], [sflag:$0x2] =	stream.indirect_vreg.gather [hbm4b:s0+s8], $0x80, v19, vm0, $0xb8;
	[tilespmem:$0x1C400] =	vst v63  }
0x1fa: {  	s2 =	simm.s32 $0x3D00;
	v42 =	vperm.xlane v17, v7;
	v19 =	vadd.s32 v3, v41  }
0x1fb: {  	[tilespmem:s2], [sflag:$0x2] =	stream.indirect_vreg.gather [hbm4b:s0+s8], $0x80, v20, vm0, $0xb8;
	[tilespmem:$0x1C400] =	vst v63  }
0x1fc: {  	v44 =	vperm.xlane v17, v8;
	v43 =	vadd.s32 v3, v42;
	s3 =	simm.s32 $0x3D80  }
0x1fd: {  	[tilespmem:s3], [sflag:$0x2] =	stream.indirect_vreg.gather [hbm4b:s0+s8], $0x80, v18, vm0, $0xb8;
	[tilespmem:$0x1C400] =	vst v63  }
0x1fe: {  	v45 =	vperm.xlane v17, v0;
	s4 =	simm.s32 $0x3E00;
	v18 =	vadd.s32 v3, v44  }
0x1ff: {  	[tilespmem:s4], [sflag:$0x2] =	stream.indirect_vreg.gather [hbm4b:s0+s8], $0x80, v19, vm0, $0xb8;
	[tilespmem:$0x1C400] =	vst v63  }
0x200: {  	v46 =	vperm.xlane v17, v9;
	s2 =	simm.s32 $0x3E80;
	v19 =	vadd.s32 v3, v45  }
0x201: {  	[tilespmem:s2], [sflag:$0x2] =	stream.indirect_vreg.gather [hbm4b:s0+s8], $0x80, v43, vm0, $0xb8;
	[tilespmem:$0x1C400] =	vst v63  }
0x202: {  	v48 =	vperm.xlane v17, v10;
	v47 =	vadd.s32 v3, v46;
	s3 =	simm.s32 $0x3F00  }
0x203: {  	[tilespmem:s3], [sflag:$0x2] =	stream.indirect_vreg.gather [hbm4b:s0+s8], $0x80, v18, vm0, $0xb8;
	[tilespmem:$0x1C400] =	vst v63  }
0x204: {  	v49 =	vperm.xlane v17, v11;
	s4 =	simm.s32 $0x3F80;
	v18 =	vadd.s32 v3, v48  }
0x205: {  	[tilespmem:s4], [sflag:$0x2] =	stream.indirect_vreg.gather [hbm4b:s0+s8], $0x80, v19, vm0, $0xb8;
	[tilespmem:$0x1C400] =	vst v63  }
0x206: {  	v50 =	vperm.xlane v17, v12;
	s2 =	simm.s32 $0x4000;
	v19 =	vadd.s32 v3, v49  }
0x207: {  	[tilespmem:s2], [sflag:$0x2] =	stream.indirect_vreg.gather [hbm4b:s0+s8], $0x80, v47, vm0, $0xb8;
	[tilespmem:$0x1C400] =	vst v63  }
0x208: {  	v52 =	vperm.xlane v17, v13;
	v51 =	vadd.s32 v3, v50;
	s3 =	simm.s32 $0x4080  }
0x209: {  	[tilespmem:s3], [sflag:$0x2] =	stream.indirect_vreg.gather [hbm4b:s0+s8], $0x80, v18, vm0, $0xb8;
	[tilespmem:$0x1C400] =	vst v63  }
0x20a: {  	v53 =	vperm.xlane v17, v14;
	s4 =	simm.s32 $0x4100;
	v18 =	vadd.s32 v3, v52  }
0x20b: {  	[tilespmem:s4], [sflag:$0x2] =	stream.indirect_vreg.gather [hbm4b:s0+s8], $0x80, v19, vm0, $0xb8;
	[tilespmem:$0x1C400] =	vst v63  }
0x20c: {  	v54 =	vperm.xlane v17, v15;
	s2 =	simm.s32 $0x4180;
	v19 =	vadd.s32 v3, v53  }
0x20d: {  	[tilespmem:s2], [sflag:$0x2] =	stream.indirect_vreg.gather [hbm4b:s0+s8], $0x80, v51, vm0, $0xb8;
	[tilespmem:$0x1C400] =	vst v63  }
0x20e: {  	v17 =	vperm.xlane v17, v16;
	v55 =	vadd.s32 v3, v54;
	s3 =	simm.s32 $0x4200  }
0x20f: {  	[tilespmem:s3], [sflag:$0x2] =	stream.indirect_vreg.gather [hbm4b:s0+s8], $0x80, v18, vm0, $0xb8;
	[tilespmem:$0x1C400] =	vst v63  }
0x210: {  	v17 =	vadd.s32 v3, v17;
	s4 =	simm.s32 $0x4280  }
0x211: {  	[tilespmem:s4], [sflag:$0x2] =	stream.indirect_vreg.gather [hbm4b:s0+s8], $0x80, v19, vm0, $0xb8;
	[tilespmem:$0x1C400] =	vst v63  }
0x212: {  	s2 =	simm.s32 $0x4300  }
0x213: {  	[tilespmem:s2], [sflag:$0x2] =	stream.indirect_vreg.gather [hbm4b:s0+s8], $0x80, v55, vm0, $0xb8;
	[tilespmem:$0x1C400] =	vst v63  }
0x214: {  	s3 =	simm.s32 $0x4380  }
0x215: {  	[tilespmem:s3], [sflag:$0x2] =	stream.indirect_vreg.gather [hbm4b:s0+s8], $0x80, v17, vm0, $0xb8;
	[tilespmem:$0x1C400] =	vst v63  }
0x216: {  	v17 =	vld [tilespmem:$0x80];
	_ =	sdelay $0x4  }
0x217: {  	v18 =	vshll.u32 v17, $0x1  }
0x218: {  	v17 =	vand.u32 $0x7, v17;
	v18 =	vand.u32 $0xFFFFFFF0, v18  }
0x219: {  	v17 =	vor.u32 v17, v18  }
0x21a: {  	v18 =	vperm.xlane v17, v2;
	_ =	sdelay $0x1  }
0x21b: {  	v19 =	vperm.xlane v17, v1;
	v18 =	vadd.s32 v3, v18;
	_ =	sdelay $0x1  }
0x21c: {  	v56 =	vperm.xlane v17, v4;
	v19 =	vadd.s32 v3, v19;
	_ =	sdelay $0x1  }
0x21d: {  	s3 =	simm.s32 $0x4400;
	v57 =	vperm.xlane v17, v5;
	v20 =	vadd.s32 v3, v56  }
0x21e: {  	[tilespmem:s3], [sflag:$0x2] =	stream.indirect_vreg.gather [hbm4b:s0+s8], $0x80, v18, vm0, $0xb8;
	[tilespmem:$0x1C400] =	vst v63  }
0x21f: {  	s4 =	simm.s32 $0x4480;
	v58 =	vperm.xlane v17, v6;
	v18 =	vadd.s32 v3, v57  }
0x220: {  	[tilespmem:s4], [sflag:$0x2] =	stream.indirect_vreg.gather [hbm4b:s0+s8], $0x80, v19, vm0, $0xb8;
	[tilespmem:$0x1C400] =	vst v63  }
0x221: {  	s2 =	simm.s32 $0x4500;
	v59 =	vperm.xlane v17, v7;
	v19 =	vadd.s32 v3, v58  }
0x222: {  	[tilespmem:s2], [sflag:$0x2] =	stream.indirect_vreg.gather [hbm4b:s0+s8], $0x80, v20, vm0, $0xb8;
	[tilespmem:$0x1C400] =	vst v63  }
0x223: {  	v61 =	vperm.xlane v17, v8;
	v60 =	vadd.s32 v3, v59;
	s4 =	simm.s32 $0x4580  }
0x224: {  	[tilespmem:s4], [sflag:$0x2] =	stream.indirect_vreg.gather [hbm4b:s0+s8], $0x80, v18, vm0, $0xb8;
	[tilespmem:$0x1C400] =	vst v63  }
0x225: {  	v62 =	vperm.xlane v17, v0;
	s2 =	simm.s32 $0x4600;
	v18 =	vadd.s32 v3, v61  }
0x226: {  	[tilespmem:s2], [sflag:$0x2] =	stream.indirect_vreg.gather [hbm4b:s0+s8], $0x80, v19, vm0, $0xb8;
	[tilespmem:$0x1C400] =	vst v63  }
0x227: {  	v63 =	vperm.xlane v17, v9;
	s4 =	simm.s32 $0x4680;
	v19 =	vadd.s32 v3, v62  }
0x228: {  	[tilespmem:s4], [sflag:$0x2] =	stream.indirect_vreg.gather [hbm4b:s0+s8], $0x80, v60, vm0, $0xb8;
	[tilespmem:$0x1C400] =	vst v63  }
0x229: {  	v25 =	vperm.xlane v17, v10;
	v24 =	vadd.s32 v3, v63;
	s2 =	simm.s32 $0x4700  }
0x22a: {  	[tilespmem:s2], [sflag:$0x2] =	stream.indirect_vreg.gather [hbm4b:s0+s8], $0x80, v18, vm0, $0xb8;
	[tilespmem:$0x1C400] =	vst v63  }
0x22b: {  	v26 =	vperm.xlane v17, v11;
	s4 =	simm.s32 $0x4780;
	v18 =	vadd.s32 v3, v25  }
0x22c: {  	[tilespmem:s4], [sflag:$0x2] =	stream.indirect_vreg.gather [hbm4b:s0+s8], $0x80, v19, vm0, $0xb8;
	[tilespmem:$0x1C400] =	vst v63  }
0x22d: {  	v27 =	vperm.xlane v17, v12;
	s2 =	simm.s32 $0x4800;
	v19 =	vadd.s32 v3, v26  }
0x22e: {  	[tilespmem:s2], [sflag:$0x2] =	stream.indirect_vreg.gather [hbm4b:s0+s8], $0x80, v24, vm0, $0xb8;
	[tilespmem:$0x1C400] =	vst v63  }
0x22f: {  	v29 =	vperm.xlane v17, v13;
	v28 =	vadd.s32 v3, v27;
	s4 =	simm.s32 $0x4880  }
0x230: {  	[tilespmem:s4], [sflag:$0x2] =	stream.indirect_vreg.gather [hbm4b:s0+s8], $0x80, v18, vm0, $0xb8;
	[tilespmem:$0x1C400] =	vst v63  }
0x231: {  	v30 =	vperm.xlane v17, v14;
	s2 =	simm.s32 $0x4900;
	v18 =	vadd.s32 v3, v29  }
0x232: {  	[tilespmem:s2], [sflag:$0x2] =	stream.indirect_vreg.gather [hbm4b:s0+s8], $0x80, v19, vm0, $0xb8;
	[tilespmem:$0x1C400] =	vst v63  }
0x233: {  	v31 =	vperm.xlane v17, v15;
	s4 =	simm.s32 $0x4980;
	v19 =	vadd.s32 v3, v30  }
0x234: {  	[tilespmem:s4], [sflag:$0x2] =	stream.indirect_vreg.gather [hbm4b:s0+s8], $0x80, v28, vm0, $0xb8;
	[tilespmem:$0x1C400] =	vst v63  }
0x235: {  	v17 =	vperm.xlane v17, v16;
	v32 =	vadd.s32 v3, v31;
	s2 =	simm.s32 $0x4A00  }
0x236: {  	[tilespmem:s2], [sflag:$0x2] =	stream.indirect_vreg.gather [hbm4b:s0+s8], $0x80, v18, vm0, $0xb8;
	[tilespmem:$0x1C400] =	vst v63  }
0x237: {  	v17 =	vadd.s32 v3, v17;
	s4 =	simm.s32 $0x4A80  }
0x238: {  	[tilespmem:s4], [sflag:$0x2] =	stream.indirect_vreg.gather [hbm4b:s0+s8], $0x80, v19, vm0, $0xb8;
	[tilespmem:$0x1C400] =	vst v63  }
0x239: {  	s2 =	simm.s32 $0x4B00  }
0x23a: {  	[tilespmem:s2], [sflag:$0x2] =	stream.indirect_vreg.gather [hbm4b:s0+s8], $0x80, v32, vm0, $0xb8;
	[tilespmem:$0x1C400] =	vst v63  }
0x23b: {  	s4 =	simm.s32 $0x4B80  }
0x23c: {  	[tilespmem:s4], [sflag:$0x2] =	stream.indirect_vreg.gather [hbm4b:s0+s8], $0x80, v17, vm0, $0xb8;
	[tilespmem:$0x1C400] =	vst v63  }
0x23d: {  	v17 =	vld [tilespmem:$0x90];
	_ =	sdelay $0x4  }
0x23e: {  	v18 =	vshll.u32 v17, $0x1  }
0x23f: {  	v17 =	vand.u32 $0x7, v17;
	v18 =	vand.u32 $0xFFFFFFF0, v18  }
0x240: {  	v17 =	vor.u32 v17, v18  }
0x241: {  	v18 =	vperm.xlane v17, v2;
	_ =	sdelay $0x1  }
0x242: {  	v19 =	vperm.xlane v17, v1;
	v18 =	vadd.s32 v3, v18;
	_ =	sdelay $0x1  }
0x243: {  	v33 =	vperm.xlane v17, v4;
	v19 =	vadd.s32 v3, v19;
	_ =	sdelay $0x1  }
0x244: {  	s2 =	simm.s32 $0x4C00;
	v34 =	vperm.xlane v17, v5;
	v20 =	vadd.s32 v3, v33  }
0x245: {  	[tilespmem:s2], [sflag:$0x2] =	stream.indirect_vreg.gather [hbm4b:s0+s8], $0x80, v18, vm0, $0xb8;
	[tilespmem:$0x1C400] =	vst v63  }
0x246: {  	s4 =	simm.s32 $0x4C80;
	v35 =	vperm.xlane v17, v6;
	v18 =	vadd.s32 v3, v34  }
0x247: {  	[tilespmem:s4], [sflag:$0x2] =	stream.indirect_vreg.gather [hbm4b:s0+s8], $0x80, v19, vm0, $0xb8;
	[tilespmem:$0x1C400] =	vst v63  }
0x248: {  	v36 =	vperm.xlane v17, v7;
	s2 =	simm.s32 $0x4D00;
	v19 =	vadd.s32 v3, v35  }
0x249: {  	[tilespmem:s2], [sflag:$0x2] =	stream.indirect_vreg.gather [hbm4b:s0+s8], $0x80, v20, vm0, $0xb8;
	[tilespmem:$0x1C400] =	vst v63  }
0x24a: {  	v38 =	vperm.xlane v17, v8;
	v37 =	vadd.s32 v3, v36;
	s4 =	simm.s32 $0x4D80  }
0x24b: {  	[tilespmem:s4], [sflag:$0x2] =	stream.indirect_vreg.gather [hbm4b:s0+s8], $0x80, v18, vm0, $0xb8;
	[tilespmem:$0x1C400] =	vst v63  }
0x24c: {  	v39 =	vperm.xlane v17, v0;
	s2 =	simm.s32 $0x4E00;
	v18 =	vadd.s32 v3, v38  }
0x24d: {  	[tilespmem:s2], [sflag:$0x2] =	stream.indirect_vreg.gather [hbm4b:s0+s8], $0x80, v19, vm0, $0xb8;
	[tilespmem:$0x1C400] =	vst v63  }
0x24e: {  	v40 =	vperm.xlane v17, v9;
	s4 =	simm.s32 $0x4E80;
	v19 =	vadd.s32 v3, v39  }
0x24f: {  	[tilespmem:s4], [sflag:$0x2] =	stream.indirect_vreg.gather [hbm4b:s0+s8], $0x80, v37, vm0, $0xb8;
	[tilespmem:$0x1C400] =	vst v63  }
0x250: {  	v42 =	vperm.xlane v17, v10;
	v41 =	vadd.s32 v3, v40;
	s2 =	simm.s32 $0x4F00  }
0x251: {  	[tilespmem:s2], [sflag:$0x2] =	stream.indirect_vreg.gather [hbm4b:s0+s8], $0x80, v18, vm0, $0xb8;
	[tilespmem:$0x1C400] =	vst v63  }
0x252: {  	v43 =	vperm.xlane v17, v11;
	s4 =	simm.s32 $0x4F80;
	v18 =	vadd.s32 v3, v42  }
0x253: {  	[tilespmem:s4], [sflag:$0x2] =	stream.indirect_vreg.gather [hbm4b:s0+s8], $0x80, v19, vm0, $0xb8;
	[tilespmem:$0x1C400] =	vst v63  }
0x254: {  	v44 =	vperm.xlane v17, v12;
	s2 =	simm.s32 $0x5000;
	v19 =	vadd.s32 v3, v43  }
0x255: {  	[tilespmem:s2], [sflag:$0x2] =	stream.indirect_vreg.gather [hbm4b:s0+s8], $0x80, v41, vm0, $0xb8;
	[tilespmem:$0x1C400] =	vst v63  }
0x256: {  	v46 =	vperm.xlane v17, v13;
	v45 =	vadd.s32 v3, v44;
	s4 =	simm.s32 $0x5080  }
0x257: {  	[tilespmem:s4], [sflag:$0x2] =	stream.indirect_vreg.gather [hbm4b:s0+s8], $0x80, v18, vm0, $0xb8;
	[tilespmem:$0x1C400] =	vst v63  }
0x258: {  	v47 =	vperm.xlane v17, v14;
	s2 =	simm.s32 $0x5100;
	v18 =	vadd.s32 v3, v46  }
0x259: {  	[tilespmem:s2], [sflag:$0x2] =	stream.indirect_vreg.gather [hbm4b:s0+s8], $0x80, v19, vm0, $0xb8;
	[tilespmem:$0x1C400] =	vst v63  }
0x25a: {  	v48 =	vperm.xlane v17, v15;
	s4 =	simm.s32 $0x5180;
	v19 =	vadd.s32 v3, v47  }
0x25b: {  	[tilespmem:s4], [sflag:$0x2] =	stream.indirect_vreg.gather [hbm4b:s0+s8], $0x80, v45, vm0, $0xb8;
	[tilespmem:$0x1C400] =	vst v63  }
0x25c: {  	v17 =	vperm.xlane v17, v16;
	v49 =	vadd.s32 v3, v48;
	s2 =	simm.s32 $0x5200  }
0x25d: {  	[tilespmem:s2], [sflag:$0x2] =	stream.indirect_vreg.gather [hbm4b:s0+s8], $0x80, v18, vm0, $0xb8;
	[tilespmem:$0x1C400] =	vst v63  }
0x25e: {  	v17 =	vadd.s32 v3, v17;
	s4 =	simm.s32 $0x5280  }
0x25f: {  	[tilespmem:s4], [sflag:$0x2] =	stream.indirect_vreg.gather [hbm4b:s0+s8], $0x80, v19, vm0, $0xb8;
	[tilespmem:$0x1C400] =	vst v63  }
0x260: {  	s2 =	simm.s32 $0x5300  }
0x261: {  	[tilespmem:s2], [sflag:$0x2] =	stream.indirect_vreg.gather [hbm4b:s0+s8], $0x80, v49, vm0, $0xb8;
	[tilespmem:$0x1C400] =	vst v63  }
0x262: {  	s4 =	simm.s32 $0x5380  }
0x263: {  	[tilespmem:s4], [sflag:$0x2] =	stream.indirect_vreg.gather [hbm4b:s0+s8], $0x80, v17, vm0, $0xb8;
	[tilespmem:$0x1C400] =	vst v63  }
0x264: {  	v17 =	vld [tilespmem:$0xA0];
	_ =	sdelay $0x4  }
0x265: {  	v18 =	vshll.u32 v17, $0x1  }
0x266: {  	v17 =	vand.u32 $0x7, v17;
	v18 =	vand.u32 $0xFFFFFFF0, v18  }
0x267: {  	v17 =	vor.u32 v17, v18  }
0x268: {  	v18 =	vperm.xlane v17, v2;
	_ =	sdelay $0x1  }
0x269: {  	v19 =	vperm.xlane v17, v1;
	v18 =	vadd.s32 v3, v18;
	_ =	sdelay $0x1  }
0x26a: {  	v50 =	vperm.xlane v17, v4;
	v19 =	vadd.s32 v3, v19;
	_ =	sdelay $0x1  }
0x26b: {  	s2 =	simm.s32 $0x5400;
	v51 =	vperm.xlane v17, v5;
	v20 =	vadd.s32 v3, v50  }
0x26c: {  	[tilespmem:s2], [sflag:$0x2] =	stream.indirect_vreg.gather [hbm4b:s0+s8], $0x80, v18, vm0, $0xb8;
	[tilespmem:$0x1C400] =	vst v63  }
0x26d: {  	s4 =	simm.s32 $0x5480;
	v52 =	vperm.xlane v17, v6;
	v18 =	vadd.s32 v3, v51  }
0x26e: {  	[tilespmem:s4], [sflag:$0x2] =	stream.indirect_vreg.gather [hbm4b:s0+s8], $0x80, v19, vm0, $0xb8;
	[tilespmem:$0x1C400] =	vst v63  }
0x26f: {  	v53 =	vperm.xlane v17, v7;
	s2 =	simm.s32 $0x5500;
	v19 =	vadd.s32 v3, v52  }
0x270: {  	[tilespmem:s2], [sflag:$0x2] =	stream.indirect_vreg.gather [hbm4b:s0+s8], $0x80, v20, vm0, $0xb8;
	[tilespmem:$0x1C400] =	vst v63  }
0x271: {  	v55 =	vperm.xlane v17, v8;
	v54 =	vadd.s32 v3, v53;
	s4 =	simm.s32 $0x5580  }
0x272: {  	[tilespmem:s4], [sflag:$0x2] =	stream.indirect_vreg.gather [hbm4b:s0+s8], $0x80, v18, vm0, $0xb8;
	[tilespmem:$0x1C400] =	vst v63  }
0x273: {  	v56 =	vperm.xlane v17, v0;
	s2 =	simm.s32 $0x5600;
	v18 =	vadd.s32 v3, v55  }
0x274: {  	[tilespmem:s2], [sflag:$0x2] =	stream.indirect_vreg.gather [hbm4b:s0+s8], $0x80, v19, vm0, $0xb8;
	[tilespmem:$0x1C400] =	vst v63  }
0x275: {  	v57 =	vperm.xlane v17, v9;
	s4 =	simm.s32 $0x5680;
	v19 =	vadd.s32 v3, v56  }
0x276: {  	[tilespmem:s4], [sflag:$0x2] =	stream.indirect_vreg.gather [hbm4b:s0+s8], $0x80, v54, vm0, $0xb8;
	[tilespmem:$0x1C400] =	vst v63  }
0x277: {  	v59 =	vperm.xlane v17, v10;
	v58 =	vadd.s32 v3, v57;
	s2 =	simm.s32 $0x5700  }
0x278: {  	[tilespmem:s2], [sflag:$0x2] =	stream.indirect_vreg.gather [hbm4b:s0+s8], $0x80, v18, vm0, $0xb8;
	[tilespmem:$0x1C400] =	vst v63  }
0x279: {  	v60 =	vperm.xlane v17, v11;
	s4 =	simm.s32 $0x5780;
	v18 =	vadd.s32 v3, v59  }
0x27a: {  	[tilespmem:s4], [sflag:$0x2] =	stream.indirect_vreg.gather [hbm4b:s0+s8], $0x80, v19, vm0, $0xb8;
	[tilespmem:$0x1C400] =	vst v63  }
0x27b: {  	v61 =	vperm.xlane v17, v12;
	s2 =	simm.s32 $0x5800;
	v19 =	vadd.s32 v3, v60  }
0x27c: {  	[tilespmem:s2], [sflag:$0x2] =	stream.indirect_vreg.gather [hbm4b:s0+s8], $0x80, v58, vm0, $0xb8;
	[tilespmem:$0x1C400] =	vst v63  }
0x27d: {  	v63 =	vperm.xlane v17, v13;
	v62 =	vadd.s32 v3, v61;
	s4 =	simm.s32 $0x5880  }
0x27e: {  	[tilespmem:s4], [sflag:$0x2] =	stream.indirect_vreg.gather [hbm4b:s0+s8], $0x80, v18, vm0, $0xb8;
	[tilespmem:$0x1C400] =	vst v63  }
0x27f: {  	v24 =	vperm.xlane v17, v14;
	s2 =	simm.s32 $0x5900;
	v18 =	vadd.s32 v3, v63  }
0x280: {  	[tilespmem:s2], [sflag:$0x2] =	stream.indirect_vreg.gather [hbm4b:s0+s8], $0x80, v19, vm0, $0xb8;
	[tilespmem:$0x1C400] =	vst v63  }
0x281: {  	v25 =	vperm.xlane v17, v15;
	s4 =	simm.s32 $0x5980;
	v19 =	vadd.s32 v3, v24  }
0x282: {  	[tilespmem:s4], [sflag:$0x2] =	stream.indirect_vreg.gather [hbm4b:s0+s8], $0x80, v62, vm0, $0xb8;
	[tilespmem:$0x1C400] =	vst v63  }
0x283: {  	v17 =	vperm.xlane v17, v16;
	v26 =	vadd.s32 v3, v25;
	s2 =	simm.s32 $0x5A00  }
0x284: {  	[tilespmem:s2], [sflag:$0x2] =	stream.indirect_vreg.gather [hbm4b:s0+s8], $0x80, v18, vm0, $0xb8;
	[tilespmem:$0x1C400] =	vst v63  }
0x285: {  	v17 =	vadd.s32 v3, v17;
	s4 =	simm.s32 $0x5A80  }
0x286: {  	[tilespmem:s4], [sflag:$0x2] =	stream.indirect_vreg.gather [hbm4b:s0+s8], $0x80, v19, vm0, $0xb8;
	[tilespmem:$0x1C400] =	vst v63  }
0x287: {  	s2 =	simm.s32 $0x5B00  }
0x288: {  	[tilespmem:s2], [sflag:$0x2] =	stream.indirect_vreg.gather [hbm4b:s0+s8], $0x80, v26, vm0, $0xb8;
	[tilespmem:$0x1C400] =	vst v63  }
0x289: {  	s4 =	simm.s32 $0x5B80  }
0x28a: {  	[tilespmem:s4], [sflag:$0x2] =	stream.indirect_vreg.gather [hbm4b:s0+s8], $0x80, v17, vm0, $0xb8;
	[tilespmem:$0x1C400] =	vst v63  }
0x28b: {  	v17 =	vld [tilespmem:$0xB0];
	_ =	sdelay $0x4  }
0x28c: {  	v18 =	vshll.u32 v17, $0x1  }
0x28d: {  	v17 =	vand.u32 $0x7, v17;
	v18 =	vand.u32 $0xFFFFFFF0, v18  }
0x28e: {  	v17 =	vor.u32 v17, v18  }
0x28f: {  	v18 =	vperm.xlane v17, v2;
	_ =	sdelay $0x1  }
0x290: {  	v19 =	vperm.xlane v17, v1;
	v18 =	vadd.s32 v3, v18;
	_ =	sdelay $0x1  }
0x291: {  	v27 =	vperm.xlane v17, v4;
	v19 =	vadd.s32 v3, v19;
	_ =	sdelay $0x1  }
0x292: {  	s2 =	simm.s32 $0x5C00;
	v28 =	vperm.xlane v17, v5;
	v20 =	vadd.s32 v3, v27  }
0x293: {  	[tilespmem:s2], [sflag:$0x2] =	stream.indirect_vreg.gather [hbm4b:s0+s8], $0x80, v18, vm0, $0xb8;
	[tilespmem:$0x1C400] =	vst v63  }
0x294: {  	s4 =	simm.s32 $0x5C80;
	v29 =	vperm.xlane v17, v6;
	v18 =	vadd.s32 v3, v28  }
0x295: {  	[tilespmem:s4], [sflag:$0x2] =	stream.indirect_vreg.gather [hbm4b:s0+s8], $0x80, v19, vm0, $0xb8;
	[tilespmem:$0x1C400] =	vst v63  }
0x296: {  	v30 =	vperm.xlane v17, v7;
	s2 =	simm.s32 $0x5D00;
	v19 =	vadd.s32 v3, v29  }
0x297: {  	[tilespmem:s2], [sflag:$0x2] =	stream.indirect_vreg.gather [hbm4b:s0+s8], $0x80, v20, vm0, $0xb8;
	[tilespmem:$0x1C400] =	vst v63  }
0x298: {  	v32 =	vperm.xlane v17, v8;
	v31 =	vadd.s32 v3, v30;
	s4 =	simm.s32 $0x5D80  }
0x299: {  	[tilespmem:s4], [sflag:$0x2] =	stream.indirect_vreg.gather [hbm4b:s0+s8], $0x80, v18, vm0, $0xb8;
	[tilespmem:$0x1C400] =	vst v63  }
0x29a: {  	v33 =	vperm.xlane v17, v0;
	s2 =	simm.s32 $0x5E00;
	v18 =	vadd.s32 v3, v32  }
0x29b: {  	[tilespmem:s2], [sflag:$0x2] =	stream.indirect_vreg.gather [hbm4b:s0+s8], $0x80, v19, vm0, $0xb8;
	[tilespmem:$0x1C400] =	vst v63  }
0x29c: {  	v34 =	vperm.xlane v17, v9;
	s4 =	simm.s32 $0x5E80;
	v19 =	vadd.s32 v3, v33  }
0x29d: {  	[tilespmem:s4], [sflag:$0x2] =	stream.indirect_vreg.gather [hbm4b:s0+s8], $0x80, v31, vm0, $0xb8;
	[tilespmem:$0x1C400] =	vst v63  }
0x29e: {  	v36 =	vperm.xlane v17, v10;
	v35 =	vadd.s32 v3, v34;
	s2 =	simm.s32 $0x5F00  }
0x29f: {  	[tilespmem:s2], [sflag:$0x2] =	stream.indirect_vreg.gather [hbm4b:s0+s8], $0x80, v18, vm0, $0xb8;
	[tilespmem:$0x1C400] =	vst v63  }
0x2a0: {  	v37 =	vperm.xlane v17, v11;
	s4 =	simm.s32 $0x5F80;
	v18 =	vadd.s32 v3, v36  }
0x2a1: {  	[tilespmem:s4], [sflag:$0x2] =	stream.indirect_vreg.gather [hbm4b:s0+s8], $0x80, v19, vm0, $0xb8;
	[tilespmem:$0x1C400] =	vst v63  }
0x2a2: {  	v38 =	vperm.xlane v17, v12;
	s2 =	simm.s32 $0x6000;
	v19 =	vadd.s32 v3, v37  }
0x2a3: {  	[tilespmem:s2], [sflag:$0x2] =	stream.indirect_vreg.gather [hbm4b:s0+s8], $0x80, v35, vm0, $0xb8;
	[tilespmem:$0x1C400] =	vst v63  }
0x2a4: {  	v40 =	vperm.xlane v17, v13;
	v39 =	vadd.s32 v3, v38;
	s4 =	simm.s32 $0x6080  }
0x2a5: {  	[tilespmem:s4], [sflag:$0x2] =	stream.indirect_vreg.gather [hbm4b:s0+s8], $0x80, v18, vm0, $0xb8;
	[tilespmem:$0x1C400] =	vst v63  }
0x2a6: {  	v41 =	vperm.xlane v17, v14;
	s2 =	simm.s32 $0x6100;
	v18 =	vadd.s32 v3, v40  }
0x2a7: {  	[tilespmem:s2], [sflag:$0x2] =	stream.indirect_vreg.gather [hbm4b:s0+s8], $0x80, v19, vm0, $0xb8;
	[tilespmem:$0x1C400] =	vst v63  }
0x2a8: {  	v42 =	vperm.xlane v17, v15;
	s4 =	simm.s32 $0x6180;
	v19 =	vadd.s32 v3, v41  }
0x2a9: {  	[tilespmem:s4], [sflag:$0x2] =	stream.indirect_vreg.gather [hbm4b:s0+s8], $0x80, v39, vm0, $0xb8;
	[tilespmem:$0x1C400] =	vst v63  }
0x2aa: {  	v17 =	vperm.xlane v17, v16;
	v43 =	vadd.s32 v3, v42;
	s2 =	simm.s32 $0x6200  }
0x2ab: {  	[tilespmem:s2], [sflag:$0x2] =	stream.indirect_vreg.gather [hbm4b:s0+s8], $0x80, v18, vm0, $0xb8;
	[tilespmem:$0x1C400] =	vst v63  }
0x2ac: {  	v17 =	vadd.s32 v3, v17;
	s4 =	simm.s32 $0x6280  }
0x2ad: {  	[tilespmem:s4], [sflag:$0x2] =	stream.indirect_vreg.gather [hbm4b:s0+s8], $0x80, v19, vm0, $0xb8;
	[tilespmem:$0x1C400] =	vst v63  }
0x2ae: {  	s2 =	simm.s32 $0x6300  }
0x2af: {  	[tilespmem:s2], [sflag:$0x2] =	stream.indirect_vreg.gather [hbm4b:s0+s8], $0x80, v43, vm0, $0xb8;
	[tilespmem:$0x1C400] =	vst v63  }
0x2b0: {  	s4 =	simm.s32 $0x6380  }
0x2b1: {  	[tilespmem:s4], [sflag:$0x2] =	stream.indirect_vreg.gather [hbm4b:s0+s8], $0x80, v17, vm0, $0xb8;
	[tilespmem:$0x1C400] =	vst v63  }
0x2b2: {  	v17 =	vld [tilespmem:$0xC0];
	_ =	sdelay $0x4  }
0x2b3: {  	v18 =	vshll.u32 v17, $0x1  }
0x2b4: {  	v17 =	vand.u32 $0x7, v17;
	v18 =	vand.u32 $0xFFFFFFF0, v18  }
0x2b5: {  	v17 =	vor.u32 v17, v18  }
0x2b6: {  	v18 =	vperm.xlane v17, v2;
	_ =	sdelay $0x1  }
0x2b7: {  	v19 =	vperm.xlane v17, v1;
	v18 =	vadd.s32 v3, v18;
	_ =	sdelay $0x1  }
0x2b8: {  	v44 =	vperm.xlane v17, v4;
	v19 =	vadd.s32 v3, v19;
	_ =	sdelay $0x1  }
0x2b9: {  	s2 =	simm.s32 $0x6400;
	v45 =	vperm.xlane v17, v5;
	v20 =	vadd.s32 v3, v44  }
0x2ba: {  	[tilespmem:s2], [sflag:$0x2] =	stream.indirect_vreg.gather [hbm4b:s0+s8], $0x80, v18, vm0, $0xb8;
	[tilespmem:$0x1C400] =	vst v63  }
0x2bb: {  	s4 =	simm.s32 $0x6480;
	v46 =	vperm.xlane v17, v6;
	v18 =	vadd.s32 v3, v45  }
0x2bc: {  	[tilespmem:s4], [sflag:$0x2] =	stream.indirect_vreg.gather [hbm4b:s0+s8], $0x80, v19, vm0, $0xb8;
	[tilespmem:$0x1C400] =	vst v63  }
0x2bd: {  	v47 =	vperm.xlane v17, v7;
	s2 =	simm.s32 $0x6500;
	v19 =	vadd.s32 v3, v46  }
0x2be: {  	[tilespmem:s2], [sflag:$0x2] =	stream.indirect_vreg.gather [hbm4b:s0+s8], $0x80, v20, vm0, $0xb8;
	[tilespmem:$0x1C400] =	vst v63  }
0x2bf: {  	v49 =	vperm.xlane v17, v8;
	v48 =	vadd.s32 v3, v47;
	s4 =	simm.s32 $0x6580  }
0x2c0: {  	[tilespmem:s4], [sflag:$0x2] =	stream.indirect_vreg.gather [hbm4b:s0+s8], $0x80, v18, vm0, $0xb8;
	[tilespmem:$0x1C400] =	vst v63  }
0x2c1: {  	v50 =	vperm.xlane v17, v0;
	s2 =	simm.s32 $0x6600;
	v18 =	vadd.s32 v3, v49  }
0x2c2: {  	[tilespmem:s2], [sflag:$0x2] =	stream.indirect_vreg.gather [hbm4b:s0+s8], $0x80, v19, vm0, $0xb8;
	[tilespmem:$0x1C400] =	vst v63  }
0x2c3: {  	v51 =	vperm.xlane v17, v9;
	s4 =	simm.s32 $0x6680;
	v19 =	vadd.s32 v3, v50  }
0x2c4: {  	[tilespmem:s4], [sflag:$0x2] =	stream.indirect_vreg.gather [hbm4b:s0+s8], $0x80, v48, vm0, $0xb8;
	[tilespmem:$0x1C400] =	vst v63  }
0x2c5: {  	v53 =	vperm.xlane v17, v10;
	v52 =	vadd.s32 v3, v51;
	s2 =	simm.s32 $0x6700  }
0x2c6: {  	[tilespmem:s2], [sflag:$0x2] =	stream.indirect_vreg.gather [hbm4b:s0+s8], $0x80, v18, vm0, $0xb8;
	[tilespmem:$0x1C400] =	vst v63  }
0x2c7: {  	v54 =	vperm.xlane v17, v11;
	s4 =	simm.s32 $0x6780;
	v18 =	vadd.s32 v3, v53  }
0x2c8: {  	[tilespmem:s4], [sflag:$0x2] =	stream.indirect_vreg.gather [hbm4b:s0+s8], $0x80, v19, vm0, $0xb8;
	[tilespmem:$0x1C400] =	vst v63  }
0x2c9: {  	v55 =	vperm.xlane v17, v12;
	s2 =	simm.s32 $0x6800;
	v19 =	vadd.s32 v3, v54  }
0x2ca: {  	[tilespmem:s2], [sflag:$0x2] =	stream.indirect_vreg.gather [hbm4b:s0+s8], $0x80, v52, vm0, $0xb8;
	[tilespmem:$0x1C400] =	vst v63  }
0x2cb: {  	v57 =	vperm.xlane v17, v13;
	v56 =	vadd.s32 v3, v55;
	s4 =	simm.s32 $0x6880  }
0x2cc: {  	[tilespmem:s4], [sflag:$0x2] =	stream.indirect_vreg.gather [hbm4b:s0+s8], $0x80, v18, vm0, $0xb8;
	[tilespmem:$0x1C400] =	vst v63  }
0x2cd: {  	v58 =	vperm.xlane v17, v14;
	s2 =	simm.s32 $0x6900;
	v18 =	vadd.s32 v3, v57  }
0x2ce: {  	[tilespmem:s2], [sflag:$0x2] =	stream.indirect_vreg.gather [hbm4b:s0+s8], $0x80, v19, vm0, $0xb8;
	[tilespmem:$0x1C400] =	vst v63  }
0x2cf: {  	v59 =	vperm.xlane v17, v15;
	s4 =	simm.s32 $0x6980;
	v19 =	vadd.s32 v3, v58  }
0x2d0: {  	[tilespmem:s4], [sflag:$0x2] =	stream.indirect_vreg.gather [hbm4b:s0+s8], $0x80, v56, vm0, $0xb8;
	[tilespmem:$0x1C400] =	vst v63  }
0x2d1: {  	v17 =	vperm.xlane v17, v16;
	v60 =	vadd.s32 v3, v59;
	s2 =	simm.s32 $0x6A00  }
0x2d2: {  	[tilespmem:s2], [sflag:$0x2] =	stream.indirect_vreg.gather [hbm4b:s0+s8], $0x80, v18, vm0, $0xb8;
	[tilespmem:$0x1C400] =	vst v63  }
0x2d3: {  	v17 =	vadd.s32 v3, v17;
	s4 =	simm.s32 $0x6A80  }
0x2d4: {  	[tilespmem:s4], [sflag:$0x2] =	stream.indirect_vreg.gather [hbm4b:s0+s8], $0x80, v19, vm0, $0xb8;
	[tilespmem:$0x1C400] =	vst v63  }
0x2d5: {  	s2 =	simm.s32 $0x6B00  }
0x2d6: {  	[tilespmem:s2], [sflag:$0x2] =	stream.indirect_vreg.gather [hbm4b:s0+s8], $0x80, v60, vm0, $0xb8;
	[tilespmem:$0x1C400] =	vst v63  }
0x2d7: {  	s4 =	simm.s32 $0x6B80  }
0x2d8: {  	[tilespmem:s4], [sflag:$0x2] =	stream.indirect_vreg.gather [hbm4b:s0+s8], $0x80, v17, vm0, $0xb8;
	[tilespmem:$0x1C400] =	vst v63  }
0x2d9: {  	v17 =	vld [tilespmem:$0xD0];
	_ =	sdelay $0x4  }
0x2da: {  	v18 =	vshll.u32 v17, $0x1  }
0x2db: {  	v17 =	vand.u32 $0x7, v17;
	v18 =	vand.u32 $0xFFFFFFF0, v18  }
0x2dc: {  	v17 =	vor.u32 v17, v18  }
0x2dd: {  	v18 =	vperm.xlane v17, v2;
	_ =	sdelay $0x1  }
0x2de: {  	v19 =	vperm.xlane v17, v1;
	v18 =	vadd.s32 v3, v18;
	_ =	sdelay $0x1  }
0x2df: {  	v61 =	vperm.xlane v17, v4;
	v19 =	vadd.s32 v3, v19;
	_ =	sdelay $0x1  }
0x2e0: {  	s2 =	simm.s32 $0x6C00;
	v62 =	vperm.xlane v17, v5;
	v20 =	vadd.s32 v3, v61  }
0x2e1: {  	[tilespmem:s2], [sflag:$0x2] =	stream.indirect_vreg.gather [hbm4b:s0+s8], $0x80, v18, vm0, $0xb8;
	[tilespmem:$0x1C400] =	vst v63  }
0x2e2: {  	s4 =	simm.s32 $0x6C80;
	v63 =	vperm.xlane v17, v6;
	v18 =	vadd.s32 v3, v62  }
0x2e3: {  	[tilespmem:s4], [sflag:$0x2] =	stream.indirect_vreg.gather [hbm4b:s0+s8], $0x80, v19, vm0, $0xb8;
	[tilespmem:$0x1C400] =	vst v63  }
0x2e4: {  	v24 =	vperm.xlane v17, v7;
	s2 =	simm.s32 $0x6D00;
	v19 =	vadd.s32 v3, v63  }
0x2e5: {  	[tilespmem:s2], [sflag:$0x2] =	stream.indirect_vreg.gather [hbm4b:s0+s8], $0x80, v20, vm0, $0xb8;
	[tilespmem:$0x1C400] =	vst v63  }
0x2e6: {  	v26 =	vperm.xlane v17, v8;
	v25 =	vadd.s32 v3, v24;
	s4 =	simm.s32 $0x6D80  }
0x2e7: {  	[tilespmem:s4], [sflag:$0x2] =	stream.indirect_vreg.gather [hbm4b:s0+s8], $0x80, v18, vm0, $0xb8;
	[tilespmem:$0x1C400] =	vst v63  }
0x2e8: {  	v27 =	vperm.xlane v17, v0;
	s2 =	simm.s32 $0x6E00;
	v18 =	vadd.s32 v3, v26  }
0x2e9: {  	[tilespmem:s2], [sflag:$0x2] =	stream.indirect_vreg.gather [hbm4b:s0+s8], $0x80, v19, vm0, $0xb8;
	[tilespmem:$0x1C400] =	vst v63  }
0x2ea: {  	v28 =	vperm.xlane v17, v9;
	s4 =	simm.s32 $0x6E80;
	v19 =	vadd.s32 v3, v27  }
0x2eb: {  	[tilespmem:s4], [sflag:$0x2] =	stream.indirect_vreg.gather [hbm4b:s0+s8], $0x80, v25, vm0, $0xb8;
	[tilespmem:$0x1C400] =	vst v63  }
0x2ec: {  	v30 =	vperm.xlane v17, v10;
	v29 =	vadd.s32 v3, v28;
	s2 =	simm.s32 $0x6F00  }
0x2ed: {  	[tilespmem:s2], [sflag:$0x2] =	stream.indirect_vreg.gather [hbm4b:s0+s8], $0x80, v18, vm0, $0xb8;
	[tilespmem:$0x1C400] =	vst v63  }
0x2ee: {  	v31 =	vperm.xlane v17, v11;
	s4 =	simm.s32 $0x6F80;
	v18 =	vadd.s32 v3, v30  }
0x2ef: {  	[tilespmem:s4], [sflag:$0x2] =	stream.indirect_vreg.gather [hbm4b:s0+s8], $0x80, v19, vm0, $0xb8;
	[tilespmem:$0x1C400] =	vst v63  }
0x2f0: {  	v32 =	vperm.xlane v17, v12;
	s2 =	simm.s32 $0x7000;
	v19 =	vadd.s32 v3, v31  }
0x2f1: {  	[tilespmem:s2], [sflag:$0x2] =	stream.indirect_vreg.gather [hbm4b:s0+s8], $0x80, v29, vm0, $0xb8;
	[tilespmem:$0x1C400] =	vst v63  }
0x2f2: {  	v34 =	vperm.xlane v17, v13;
	v33 =	vadd.s32 v3, v32;
	s4 =	simm.s32 $0x7080  }
0x2f3: {  	[tilespmem:s4], [sflag:$0x2] =	stream.indirect_vreg.gather [hbm4b:s0+s8], $0x80, v18, vm0, $0xb8;
	[tilespmem:$0x1C400] =	vst v63  }
0x2f4: {  	v35 =	vperm.xlane v17, v14;
	s2 =	simm.s32 $0x7100;
	v18 =	vadd.s32 v3, v34  }
0x2f5: {  	[tilespmem:s2], [sflag:$0x2] =	stream.indirect_vreg.gather [hbm4b:s0+s8], $0x80, v19, vm0, $0xb8;
	[tilespmem:$0x1C400] =	vst v63  }
0x2f6: {  	v36 =	vperm.xlane v17, v15;
	s4 =	simm.s32 $0x7180;
	v19 =	vadd.s32 v3, v35  }
0x2f7: {  	[tilespmem:s4], [sflag:$0x2] =	stream.indirect_vreg.gather [hbm4b:s0+s8], $0x80, v33, vm0, $0xb8;
	[tilespmem:$0x1C400] =	vst v63  }
0x2f8: {  	v17 =	vperm.xlane v17, v16;
	v37 =	vadd.s32 v3, v36;
	s2 =	simm.s32 $0x7200  }
0x2f9: {  	[tilespmem:s2], [sflag:$0x2] =	stream.indirect_vreg.gather [hbm4b:s0+s8], $0x80, v18, vm0, $0xb8;
	[tilespmem:$0x1C400] =	vst v63  }
0x2fa: {  	v17 =	vadd.s32 v3, v17;
	s4 =	simm.s32 $0x7280  }
0x2fb: {  	[tilespmem:s4], [sflag:$0x2] =	stream.indirect_vreg.gather [hbm4b:s0+s8], $0x80, v19, vm0, $0xb8;
	[tilespmem:$0x1C400] =	vst v63  }
0x2fc: {  	s2 =	simm.s32 $0x7300  }
0x2fd: {  	[tilespmem:s2], [sflag:$0x2] =	stream.indirect_vreg.gather [hbm4b:s0+s8], $0x80, v37, vm0, $0xb8;
	[tilespmem:$0x1C400] =	vst v63  }
0x2fe: {  	s4 =	simm.s32 $0x7380  }
0x2ff: {  	[tilespmem:s4], [sflag:$0x2] =	stream.indirect_vreg.gather [hbm4b:s0+s8], $0x80, v17, vm0, $0xb8;
	[tilespmem:$0x1C400] =	vst v63  }
0x300: {  	v17 =	vld [tilespmem:$0xE0];
	_ =	sdelay $0x4  }
0x301: {  	v18 =	vshll.u32 v17, $0x1  }
0x302: {  	v17 =	vand.u32 $0x7, v17;
	v18 =	vand.u32 $0xFFFFFFF0, v18  }
0x303: {  	v17 =	vor.u32 v17, v18  }
0x304: {  	v18 =	vperm.xlane v17, v2;
	_ =	sdelay $0x1  }
0x305: {  	v19 =	vperm.xlane v17, v1;
	v18 =	vadd.s32 v3, v18;
	_ =	sdelay $0x1  }
0x306: {  	v38 =	vperm.xlane v17, v4;
	v19 =	vadd.s32 v3, v19;
	_ =	sdelay $0x1  }
0x307: {  	s2 =	simm.s32 $0x7400;
	v39 =	vperm.xlane v17, v5;
	v20 =	vadd.s32 v3, v38  }
0x308: {  	[tilespmem:s2], [sflag:$0x2] =	stream.indirect_vreg.gather [hbm4b:s0+s8], $0x80, v18, vm0, $0xb8;
	[tilespmem:$0x1C400] =	vst v63  }
0x309: {  	s4 =	simm.s32 $0x7480;
	v40 =	vperm.xlane v17, v6;
	v18 =	vadd.s32 v3, v39  }
0x30a: {  	[tilespmem:s4], [sflag:$0x2] =	stream.indirect_vreg.gather [hbm4b:s0+s8], $0x80, v19, vm0, $0xb8;
	[tilespmem:$0x1C400] =	vst v63  }
0x30b: {  	v41 =	vperm.xlane v17, v7;
	s2 =	simm.s32 $0x7500;
	v19 =	vadd.s32 v3, v40  }
0x30c: {  	[tilespmem:s2], [sflag:$0x2] =	stream.indirect_vreg.gather [hbm4b:s0+s8], $0x80, v20, vm0, $0xb8;
	[tilespmem:$0x1C400] =	vst v63  }
0x30d: {  	v43 =	vperm.xlane v17, v8;
	v42 =	vadd.s32 v3, v41;
	s4 =	simm.s32 $0x7580  }
0x30e: {  	[tilespmem:s4], [sflag:$0x2] =	stream.indirect_vreg.gather [hbm4b:s0+s8], $0x80, v18, vm0, $0xb8;
	[tilespmem:$0x1C400] =	vst v63  }
0x30f: {  	v44 =	vperm.xlane v17, v0;
	s2 =	simm.s32 $0x7600;
	v18 =	vadd.s32 v3, v43  }
0x310: {  	[tilespmem:s2], [sflag:$0x2] =	stream.indirect_vreg.gather [hbm4b:s0+s8], $0x80, v19, vm0, $0xb8;
	[tilespmem:$0x1C400] =	vst v63  }
0x311: {  	v45 =	vperm.xlane v17, v9;
	s4 =	simm.s32 $0x7680;
	v19 =	vadd.s32 v3, v44  }
0x312: {  	[tilespmem:s4], [sflag:$0x2] =	stream.indirect_vreg.gather [hbm4b:s0+s8], $0x80, v42, vm0, $0xb8;
	[tilespmem:$0x1C400] =	vst v63  }
0x313: {  	v47 =	vperm.xlane v17, v10;
	v46 =	vadd.s32 v3, v45;
	s2 =	simm.s32 $0x7700  }
0x314: {  	[tilespmem:s2], [sflag:$0x2] =	stream.indirect_vreg.gather [hbm4b:s0+s8], $0x80, v18, vm0, $0xb8;
	[tilespmem:$0x1C400] =	vst v63  }
0x315: {  	v48 =	vperm.xlane v17, v11;
	s4 =	simm.s32 $0x7780;
	v18 =	vadd.s32 v3, v47  }
0x316: {  	[tilespmem:s4], [sflag:$0x2] =	stream.indirect_vreg.gather [hbm4b:s0+s8], $0x80, v19, vm0, $0xb8;
	[tilespmem:$0x1C400] =	vst v63  }
0x317: {  	v49 =	vperm.xlane v17, v12;
	s2 =	simm.s32 $0x7800;
	v19 =	vadd.s32 v3, v48  }
0x318: {  	[tilespmem:s2], [sflag:$0x2] =	stream.indirect_vreg.gather [hbm4b:s0+s8], $0x80, v46, vm0, $0xb8;
	[tilespmem:$0x1C400] =	vst v63  }
0x319: {  	v51 =	vperm.xlane v17, v13;
	v50 =	vadd.s32 v3, v49;
	s4 =	simm.s32 $0x7880  }
0x31a: {  	[tilespmem:s4], [sflag:$0x2] =	stream.indirect_vreg.gather [hbm4b:s0+s8], $0x80, v18, vm0, $0xb8;
	[tilespmem:$0x1C400] =	vst v63  }
0x31b: {  	v52 =	vperm.xlane v17, v14;
	s2 =	simm.s32 $0x7900;
	v18 =	vadd.s32 v3, v51  }
0x31c: {  	[tilespmem:s2], [sflag:$0x2] =	stream.indirect_vreg.gather [hbm4b:s0+s8], $0x80, v19, vm0, $0xb8;
	[tilespmem:$0x1C400] =	vst v63  }
0x31d: {  	v53 =	vperm.xlane v17, v15;
	s4 =	simm.s32 $0x7980;
	v19 =	vadd.s32 v3, v52  }
0x31e: {  	[tilespmem:s4], [sflag:$0x2] =	stream.indirect_vreg.gather [hbm4b:s0+s8], $0x80, v50, vm0, $0xb8;
	[tilespmem:$0x1C400] =	vst v63  }
0x31f: {  	v17 =	vperm.xlane v17, v16;
	v54 =	vadd.s32 v3, v53;
	s2 =	simm.s32 $0x7A00  }
0x320: {  	[tilespmem:s2], [sflag:$0x2] =	stream.indirect_vreg.gather [hbm4b:s0+s8], $0x80, v18, vm0, $0xb8;
	[tilespmem:$0x1C400] =	vst v63  }
0x321: {  	v17 =	vadd.s32 v3, v17;
	s4 =	simm.s32 $0x7A80  }
0x322: {  	[tilespmem:s4], [sflag:$0x2] =	stream.indirect_vreg.gather [hbm4b:s0+s8], $0x80, v19, vm0, $0xb8;
	[tilespmem:$0x1C400] =	vst v63  }
0x323: {  	s2 =	simm.s32 $0x7B00  }
0x324: {  	[tilespmem:s2], [sflag:$0x2] =	stream.indirect_vreg.gather [hbm4b:s0+s8], $0x80, v54, vm0, $0xb8;
	[tilespmem:$0x1C400] =	vst v63  }
0x325: {  	s4 =	simm.s32 $0x7B80  }
0x326: {  	[tilespmem:s4], [sflag:$0x2] =	stream.indirect_vreg.gather [hbm4b:s0+s8], $0x80, v17, vm0, $0xb8;
	[tilespmem:$0x1C400] =	vst v63  }
0x327: {  	v17 =	vld [tilespmem:$0xF0];
	_ =	sdelay $0x4  }
0x328: {  	v18 =	vshll.u32 v17, $0x1  }
0x329: {  	v17 =	vand.u32 $0x7, v17;
	v18 =	vand.u32 $0xFFFFFFF0, v18  }
0x32a: {  	v17 =	vor.u32 v17, v18  }
0x32b: {  	v18 =	vperm.xlane v17, v2;
	_ =	sdelay $0x1  }
0x32c: {  	v19 =	vperm.xlane v17, v1;
	v18 =	vadd.s32 v3, v18;
	_ =	sdelay $0x1  }
0x32d: {  	v55 =	vperm.xlane v17, v4;
	v19 =	vadd.s32 v3, v19;
	_ =	sdelay $0x1  }
0x32e: {  	s2 =	simm.s32 $0x7C00;
	v56 =	vperm.xlane v17, v5;
	v20 =	vadd.s32 v3, v55  }
0x32f: {  	[tilespmem:s2], [sflag:$0x2] =	stream.indirect_vreg.gather [hbm4b:s0+s8], $0x80, v18, vm0, $0xb8;
	[tilespmem:$0x1C400] =	vst v63  }
0x330: {  	s4 =	simm.s32 $0x7C80;
	v57 =	vperm.xlane v17, v6;
	v18 =	vadd.s32 v3, v56  }
0x331: {  	[tilespmem:s4], [sflag:$0x2] =	stream.indirect_vreg.gather [hbm4b:s0+s8], $0x80, v19, vm0, $0xb8;
	[tilespmem:$0x1C400] =	vst v63  }
0x332: {  	v58 =	vperm.xlane v17, v7;
	s2 =	simm.s32 $0x7D00;
	v19 =	vadd.s32 v3, v57  }
0x333: {  	[tilespmem:s2], [sflag:$0x2] =	stream.indirect_vreg.gather [hbm4b:s0+s8], $0x80, v20, vm0, $0xb8;
	[tilespmem:$0x1C400] =	vst v63  }
0x334: {  	v60 =	vperm.xlane v17, v8;
	v59 =	vadd.s32 v3, v58;
	s4 =	simm.s32 $0x7D80  }
0x335: {  	[tilespmem:s4], [sflag:$0x2] =	stream.indirect_vreg.gather [hbm4b:s0+s8], $0x80, v18, vm0, $0xb8;
	[tilespmem:$0x1C400] =	vst v63  }
0x336: {  	v61 =	vperm.xlane v17, v0;
	s2 =	simm.s32 $0x7E00;
	v18 =	vadd.s32 v3, v60  }
0x337: {  	[tilespmem:s2], [sflag:$0x2] =	stream.indirect_vreg.gather [hbm4b:s0+s8], $0x80, v19, vm0, $0xb8;
	[tilespmem:$0x1C400] =	vst v63  }
0x338: {  	v62 =	vperm.xlane v17, v9;
	s4 =	simm.s32 $0x7E80;
	v19 =	vadd.s32 v3, v61  }
0x339: {  	[tilespmem:s4], [sflag:$0x2] =	stream.indirect_vreg.gather [hbm4b:s0+s8], $0x80, v59, vm0, $0xb8;
	[tilespmem:$0x1C400] =	vst v63  }
0x33a: {  	v24 =	vperm.xlane v17, v10;
	v63 =	vadd.s32 v3, v62;
	s2 =	simm.s32 $0x7F00  }
0x33b: {  	[tilespmem:s2], [sflag:$0x2] =	stream.indirect_vreg.gather [hbm4b:s0+s8], $0x80, v18, vm0, $0xb8;
	[tilespmem:$0x1C400] =	vst v63  }
0x33c: {  	v25 =	vperm.xlane v17, v11;
	s4 =	simm.s32 $0x7F80;
	v18 =	vadd.s32 v3, v24  }
0x33d: {  	[tilespmem:s4], [sflag:$0x2] =	stream.indirect_vreg.gather [hbm4b:s0+s8], $0x80, v19, vm0, $0xb8;
	[tilespmem:$0x1C400] =	vst v63  }
0x33e: {  	v26 =	vperm.xlane v17, v12;
	s2 =	simm.s32 $0x8000;
	v19 =	vadd.s32 v3, v25  }
0x33f: {  	[tilespmem:s2], [sflag:$0x2] =	stream.indirect_vreg.gather [hbm4b:s0+s8], $0x80, v63, vm0, $0xb8;
	[tilespmem:$0x1C400] =	vst v63  }
0x340: {  	v28 =	vperm.xlane v17, v13;
	v27 =	vadd.s32 v3, v26;
	s4 =	simm.s32 $0x8080  }
0x341: {  	[tilespmem:s4], [sflag:$0x2] =	stream.indirect_vreg.gather [hbm4b:s0+s8], $0x80, v18, vm0, $0xb8;
	[tilespmem:$0x1C400] =	vst v63  }
0x342: {  	v29 =	vperm.xlane v17, v14;
	s2 =	simm.s32 $0x8100;
	v18 =	vadd.s32 v3, v28  }
0x343: {  	[tilespmem:s2], [sflag:$0x2] =	stream.indirect_vreg.gather [hbm4b:s0+s8], $0x80, v19, vm0, $0xb8;
	[tilespmem:$0x1C400] =	vst v63  }
0x344: {  	v30 =	vperm.xlane v17, v15;
	s4 =	simm.s32 $0x8180;
	v19 =	vadd.s32 v3, v29  }
0x345: {  	[tilespmem:s4], [sflag:$0x2] =	stream.indirect_vreg.gather [hbm4b:s0+s8], $0x80, v27, vm0, $0xb8;
	[tilespmem:$0x1C400] =	vst v63  }
0x346: {  	v17 =	vperm.xlane v17, v16;
	v31 =	vadd.s32 v3, v30;
	s2 =	simm.s32 $0x8200  }
0x347: {  	[tilespmem:s2], [sflag:$0x2] =	stream.indirect_vreg.gather [hbm4b:s0+s8], $0x80, v18, vm0, $0xb8;
	[tilespmem:$0x1C400] =	vst v63  }
0x348: {  	v17 =	vadd.s32 v3, v17;
	s4 =	simm.s32 $0x8280  }
0x349: {  	[tilespmem:s4], [sflag:$0x2] =	stream.indirect_vreg.gather [hbm4b:s0+s8], $0x80, v19, vm0, $0xb8;
	[tilespmem:$0x1C400] =	vst v63  }
0x34a: {  	s2 =	simm.s32 $0x8300  }
0x34b: {  	[tilespmem:s2], [sflag:$0x2] =	stream.indirect_vreg.gather [hbm4b:s0+s8], $0x80, v31, vm0, $0xb8;
	[tilespmem:$0x1C400] =	vst v63  }
0x34c: {  	s4 =	simm.s32 $0x8380  }
0x34d: {  	[tilespmem:s4], [sflag:$0x2] =	stream.indirect_vreg.gather [hbm4b:s0+s8], $0x80, v17, vm0, $0xb8;
	[tilespmem:$0x1C400] =	vst v63  }
0x34e: {  	v17 =	vld [tilespmem:$0x100];
	_ =	sdelay $0x4  }
0x34f: {  	v18 =	vshll.u32 v17, $0x1  }
0x350: {  	v17 =	vand.u32 $0x7, v17;
	v18 =	vand.u32 $0xFFFFFFF0, v18  }
0x351: {  	v17 =	vor.u32 v17, v18  }
0x352: {  	v18 =	vperm.xlane v17, v2;
	_ =	sdelay $0x1  }
0x353: {  	v19 =	vperm.xlane v17, v1;
	v18 =	vadd.s32 v3, v18;
	_ =	sdelay $0x1  }
0x354: {  	v32 =	vperm.xlane v17, v4;
	v19 =	vadd.s32 v3, v19;
	_ =	sdelay $0x1  }
0x355: {  	s4 =	simm.s32 $0x8400;
	v33 =	vperm.xlane v17, v5;
	v20 =	vadd.s32 v3, v32  }
0x356: {  	[tilespmem:s4], [sflag:$0x2] =	stream.indirect_vreg.gather [hbm4b:s0+s8], $0x80, v18, vm0, $0xb8;
	[tilespmem:$0x1C400] =	vst v63  }
0x357: {  	s2 =	simm.s32 $0x8480;
	v34 =	vperm.xlane v17, v6;
	v18 =	vadd.s32 v3, v33  }
0x358: {  	[tilespmem:s2], [sflag:$0x2] =	stream.indirect_vreg.gather [hbm4b:s0+s8], $0x80, v19, vm0, $0xb8;
	[tilespmem:$0x1C400] =	vst v63  }
0x359: {  	v35 =	vperm.xlane v17, v7;
	v19 =	vadd.s32 v3, v34;
	s2 =	simm.s32 $0x8500  }
0x35a: {  	[tilespmem:s2], [sflag:$0x2] =	stream.indirect_vreg.gather [hbm4b:s0+s8], $0x80, v20, vm0, $0xb8;
	[tilespmem:$0x1C400] =	vst v63  }
0x35b: {  	v37 =	vperm.xlane v17, v8;
	v36 =	vadd.s32 v3, v35;
	s2 =	simm.s32 $0x8580  }
0x35c: {  	[tilespmem:s2], [sflag:$0x2] =	stream.indirect_vreg.gather [hbm4b:s0+s8], $0x80, v18, vm0, $0xb8;
	[tilespmem:$0x1C400] =	vst v63  }
0x35d: {  	v38 =	vperm.xlane v17, v0;
	v18 =	vadd.s32 v3, v37;
	s2 =	simm.s32 $0x8600  }
0x35e: {  	[tilespmem:s2], [sflag:$0x2] =	stream.indirect_vreg.gather [hbm4b:s0+s8], $0x80, v19, vm0, $0xb8;
	[tilespmem:$0x1C400] =	vst v63  }
0x35f: {  	v39 =	vperm.xlane v17, v9;
	v19 =	vadd.s32 v3, v38;
	s2 =	simm.s32 $0x8680  }
0x360: {  	[tilespmem:s2], [sflag:$0x2] =	stream.indirect_vreg.gather [hbm4b:s0+s8], $0x80, v36, vm0, $0xb8;
	[tilespmem:$0x1C400] =	vst v63  }
0x361: {  	v41 =	vperm.xlane v17, v10;
	v40 =	vadd.s32 v3, v39;
	s2 =	simm.s32 $0x8700  }
0x362: {  	[tilespmem:s2], [sflag:$0x2] =	stream.indirect_vreg.gather [hbm4b:s0+s8], $0x80, v18, vm0, $0xb8;
	[tilespmem:$0x1C400] =	vst v63  }
0x363: {  	v42 =	vperm.xlane v17, v11;
	v18 =	vadd.s32 v3, v41;
	s2 =	simm.s32 $0x8780  }
0x364: {  	[tilespmem:s2], [sflag:$0x2] =	stream.indirect_vreg.gather [hbm4b:s0+s8], $0x80, v19, vm0, $0xb8;
	[tilespmem:$0x1C400] =	vst v63  }
0x365: {  	v43 =	vperm.xlane v17, v12;
	v19 =	vadd.s32 v3, v42;
	s2 =	simm.s32 $0x8800  }
0x366: {  	[tilespmem:s2], [sflag:$0x2] =	stream.indirect_vreg.gather [hbm4b:s0+s8], $0x80, v40, vm0, $0xb8;
	[tilespmem:$0x1C400] =	vst v63  }
0x367: {  	v45 =	vperm.xlane v17, v13;
	v44 =	vadd.s32 v3, v43;
	s2 =	simm.s32 $0x8880  }
0x368: {  	[tilespmem:s2], [sflag:$0x2] =	stream.indirect_vreg.gather [hbm4b:s0+s8], $0x80, v18, vm0, $0xb8;
	[tilespmem:$0x1C400] =	vst v63  }
0x369: {  	v46 =	vperm.xlane v17, v14;
	v18 =	vadd.s32 v3, v45;
	s2 =	simm.s32 $0x8900  }
0x36a: {  	[tilespmem:s2], [sflag:$0x2] =	stream.indirect_vreg.gather [hbm4b:s0+s8], $0x80, v19, vm0, $0xb8;
	[tilespmem:$0x1C400] =	vst v63  }
0x36b: {  	v47 =	vperm.xlane v17, v15;
	v19 =	vadd.s32 v3, v46;
	s2 =	simm.s32 $0x8980  }
0x36c: {  	[tilespmem:s2], [sflag:$0x2] =	stream.indirect_vreg.gather [hbm4b:s0+s8], $0x80, v44, vm0, $0xb8;
	[tilespmem:$0x1C400] =	vst v63  }
0x36d: {  	v17 =	vperm.xlane v17, v16;
	v48 =	vadd.s32 v3, v47;
	s2 =	simm.s32 $0x8A00  }
0x36e: {  	[tilespmem:s2], [sflag:$0x2] =	stream.indirect_vreg.gather [hbm4b:s0+s8], $0x80, v18, vm0, $0xb8;
	[tilespmem:$0x1C400] =	vst v63  }
0x36f: {  	v17 =	vadd.s32 v3, v17;
	s2 =	simm.s32 $0x8A80  }
0x370: {  	[tilespmem:s2], [sflag:$0x2] =	stream.indirect_vreg.gather [hbm4b:s0+s8], $0x80, v19, vm0, $0xb8;
	[tilespmem:$0x1C400] =	vst v63  }
0x371: {  	s2 =	simm.s32 $0x8B00  }
0x372: {  	[tilespmem:s2], [sflag:$0x2] =	stream.indirect_vreg.gather [hbm4b:s0+s8], $0x80, v48, vm0, $0xb8;
	[tilespmem:$0x1C400] =	vst v63  }
0x373: {  	s2 =	simm.s32 $0x8B80  }
0x374: {  	[tilespmem:s2], [sflag:$0x2] =	stream.indirect_vreg.gather [hbm4b:s0+s8], $0x80, v17, vm0, $0xb8;
	[tilespmem:$0x1C400] =	vst v63  }
0x375: {  	v17 =	vld [tilespmem:$0x110];
	_ =	sdelay $0x4  }
0x376: {  	v18 =	vshll.u32 v17, $0x1  }
0x377: {  	v17 =	vand.u32 $0x7, v17;
	v18 =	vand.u32 $0xFFFFFFF0, v18  }
0x378: {  	v17 =	vor.u32 v17, v18  }
0x379: {  	v18 =	vperm.xlane v17, v2;
	_ =	sdelay $0x1  }
0x37a: {  	v19 =	vperm.xlane v17, v1;
	v18 =	vadd.s32 v3, v18;
	_ =	sdelay $0x1  }
0x37b: {  	v49 =	vperm.xlane v17, v4;
	v19 =	vadd.s32 v3, v19;
	_ =	sdelay $0x1  }
0x37c: {  	s2 =	simm.s32 $0x8C00;
	v50 =	vperm.xlane v17, v5;
	v20 =	vadd.s32 v3, v49  }
0x37d: {  	[tilespmem:s2], [sflag:$0x2] =	stream.indirect_vreg.gather [hbm4b:s0+s8], $0x80, v18, vm0, $0xb8;
	[tilespmem:$0x1C400] =	vst v63  }
0x37e: {  	v51 =	vperm.xlane v17, v6;
	v18 =	vadd.s32 v3, v50;
	s2 =	simm.s32 $0x8C80  }
0x37f: {  	[tilespmem:s2], [sflag:$0x2] =	stream.indirect_vreg.gather [hbm4b:s0+s8], $0x80, v19, vm0, $0xb8;
	[tilespmem:$0x1C400] =	vst v63  }
0x380: {  	v52 =	vperm.xlane v17, v7;
	v19 =	vadd.s32 v3, v51;
	s2 =	simm.s32 $0x8D00  }
0x381: {  	[tilespmem:s2], [sflag:$0x2] =	stream.indirect_vreg.gather [hbm4b:s0+s8], $0x80, v20, vm0, $0xb8;
	[tilespmem:$0x1C400] =	vst v63  }
0x382: {  	v54 =	vperm.xlane v17, v8;
	v53 =	vadd.s32 v3, v52;
	s2 =	simm.s32 $0x8D80  }
0x383: {  	[tilespmem:s2], [sflag:$0x2] =	stream.indirect_vreg.gather [hbm4b:s0+s8], $0x80, v18, vm0, $0xb8;
	[tilespmem:$0x1C400] =	vst v63  }
0x384: {  	v55 =	vperm.xlane v17, v0;
	v18 =	vadd.s32 v3, v54;
	s2 =	simm.s32 $0x8E00  }
0x385: {  	[tilespmem:s2], [sflag:$0x2] =	stream.indirect_vreg.gather [hbm4b:s0+s8], $0x80, v19, vm0, $0xb8;
	[tilespmem:$0x1C400] =	vst v63  }
0x386: {  	v56 =	vperm.xlane v17, v9;
	v19 =	vadd.s32 v3, v55;
	s2 =	simm.s32 $0x8E80  }
0x387: {  	[tilespmem:s2], [sflag:$0x2] =	stream.indirect_vreg.gather [hbm4b:s0+s8], $0x80, v53, vm0, $0xb8;
	[tilespmem:$0x1C400] =	vst v63  }
0x388: {  	v58 =	vperm.xlane v17, v10;
	v57 =	vadd.s32 v3, v56;
	s2 =	simm.s32 $0x8F00  }
0x389: {  	[tilespmem:s2], [sflag:$0x2] =	stream.indirect_vreg.gather [hbm4b:s0+s8], $0x80, v18, vm0, $0xb8;
	[tilespmem:$0x1C400] =	vst v63  }
0x38a: {  	v59 =	vperm.xlane v17, v11;
	v18 =	vadd.s32 v3, v58;
	s2 =	simm.s32 $0x8F80  }
0x38b: {  	[tilespmem:s2], [sflag:$0x2] =	stream.indirect_vreg.gather [hbm4b:s0+s8], $0x80, v19, vm0, $0xb8;
	[tilespmem:$0x1C400] =	vst v63  }
0x38c: {  	v60 =	vperm.xlane v17, v12;
	v19 =	vadd.s32 v3, v59;
	s2 =	simm.s32 $0x9000  }
0x38d: {  	[tilespmem:s2], [sflag:$0x2] =	stream.indirect_vreg.gather [hbm4b:s0+s8], $0x80, v57, vm0, $0xb8;
	[tilespmem:$0x1C400] =	vst v63  }
0x38e: {  	v62 =	vperm.xlane v17, v13;
	v61 =	vadd.s32 v3, v60;
	s2 =	simm.s32 $0x9080  }
0x38f: {  	[tilespmem:s2], [sflag:$0x2] =	stream.indirect_vreg.gather [hbm4b:s0+s8], $0x80, v18, vm0, $0xb8;
	[tilespmem:$0x1C400] =	vst v63  }
0x390: {  	v63 =	vperm.xlane v17, v14;
	v18 =	vadd.s32 v3, v62;
	s2 =	simm.s32 $0x9100  }
0x391: {  	[tilespmem:s2], [sflag:$0x2] =	stream.indirect_vreg.gather [hbm4b:s0+s8], $0x80, v19, vm0, $0xb8;
	[tilespmem:$0x1C400] =	vst v63  }
0x392: {  	v24 =	vperm.xlane v17, v15;
	v19 =	vadd.s32 v3, v63;
	s2 =	simm.s32 $0x9180  }
0x393: {  	[tilespmem:s2], [sflag:$0x2] =	stream.indirect_vreg.gather [hbm4b:s0+s8], $0x80, v61, vm0, $0xb8;
	[tilespmem:$0x1C400] =	vst v63  }
0x394: {  	v17 =	vperm.xlane v17, v16;
	v25 =	vadd.s32 v3, v24;
	s2 =	simm.s32 $0x9200  }
0x395: {  	[tilespmem:s2], [sflag:$0x2] =	stream.indirect_vreg.gather [hbm4b:s0+s8], $0x80, v18, vm0, $0xb8;
	[tilespmem:$0x1C400] =	vst v63  }
0x396: {  	v17 =	vadd.s32 v3, v17;
	s2 =	simm.s32 $0x9280  }
0x397: {  	[tilespmem:s2], [sflag:$0x2] =	stream.indirect_vreg.gather [hbm4b:s0+s8], $0x80, v19, vm0, $0xb8;
	[tilespmem:$0x1C400] =	vst v63  }
0x398: {  	s2 =	simm.s32 $0x9300  }
0x399: {  	[tilespmem:s2], [sflag:$0x2] =	stream.indirect_vreg.gather [hbm4b:s0+s8], $0x80, v25, vm0, $0xb8;
	[tilespmem:$0x1C400] =	vst v63  }
0x39a: {  	s2 =	simm.s32 $0x9380  }
0x39b: {  	[tilespmem:s2], [sflag:$0x2] =	stream.indirect_vreg.gather [hbm4b:s0+s8], $0x80, v17, vm0, $0xb8;
	[tilespmem:$0x1C400] =	vst v63  }
0x39c: {  	v17 =	vld [tilespmem:$0x120];
	_ =	sdelay $0x4  }
0x39d: {  	v18 =	vshll.u32 v17, $0x1  }
0x39e: {  	v17 =	vand.u32 $0x7, v17;
	v18 =	vand.u32 $0xFFFFFFF0, v18  }
0x39f: {  	v17 =	vor.u32 v17, v18  }
0x3a0: {  	v18 =	vperm.xlane v17, v2;
	_ =	sdelay $0x1  }
0x3a1: {  	v19 =	vperm.xlane v17, v1;
	v18 =	vadd.s32 v3, v18;
	_ =	sdelay $0x1  }
0x3a2: {  	v26 =	vperm.xlane v17, v4;
	v19 =	vadd.s32 v3, v19;
	_ =	sdelay $0x1  }
0x3a3: {  	s2 =	simm.s32 $0x9400;
	v27 =	vperm.xlane v17, v5;
	v20 =	vadd.s32 v3, v26  }
0x3a4: {  	[tilespmem:s2], [sflag:$0x2] =	stream.indirect_vreg.gather [hbm4b:s0+s8], $0x80, v18, vm0, $0xb8;
	[tilespmem:$0x1C400] =	vst v63  }
0x3a5: {  	v28 =	vperm.xlane v17, v6;
	v18 =	vadd.s32 v3, v27;
	s2 =	simm.s32 $0x9480  }
0x3a6: {  	[tilespmem:s2], [sflag:$0x2] =	stream.indirect_vreg.gather [hbm4b:s0+s8], $0x80, v19, vm0, $0xb8;
	[tilespmem:$0x1C400] =	vst v63  }
0x3a7: {  	v29 =	vperm.xlane v17, v7;
	v19 =	vadd.s32 v3, v28;
	s2 =	simm.s32 $0x9500  }
0x3a8: {  	[tilespmem:s2], [sflag:$0x2] =	stream.indirect_vreg.gather [hbm4b:s0+s8], $0x80, v20, vm0, $0xb8;
	[tilespmem:$0x1C400] =	vst v63  }
0x3a9: {  	v31 =	vperm.xlane v17, v8;
	v30 =	vadd.s32 v3, v29;
	s2 =	simm.s32 $0x9580  }
0x3aa: {  	[tilespmem:s2], [sflag:$0x2] =	stream.indirect_vreg.gather [hbm4b:s0+s8], $0x80, v18, vm0, $0xb8;
	[tilespmem:$0x1C400] =	vst v63  }
0x3ab: {  	v32 =	vperm.xlane v17, v0;
	v18 =	vadd.s32 v3, v31;
	s2 =	simm.s32 $0x9600  }
0x3ac: {  	[tilespmem:s2], [sflag:$0x2] =	stream.indirect_vreg.gather [hbm4b:s0+s8], $0x80, v19, vm0, $0xb8;
	[tilespmem:$0x1C400] =	vst v63  }
0x3ad: {  	v33 =	vperm.xlane v17, v9;
	v19 =	vadd.s32 v3, v32;
	s2 =	simm.s32 $0x9680  }
0x3ae: {  	[tilespmem:s2], [sflag:$0x2] =	stream.indirect_vreg.gather [hbm4b:s0+s8], $0x80, v30, vm0, $0xb8;
	[tilespmem:$0x1C400] =	vst v63  }
0x3af: {  	v35 =	vperm.xlane v17, v10;
	v34 =	vadd.s32 v3, v33;
	s2 =	simm.s32 $0x9700  }
0x3b0: {  	[tilespmem:s2], [sflag:$0x2] =	stream.indirect_vreg.gather [hbm4b:s0+s8], $0x80, v18, vm0, $0xb8;
	[tilespmem:$0x1C400] =	vst v63  }
0x3b1: {  	v36 =	vperm.xlane v17, v11;
	v18 =	vadd.s32 v3, v35;
	s2 =	simm.s32 $0x9780  }
0x3b2: {  	[tilespmem:s2], [sflag:$0x2] =	stream.indirect_vreg.gather [hbm4b:s0+s8], $0x80, v19, vm0, $0xb8;
	[tilespmem:$0x1C400] =	vst v63  }
0x3b3: {  	v37 =	vperm.xlane v17, v12;
	v19 =	vadd.s32 v3, v36;
	s2 =	simm.s32 $0x9800  }
0x3b4: {  	[tilespmem:s2], [sflag:$0x2] =	stream.indirect_vreg.gather [hbm4b:s0+s8], $0x80, v34, vm0, $0xb8;
	[tilespmem:$0x1C400] =	vst v63  }
0x3b5: {  	v39 =	vperm.xlane v17, v13;
	v38 =	vadd.s32 v3, v37;
	s2 =	simm.s32 $0x9880  }
0x3b6: {  	[tilespmem:s2], [sflag:$0x2] =	stream.indirect_vreg.gather [hbm4b:s0+s8], $0x80, v18, vm0, $0xb8;
	[tilespmem:$0x1C400] =	vst v63  }
0x3b7: {  	v40 =	vperm.xlane v17, v14;
	v18 =	vadd.s32 v3, v39;
	s2 =	simm.s32 $0x9900  }
0x3b8: {  	[tilespmem:s2], [sflag:$0x2] =	stream.indirect_vreg.gather [hbm4b:s0+s8], $0x80, v19, vm0, $0xb8;
	[tilespmem:$0x1C400] =	vst v63  }
0x3b9: {  	v41 =	vperm.xlane v17, v15;
	v19 =	vadd.s32 v3, v40;
	s2 =	simm.s32 $0x9980  }
0x3ba: {  	[tilespmem:s2], [sflag:$0x2] =	stream.indirect_vreg.gather [hbm4b:s0+s8], $0x80, v38, vm0, $0xb8;
	[tilespmem:$0x1C400] =	vst v63  }
0x3bb: {  	v17 =	vperm.xlane v17, v16;
	v42 =	vadd.s32 v3, v41;
	s2 =	simm.s32 $0x9A00  }
0x3bc: {  	[tilespmem:s2], [sflag:$0x2] =	stream.indirect_vreg.gather [hbm4b:s0+s8], $0x80, v18, vm0, $0xb8;
	[tilespmem:$0x1C400] =	vst v63  }
0x3bd: {  	v17 =	vadd.s32 v3, v17;
	s2 =	simm.s32 $0x9A80  }
0x3be: {  	[tilespmem:s2], [sflag:$0x2] =	stream.indirect_vreg.gather [hbm4b:s0+s8], $0x80, v19, vm0, $0xb8;
	[tilespmem:$0x1C400] =	vst v63  }
0x3bf: {  	s2 =	simm.s32 $0x9B00  }
0x3c0: {  	[tilespmem:s2], [sflag:$0x2] =	stream.indirect_vreg.gather [hbm4b:s0+s8], $0x80, v42, vm0, $0xb8;
	[tilespmem:$0x1C400] =	vst v63  }
0x3c1: {  	s2 =	simm.s32 $0x9B80  }
0x3c2: {  	[tilespmem:s2], [sflag:$0x2] =	stream.indirect_vreg.gather [hbm4b:s0+s8], $0x80, v17, vm0, $0xb8;
	[tilespmem:$0x1C400] =	vst v63  }
0x3c3: {  	v17 =	vld [tilespmem:$0x130];
	_ =	sdelay $0x4  }
0x3c4: {  	v18 =	vshll.u32 v17, $0x1  }
0x3c5: {  	v17 =	vand.u32 $0x7, v17;
	v18 =	vand.u32 $0xFFFFFFF0, v18  }
0x3c6: {  	v17 =	vor.u32 v17, v18  }
0x3c7: {  	v18 =	vperm.xlane v17, v2;
	_ =	sdelay $0x1  }
0x3c8: {  	v19 =	vperm.xlane v17, v1;
	v18 =	vadd.s32 v3, v18;
	_ =	sdelay $0x1  }
0x3c9: {  	v43 =	vperm.xlane v17, v4;
	v19 =	vadd.s32 v3, v19;
	_ =	sdelay $0x1  }
0x3ca: {  	s2 =	simm.s32 $0x9C00;
	v44 =	vperm.xlane v17, v5;
	v20 =	vadd.s32 v3, v43  }
0x3cb: {  	[tilespmem:s2], [sflag:$0x2] =	stream.indirect_vreg.gather [hbm4b:s0+s8], $0x80, v18, vm0, $0xb8;
	[tilespmem:$0x1C400] =	vst v63  }
0x3cc: {  	v45 =	vperm.xlane v17, v6;
	v18 =	vadd.s32 v3, v44;
	s2 =	simm.s32 $0x9C80  }
0x3cd: {  	[tilespmem:s2], [sflag:$0x2] =	stream.indirect_vreg.gather [hbm4b:s0+s8], $0x80, v19, vm0, $0xb8;
	[tilespmem:$0x1C400] =	vst v63  }
0x3ce: {  	v46 =	vperm.xlane v17, v7;
	v19 =	vadd.s32 v3, v45;
	s2 =	simm.s32 $0x9D00  }
0x3cf: {  	[tilespmem:s2], [sflag:$0x2] =	stream.indirect_vreg.gather [hbm4b:s0+s8], $0x80, v20, vm0, $0xb8;
	[tilespmem:$0x1C400] =	vst v63  }
0x3d0: {  	v48 =	vperm.xlane v17, v8;
	v47 =	vadd.s32 v3, v46;
	s2 =	simm.s32 $0x9D80  }
0x3d1: {  	[tilespmem:s2], [sflag:$0x2] =	stream.indirect_vreg.gather [hbm4b:s0+s8], $0x80, v18, vm0, $0xb8;
	[tilespmem:$0x1C400] =	vst v63  }
0x3d2: {  	v49 =	vperm.xlane v17, v0;
	v18 =	vadd.s32 v3, v48;
	s2 =	simm.s32 $0x9E00  }
0x3d3: {  	[tilespmem:s2], [sflag:$0x2] =	stream.indirect_vreg.gather [hbm4b:s0+s8], $0x80, v19, vm0, $0xb8;
	[tilespmem:$0x1C400] =	vst v63  }
0x3d4: {  	v50 =	vperm.xlane v17, v9;
	v19 =	vadd.s32 v3, v49;
	s2 =	simm.s32 $0x9E80  }
0x3d5: {  	[tilespmem:s2], [sflag:$0x2] =	stream.indirect_vreg.gather [hbm4b:s0+s8], $0x80, v47, vm0, $0xb8;
	[tilespmem:$0x1C400] =	vst v63  }
0x3d6: {  	v52 =	vperm.xlane v17, v10;
	v51 =	vadd.s32 v3, v50;
	s2 =	simm.s32 $0x9F00  }
0x3d7: {  	[tilespmem:s2], [sflag:$0x2] =	stream.indirect_vreg.gather [hbm4b:s0+s8], $0x80, v18, vm0, $0xb8;
	[tilespmem:$0x1C400] =	vst v63  }
0x3d8: {  	v53 =	vperm.xlane v17, v11;
	v18 =	vadd.s32 v3, v52;
	s2 =	simm.s32 $0x9F80  }
0x3d9: {  	[tilespmem:s2], [sflag:$0x2] =	stream.indirect_vreg.gather [hbm4b:s0+s8], $0x80, v19, vm0, $0xb8;
	[tilespmem:$0x1C400] =	vst v63  }
0x3da: {  	v54 =	vperm.xlane v17, v12;
	v19 =	vadd.s32 v3, v53;
	s2 =	simm.s32 $0xA000  }
0x3db: {  	[tilespmem:s2], [sflag:$0x2] =	stream.indirect_vreg.gather [hbm4b:s0+s8], $0x80, v51, vm0, $0xb8;
	[tilespmem:$0x1C400] =	vst v63  }
0x3dc: {  	v56 =	vperm.xlane v17, v13;
	v55 =	vadd.s32 v3, v54;
	s2 =	simm.s32 $0xA080  }
0x3dd: {  	[tilespmem:s2], [sflag:$0x2] =	stream.indirect_vreg.gather [hbm4b:s0+s8], $0x80, v18, vm0, $0xb8;
	[tilespmem:$0x1C400] =	vst v63  }
0x3de: {  	v57 =	vperm.xlane v17, v14;
	v18 =	vadd.s32 v3, v56;
	s2 =	simm.s32 $0xA100  }
0x3df: {  	[tilespmem:s2], [sflag:$0x2] =	stream.indirect_vreg.gather [hbm4b:s0+s8], $0x80, v19, vm0, $0xb8;
	[tilespmem:$0x1C400] =	vst v63  }
0x3e0: {  	v58 =	vperm.xlane v17, v15;
	v19 =	vadd.s32 v3, v57;
	s2 =	simm.s32 $0xA180  }
0x3e1: {  	[tilespmem:s2], [sflag:$0x2] =	stream.indirect_vreg.gather [hbm4b:s0+s8], $0x80, v55, vm0, $0xb8;
	[tilespmem:$0x1C400] =	vst v63  }
0x3e2: {  	v17 =	vperm.xlane v17, v16;
	v59 =	vadd.s32 v3, v58;
	s2 =	simm.s32 $0xA200  }
0x3e3: {  	[tilespmem:s2], [sflag:$0x2] =	stream.indirect_vreg.gather [hbm4b:s0+s8], $0x80, v18, vm0, $0xb8;
	[tilespmem:$0x1C400] =	vst v63  }
0x3e4: {  	v17 =	vadd.s32 v3, v17;
	s2 =	simm.s32 $0xA280  }
0x3e5: {  	[tilespmem:s2], [sflag:$0x2] =	stream.indirect_vreg.gather [hbm4b:s0+s8], $0x80, v19, vm0, $0xb8;
	[tilespmem:$0x1C400] =	vst v63  }
0x3e6: {  	s2 =	simm.s32 $0xA300  }
0x3e7: {  	[tilespmem:s2], [sflag:$0x2] =	stream.indirect_vreg.gather [hbm4b:s0+s8], $0x80, v59, vm0, $0xb8;
	[tilespmem:$0x1C400] =	vst v63  }
0x3e8: {  	s2 =	simm.s32 $0xA380  }
0x3e9: {  	[tilespmem:s2], [sflag:$0x2] =	stream.indirect_vreg.gather [hbm4b:s0+s8], $0x80, v17, vm0, $0xb8;
	[tilespmem:$0x1C400] =	vst v63  }
0x3ea: {  	v17 =	vld [tilespmem:$0x140];
	_ =	sdelay $0x4  }
0x3eb: {  	v18 =	vshll.u32 v17, $0x1  }
0x3ec: {  	v17 =	vand.u32 $0x7, v17;
	v18 =	vand.u32 $0xFFFFFFF0, v18  }
0x3ed: {  	v17 =	vor.u32 v17, v18  }
0x3ee: {  	v18 =	vperm.xlane v17, v2;
	_ =	sdelay $0x1  }
0x3ef: {  	v19 =	vperm.xlane v17, v1;
	v18 =	vadd.s32 v3, v18;
	_ =	sdelay $0x1  }
0x3f0: {  	v60 =	vperm.xlane v17, v4;
	v19 =	vadd.s32 v3, v19;
	_ =	sdelay $0x1  }
0x3f1: {  	s2 =	simm.s32 $0xA400;
	v61 =	vperm.xlane v17, v5;
	v20 =	vadd.s32 v3, v60  }
0x3f2: {  	[tilespmem:s2], [sflag:$0x2] =	stream.indirect_vreg.gather [hbm4b:s0+s8], $0x80, v18, vm0, $0xb8;
	[tilespmem:$0x1C400] =	vst v63  }
0x3f3: {  	v62 =	vperm.xlane v17, v6;
	v18 =	vadd.s32 v3, v61;
	s2 =	simm.s32 $0xA480  }
0x3f4: {  	[tilespmem:s2], [sflag:$0x2] =	stream.indirect_vreg.gather [hbm4b:s0+s8], $0x80, v19, vm0, $0xb8;
	[tilespmem:$0x1C400] =	vst v63  }
0x3f5: {  	v63 =	vperm.xlane v17, v7;
	v19 =	vadd.s32 v3, v62;
	s2 =	simm.s32 $0xA500  }
0x3f6: {  	[tilespmem:s2], [sflag:$0x2] =	stream.indirect_vreg.gather [hbm4b:s0+s8], $0x80, v20, vm0, $0xb8;
	[tilespmem:$0x1C400] =	vst v63  }
0x3f7: {  	v25 =	vperm.xlane v17, v8;
	v24 =	vadd.s32 v3, v63;
	s2 =	simm.s32 $0xA580  }
0x3f8: {  	[tilespmem:s2], [sflag:$0x2] =	stream.indirect_vreg.gather [hbm4b:s0+s8], $0x80, v18, vm0, $0xb8;
	[tilespmem:$0x1C400] =	vst v63  }
0x3f9: {  	v26 =	vperm.xlane v17, v0;
	v18 =	vadd.s32 v3, v25;
	s2 =	simm.s32 $0xA600  }
0x3fa: {  	[tilespmem:s2], [sflag:$0x2] =	stream.indirect_vreg.gather [hbm4b:s0+s8], $0x80, v19, vm0, $0xb8;
	[tilespmem:$0x1C400] =	vst v63  }
0x3fb: {  	v27 =	vperm.xlane v17, v9;
	v19 =	vadd.s32 v3, v26;
	s2 =	simm.s32 $0xA680  }
0x3fc: {  	[tilespmem:s2], [sflag:$0x2] =	stream.indirect_vreg.gather [hbm4b:s0+s8], $0x80, v24, vm0, $0xb8;
	[tilespmem:$0x1C400] =	vst v63  }
0x3fd: {  	v29 =	vperm.xlane v17, v10;
	v28 =	vadd.s32 v3, v27;
	s2 =	simm.s32 $0xA700  }
0x3fe: {  	[tilespmem:s2], [sflag:$0x2] =	stream.indirect_vreg.gather [hbm4b:s0+s8], $0x80, v18, vm0, $0xb8;
	[tilespmem:$0x1C400] =	vst v63  }
0x3ff: {  	v30 =	vperm.xlane v17, v11;
	v18 =	vadd.s32 v3, v29;
	s2 =	simm.s32 $0xA780  }
0x400: {  	[tilespmem:s2], [sflag:$0x2] =	stream.indirect_vreg.gather [hbm4b:s0+s8], $0x80, v19, vm0, $0xb8;
	[tilespmem:$0x1C400] =	vst v63  }
0x401: {  	v31 =	vperm.xlane v17, v12;
	v19 =	vadd.s32 v3, v30;
	s2 =	simm.s32 $0xA800  }
0x402: {  	[tilespmem:s2], [sflag:$0x2] =	stream.indirect_vreg.gather [hbm4b:s0+s8], $0x80, v28, vm0, $0xb8;
	[tilespmem:$0x1C400] =	vst v63  }
0x403: {  	v33 =	vperm.xlane v17, v13;
	v32 =	vadd.s32 v3, v31;
	s2 =	simm.s32 $0xA880  }
0x404: {  	[tilespmem:s2], [sflag:$0x2] =	stream.indirect_vreg.gather [hbm4b:s0+s8], $0x80, v18, vm0, $0xb8;
	[tilespmem:$0x1C400] =	vst v63  }
0x405: {  	v34 =	vperm.xlane v17, v14;
	v18 =	vadd.s32 v3, v33;
	s2 =	simm.s32 $0xA900  }
0x406: {  	[tilespmem:s2], [sflag:$0x2] =	stream.indirect_vreg.gather [hbm4b:s0+s8], $0x80, v19, vm0, $0xb8;
	[tilespmem:$0x1C400] =	vst v63  }
0x407: {  	v35 =	vperm.xlane v17, v15;
	v19 =	vadd.s32 v3, v34;
	s2 =	simm.s32 $0xA980  }
0x408: {  	[tilespmem:s2], [sflag:$0x2] =	stream.indirect_vreg.gather [hbm4b:s0+s8], $0x80, v32, vm0, $0xb8;
	[tilespmem:$0x1C400] =	vst v63  }
0x409: {  	v17 =	vperm.xlane v17, v16;
	v36 =	vadd.s32 v3, v35;
	s2 =	simm.s32 $0xAA00  }
0x40a: {  	[tilespmem:s2], [sflag:$0x2] =	stream.indirect_vreg.gather [hbm4b:s0+s8], $0x80, v18, vm0, $0xb8;
	[tilespmem:$0x1C400] =	vst v63  }
0x40b: {  	v17 =	vadd.s32 v3, v17;
	s2 =	simm.s32 $0xAA80  }
0x40c: {  	[tilespmem:s2], [sflag:$0x2] =	stream.indirect_vreg.gather [hbm4b:s0+s8], $0x80, v19, vm0, $0xb8;
	[tilespmem:$0x1C400] =	vst v63  }
0x40d: {  	s2 =	simm.s32 $0xAB00  }
0x40e: {  	[tilespmem:s2], [sflag:$0x2] =	stream.indirect_vreg.gather [hbm4b:s0+s8], $0x80, v36, vm0, $0xb8;
	[tilespmem:$0x1C400] =	vst v63  }
0x40f: {  	s2 =	simm.s32 $0xAB80  }
0x410: {  	[tilespmem:s2], [sflag:$0x2] =	stream.indirect_vreg.gather [hbm4b:s0+s8], $0x80, v17, vm0, $0xb8;
	[tilespmem:$0x1C400] =	vst v63  }
0x411: {  	v17 =	vld [tilespmem:$0x150];
	_ =	sdelay $0x4  }
0x412: {  	v18 =	vshll.u32 v17, $0x1  }
0x413: {  	v17 =	vand.u32 $0x7, v17;
	v18 =	vand.u32 $0xFFFFFFF0, v18  }
0x414: {  	v17 =	vor.u32 v17, v18  }
0x415: {  	v18 =	vperm.xlane v17, v2;
	_ =	sdelay $0x1  }
0x416: {  	v19 =	vperm.xlane v17, v1;
	v18 =	vadd.s32 v3, v18;
	_ =	sdelay $0x1  }
0x417: {  	v37 =	vperm.xlane v17, v4;
	v19 =	vadd.s32 v3, v19;
	_ =	sdelay $0x1  }
0x418: {  	s2 =	simm.s32 $0xAC00;
	v38 =	vperm.xlane v17, v5;
	v20 =	vadd.s32 v3, v37  }
0x419: {  	[tilespmem:s2], [sflag:$0x2] =	stream.indirect_vreg.gather [hbm4b:s0+s8], $0x80, v18, vm0, $0xb8;
	[tilespmem:$0x1C400] =	vst v63  }
0x41a: {  	v39 =	vperm.xlane v17, v6;
	v18 =	vadd.s32 v3, v38;
	s2 =	simm.s32 $0xAC80  }
0x41b: {  	[tilespmem:s2], [sflag:$0x2] =	stream.indirect_vreg.gather [hbm4b:s0+s8], $0x80, v19, vm0, $0xb8;
	[tilespmem:$0x1C400] =	vst v63  }
0x41c: {  	v40 =	vperm.xlane v17, v7;
	v19 =	vadd.s32 v3, v39;
	s2 =	simm.s32 $0xAD00  }
0x41d: {  	[tilespmem:s2], [sflag:$0x2] =	stream.indirect_vreg.gather [hbm4b:s0+s8], $0x80, v20, vm0, $0xb8;
	[tilespmem:$0x1C400] =	vst v63  }
0x41e: {  	v42 =	vperm.xlane v17, v8;
	v41 =	vadd.s32 v3, v40;
	s2 =	simm.s32 $0xAD80  }
0x41f: {  	[tilespmem:s2], [sflag:$0x2] =	stream.indirect_vreg.gather [hbm4b:s0+s8], $0x80, v18, vm0, $0xb8;
	[tilespmem:$0x1C400] =	vst v63  }
0x420: {  	v43 =	vperm.xlane v17, v0;
	v18 =	vadd.s32 v3, v42;
	s2 =	simm.s32 $0xAE00  }
0x421: {  	[tilespmem:s2], [sflag:$0x2] =	stream.indirect_vreg.gather [hbm4b:s0+s8], $0x80, v19, vm0, $0xb8;
	[tilespmem:$0x1C400] =	vst v63  }
0x422: {  	v44 =	vperm.xlane v17, v9;
	v19 =	vadd.s32 v3, v43;
	s2 =	simm.s32 $0xAE80  }
0x423: {  	[tilespmem:s2], [sflag:$0x2] =	stream.indirect_vreg.gather [hbm4b:s0+s8], $0x80, v41, vm0, $0xb8;
	[tilespmem:$0x1C400] =	vst v63  }
0x424: {  	v46 =	vperm.xlane v17, v10;
	v45 =	vadd.s32 v3, v44;
	s2 =	simm.s32 $0xAF00  }
0x425: {  	[tilespmem:s2], [sflag:$0x2] =	stream.indirect_vreg.gather [hbm4b:s0+s8], $0x80, v18, vm0, $0xb8;
	[tilespmem:$0x1C400] =	vst v63  }
0x426: {  	v47 =	vperm.xlane v17, v11;
	v18 =	vadd.s32 v3, v46;
	s2 =	simm.s32 $0xAF80  }
0x427: {  	[tilespmem:s2], [sflag:$0x2] =	stream.indirect_vreg.gather [hbm4b:s0+s8], $0x80, v19, vm0, $0xb8;
	[tilespmem:$0x1C400] =	vst v63  }
0x428: {  	v48 =	vperm.xlane v17, v12;
	v19 =	vadd.s32 v3, v47;
	s2 =	simm.s32 $0xB000  }
0x429: {  	[tilespmem:s2], [sflag:$0x2] =	stream.indirect_vreg.gather [hbm4b:s0+s8], $0x80, v45, vm0, $0xb8;
	[tilespmem:$0x1C400] =	vst v63  }
0x42a: {  	v50 =	vperm.xlane v17, v13;
	v49 =	vadd.s32 v3, v48;
	s2 =	simm.s32 $0xB080  }
0x42b: {  	[tilespmem:s2], [sflag:$0x2] =	stream.indirect_vreg.gather [hbm4b:s0+s8], $0x80, v18, vm0, $0xb8;
	[tilespmem:$0x1C400] =	vst v63  }
0x42c: {  	v51 =	vperm.xlane v17, v14;
	v18 =	vadd.s32 v3, v50;
	s2 =	simm.s32 $0xB100  }
0x42d: {  	[tilespmem:s2], [sflag:$0x2] =	stream.indirect_vreg.gather [hbm4b:s0+s8], $0x80, v19, vm0, $0xb8;
	[tilespmem:$0x1C400] =	vst v63  }
0x42e: {  	v52 =	vperm.xlane v17, v15;
	v19 =	vadd.s32 v3, v51;
	s2 =	simm.s32 $0xB180  }
0x42f: {  	[tilespmem:s2], [sflag:$0x2] =	stream.indirect_vreg.gather [hbm4b:s0+s8], $0x80, v49, vm0, $0xb8;
	[tilespmem:$0x1C400] =	vst v63  }
0x430: {  	v17 =	vperm.xlane v17, v16;
	v53 =	vadd.s32 v3, v52;
	s2 =	simm.s32 $0xB200  }
0x431: {  	[tilespmem:s2], [sflag:$0x2] =	stream.indirect_vreg.gather [hbm4b:s0+s8], $0x80, v18, vm0, $0xb8;
	[tilespmem:$0x1C400] =	vst v63  }
0x432: {  	v17 =	vadd.s32 v3, v17;
	s2 =	simm.s32 $0xB280  }
0x433: {  	[tilespmem:s2], [sflag:$0x2] =	stream.indirect_vreg.gather [hbm4b:s0+s8], $0x80, v19, vm0, $0xb8;
	[tilespmem:$0x1C400] =	vst v63  }
0x434: {  	s2 =	simm.s32 $0xB300  }
0x435: {  	[tilespmem:s2], [sflag:$0x2] =	stream.indirect_vreg.gather [hbm4b:s0+s8], $0x80, v53, vm0, $0xb8;
	[tilespmem:$0x1C400] =	vst v63  }
0x436: {  	s2 =	simm.s32 $0xB380  }
0x437: {  	[tilespmem:s2], [sflag:$0x2] =	stream.indirect_vreg.gather [hbm4b:s0+s8], $0x80, v17, vm0, $0xb8;
	[tilespmem:$0x1C400] =	vst v63  }
0x438: {  	v17 =	vld [tilespmem:$0x160];
	_ =	sdelay $0x4  }
0x439: {  	v18 =	vshll.u32 v17, $0x1  }
0x43a: {  	v17 =	vand.u32 $0x7, v17;
	v18 =	vand.u32 $0xFFFFFFF0, v18  }
0x43b: {  	v17 =	vor.u32 v17, v18  }
0x43c: {  	v18 =	vperm.xlane v17, v2;
	_ =	sdelay $0x1  }
0x43d: {  	v19 =	vperm.xlane v17, v1;
	v18 =	vadd.s32 v3, v18;
	_ =	sdelay $0x1  }
0x43e: {  	v54 =	vperm.xlane v17, v4;
	v19 =	vadd.s32 v3, v19;
	_ =	sdelay $0x1  }
0x43f: {  	s2 =	simm.s32 $0xB400;
	v55 =	vperm.xlane v17, v5;
	v20 =	vadd.s32 v3, v54  }
0x440: {  	[tilespmem:s2], [sflag:$0x2] =	stream.indirect_vreg.gather [hbm4b:s0+s8], $0x80, v18, vm0, $0xb8;
	[tilespmem:$0x1C400] =	vst v63  }
0x441: {  	v56 =	vperm.xlane v17, v6;
	v18 =	vadd.s32 v3, v55;
	s2 =	simm.s32 $0xB480  }
0x442: {  	[tilespmem:s2], [sflag:$0x2] =	stream.indirect_vreg.gather [hbm4b:s0+s8], $0x80, v19, vm0, $0xb8;
	[tilespmem:$0x1C400] =	vst v63  }
0x443: {  	v57 =	vperm.xlane v17, v7;
	v19 =	vadd.s32 v3, v56;
	s2 =	simm.s32 $0xB500  }
0x444: {  	[tilespmem:s2], [sflag:$0x2] =	stream.indirect_vreg.gather [hbm4b:s0+s8], $0x80, v20, vm0, $0xb8;
	[tilespmem:$0x1C400] =	vst v63  }
0x445: {  	v59 =	vperm.xlane v17, v8;
	v58 =	vadd.s32 v3, v57;
	s2 =	simm.s32 $0xB580  }
0x446: {  	[tilespmem:s2], [sflag:$0x2] =	stream.indirect_vreg.gather [hbm4b:s0+s8], $0x80, v18, vm0, $0xb8;
	[tilespmem:$0x1C400] =	vst v63  }
0x447: {  	v60 =	vperm.xlane v17, v0;
	v18 =	vadd.s32 v3, v59;
	s2 =	simm.s32 $0xB600  }
0x448: {  	[tilespmem:s2], [sflag:$0x2] =	stream.indirect_vreg.gather [hbm4b:s0+s8], $0x80, v19, vm0, $0xb8;
	[tilespmem:$0x1C400] =	vst v63  }
0x449: {  	v61 =	vperm.xlane v17, v9;
	v19 =	vadd.s32 v3, v60;
	s2 =	simm.s32 $0xB680  }
0x44a: {  	[tilespmem:s2], [sflag:$0x2] =	stream.indirect_vreg.gather [hbm4b:s0+s8], $0x80, v58, vm0, $0xb8;
	[tilespmem:$0x1C400] =	vst v63  }
0x44b: {  	v63 =	vperm.xlane v17, v10;
	v62 =	vadd.s32 v3, v61;
	s2 =	simm.s32 $0xB700  }
0x44c: {  	[tilespmem:s2], [sflag:$0x2] =	stream.indirect_vreg.gather [hbm4b:s0+s8], $0x80, v18, vm0, $0xb8;
	[tilespmem:$0x1C400] =	vst v63  }
0x44d: {  	v24 =	vperm.xlane v17, v11;
	v18 =	vadd.s32 v3, v63;
	s2 =	simm.s32 $0xB780  }
0x44e: {  	[tilespmem:s2], [sflag:$0x2] =	stream.indirect_vreg.gather [hbm4b:s0+s8], $0x80, v19, vm0, $0xb8;
	[tilespmem:$0x1C400] =	vst v63  }
0x44f: {  	v25 =	vperm.xlane v17, v12;
	v19 =	vadd.s32 v3, v24;
	s2 =	simm.s32 $0xB800  }
0x450: {  	[tilespmem:s2], [sflag:$0x2] =	stream.indirect_vreg.gather [hbm4b:s0+s8], $0x80, v62, vm0, $0xb8;
	[tilespmem:$0x1C400] =	vst v63  }
0x451: {  	v27 =	vperm.xlane v17, v13;
	v26 =	vadd.s32 v3, v25;
	s2 =	simm.s32 $0xB880  }
0x452: {  	[tilespmem:s2], [sflag:$0x2] =	stream.indirect_vreg.gather [hbm4b:s0+s8], $0x80, v18, vm0, $0xb8;
	[tilespmem:$0x1C400] =	vst v63  }
0x453: {  	v28 =	vperm.xlane v17, v14;
	v18 =	vadd.s32 v3, v27;
	s2 =	simm.s32 $0xB900  }
0x454: {  	[tilespmem:s2], [sflag:$0x2] =	stream.indirect_vreg.gather [hbm4b:s0+s8], $0x80, v19, vm0, $0xb8;
	[tilespmem:$0x1C400] =	vst v63  }
0x455: {  	v29 =	vperm.xlane v17, v15;
	v19 =	vadd.s32 v3, v28;
	s2 =	simm.s32 $0xB980  }
0x456: {  	[tilespmem:s2], [sflag:$0x2] =	stream.indirect_vreg.gather [hbm4b:s0+s8], $0x80, v26, vm0, $0xb8;
	[tilespmem:$0x1C400] =	vst v63  }
0x457: {  	v17 =	vperm.xlane v17, v16;
	v30 =	vadd.s32 v3, v29;
	s2 =	simm.s32 $0xBA00  }
0x458: {  	[tilespmem:s2], [sflag:$0x2] =	stream.indirect_vreg.gather [hbm4b:s0+s8], $0x80, v18, vm0, $0xb8;
	[tilespmem:$0x1C400] =	vst v63  }
0x459: {  	v17 =	vadd.s32 v3, v17;
	s2 =	simm.s32 $0xBA80  }
0x45a: {  	[tilespmem:s2], [sflag:$0x2] =	stream.indirect_vreg.gather [hbm4b:s0+s8], $0x80, v19, vm0, $0xb8;
	[tilespmem:$0x1C400] =	vst v63  }
0x45b: {  	s2 =	simm.s32 $0xBB00  }
0x45c: {  	[tilespmem:s2], [sflag:$0x2] =	stream.indirect_vreg.gather [hbm4b:s0+s8], $0x80, v30, vm0, $0xb8;
	[tilespmem:$0x1C400] =	vst v63  }
0x45d: {  	s2 =	simm.s32 $0xBB80  }
0x45e: {  	[tilespmem:s2], [sflag:$0x2] =	stream.indirect_vreg.gather [hbm4b:s0+s8], $0x80, v17, vm0, $0xb8;
	[tilespmem:$0x1C400] =	vst v63  }
0x45f: {  	v17 =	vld [tilespmem:$0x170];
	_ =	sdelay $0x4  }
0x460: {  	v18 =	vshll.u32 v17, $0x1  }
0x461: {  	v17 =	vand.u32 $0x7, v17;
	v18 =	vand.u32 $0xFFFFFFF0, v18  }
0x462: {  	v17 =	vor.u32 v17, v18  }
0x463: {  	v18 =	vperm.xlane v17, v2;
	_ =	sdelay $0x1  }
0x464: {  	v19 =	vperm.xlane v17, v1;
	v18 =	vadd.s32 v3, v18;
	_ =	sdelay $0x1  }
0x465: {  	v31 =	vperm.xlane v17, v4;
	v19 =	vadd.s32 v3, v19;
	_ =	sdelay $0x1  }
0x466: {  	s2 =	simm.s32 $0xBC00;
	v32 =	vperm.xlane v17, v5;
	v20 =	vadd.s32 v3, v31  }
0x467: {  	[tilespmem:s2], [sflag:$0x2] =	stream.indirect_vreg.gather [hbm4b:s0+s8], $0x80, v18, vm0, $0xb8;
	[tilespmem:$0x1C400] =	vst v63  }
0x468: {  	v33 =	vperm.xlane v17, v6;
	v18 =	vadd.s32 v3, v32;
	s2 =	simm.s32 $0xBC80  }
0x469: {  	[tilespmem:s2], [sflag:$0x2] =	stream.indirect_vreg.gather [hbm4b:s0+s8], $0x80, v19, vm0, $0xb8;
	[tilespmem:$0x1C400] =	vst v63  }
0x46a: {  	v34 =	vperm.xlane v17, v7;
	v19 =	vadd.s32 v3, v33;
	s2 =	simm.s32 $0xBD00  }
0x46b: {  	[tilespmem:s2], [sflag:$0x2] =	stream.indirect_vreg.gather [hbm4b:s0+s8], $0x80, v20, vm0, $0xb8;
	[tilespmem:$0x1C400] =	vst v63  }
0x46c: {  	v36 =	vperm.xlane v17, v8;
	v35 =	vadd.s32 v3, v34;
	s2 =	simm.s32 $0xBD80  }
0x46d: {  	[tilespmem:s2], [sflag:$0x2] =	stream.indirect_vreg.gather [hbm4b:s0+s8], $0x80, v18, vm0, $0xb8;
	[tilespmem:$0x1C400] =	vst v63  }
0x46e: {  	v37 =	vperm.xlane v17, v0;
	v18 =	vadd.s32 v3, v36;
	s2 =	simm.s32 $0xBE00  }
0x46f: {  	[tilespmem:s2], [sflag:$0x2] =	stream.indirect_vreg.gather [hbm4b:s0+s8], $0x80, v19, vm0, $0xb8;
	[tilespmem:$0x1C400] =	vst v63  }
0x470: {  	v38 =	vperm.xlane v17, v9;
	v19 =	vadd.s32 v3, v37;
	s2 =	simm.s32 $0xBE80  }
0x471: {  	[tilespmem:s2], [sflag:$0x2] =	stream.indirect_vreg.gather [hbm4b:s0+s8], $0x80, v35, vm0, $0xb8;
	[tilespmem:$0x1C400] =	vst v63  }
0x472: {  	v40 =	vperm.xlane v17, v10;
	v39 =	vadd.s32 v3, v38;
	s2 =	simm.s32 $0xBF00  }
0x473: {  	[tilespmem:s2], [sflag:$0x2] =	stream.indirect_vreg.gather [hbm4b:s0+s8], $0x80, v18, vm0, $0xb8;
	[tilespmem:$0x1C400] =	vst v63  }
0x474: {  	v41 =	vperm.xlane v17, v11;
	v18 =	vadd.s32 v3, v40;
	s2 =	simm.s32 $0xBF80  }
0x475: {  	[tilespmem:s2], [sflag:$0x2] =	stream.indirect_vreg.gather [hbm4b:s0+s8], $0x80, v19, vm0, $0xb8;
	[tilespmem:$0x1C400] =	vst v63  }
0x476: {  	v42 =	vperm.xlane v17, v12;
	v19 =	vadd.s32 v3, v41;
	s2 =	simm.s32 $0xC000  }
0x477: {  	[tilespmem:s2], [sflag:$0x2] =	stream.indirect_vreg.gather [hbm4b:s0+s8], $0x80, v39, vm0, $0xb8;
	[tilespmem:$0x1C400] =	vst v63  }
0x478: {  	v44 =	vperm.xlane v17, v13;
	v43 =	vadd.s32 v3, v42;
	s2 =	simm.s32 $0xC080  }
0x479: {  	[tilespmem:s2], [sflag:$0x2] =	stream.indirect_vreg.gather [hbm4b:s0+s8], $0x80, v18, vm0, $0xb8;
	[tilespmem:$0x1C400] =	vst v63  }
0x47a: {  	v45 =	vperm.xlane v17, v14;
	v18 =	vadd.s32 v3, v44;
	s2 =	simm.s32 $0xC100  }
0x47b: {  	[tilespmem:s2], [sflag:$0x2] =	stream.indirect_vreg.gather [hbm4b:s0+s8], $0x80, v19, vm0, $0xb8;
	[tilespmem:$0x1C400] =	vst v63  }
0x47c: {  	v46 =	vperm.xlane v17, v15;
	v19 =	vadd.s32 v3, v45;
	s2 =	simm.s32 $0xC180  }
0x47d: {  	[tilespmem:s2], [sflag:$0x2] =	stream.indirect_vreg.gather [hbm4b:s0+s8], $0x80, v43, vm0, $0xb8;
	[tilespmem:$0x1C400] =	vst v63  }
0x47e: {  	v17 =	vperm.xlane v17, v16;
	v47 =	vadd.s32 v3, v46;
	s2 =	simm.s32 $0xC200  }
0x47f: {  	[tilespmem:s2], [sflag:$0x2] =	stream.indirect_vreg.gather [hbm4b:s0+s8], $0x80, v18, vm0, $0xb8;
	[tilespmem:$0x1C400] =	vst v63  }
0x480: {  	v17 =	vadd.s32 v3, v17;
	s2 =	simm.s32 $0xC280  }
0x481: {  	[tilespmem:s2], [sflag:$0x2] =	stream.indirect_vreg.gather [hbm4b:s0+s8], $0x80, v19, vm0, $0xb8;
	[tilespmem:$0x1C400] =	vst v63  }
0x482: {  	s2 =	simm.s32 $0xC300  }
0x483: {  	[tilespmem:s2], [sflag:$0x2] =	stream.indirect_vreg.gather [hbm4b:s0+s8], $0x80, v47, vm0, $0xb8;
	[tilespmem:$0x1C400] =	vst v63  }
0x484: {  	s2 =	simm.s32 $0xC380  }
0x485: {  	[tilespmem:s2], [sflag:$0x2] =	stream.indirect_vreg.gather [hbm4b:s0+s8], $0x80, v17, vm0, $0xb8;
	[tilespmem:$0x1C400] =	vst v63  }
0x486: {  	s2 =	simm.s32 $0x2  }
0x487: {  	_ =	swait.ge [sflag:s2], $0x4000  }
0x488: {  	[sflag:s2] =	ssyncset.done $0x0  }
0x489: {  	s1 =	rddreg [dreg:$0x13];
	[sflag:s2] =	ssyncadd.s32 $0xFFFFC000  }
0x48a: {  	[hbm4b:s1+s8] =	stream.linear.scatter [tilespmem:s5], [sflag:$0x4], $0x4000, $0x38;
	[tilespmem:$0x1C400] =	vst v63  }
0x48b: {  	_ =	swait.ge [sflag:s2], $0x4000  }
0x48c: {  	[sflag:s2] =	ssyncset.done $0x0  }
0x48d: {  	s1 =	rddreg [dreg:$0x14];
	[sflag:s2] =	ssyncadd.s32 $0xFFFFC000  }
0x48e: {  	[hbm4b:s1+s8] =	stream.linear.scatter [tilespmem:s3], [sflag:$0x4], $0x4000, $0x38;
	[tilespmem:$0x1C400] =	vst v63  }
0x48f: {  	s1 =	simm.s32 $0x4  }
0x490: {  	_ =	swait.ge [sflag:s1], $0x4000  }
0x491: {  	[sflag:s1] =	ssyncset.done $0x0  }
0x492: {  	[sflag:s1] =	ssyncadd.s32 $0xFFFFC000  }
0x493: {  	v17 =	vld [tilespmem:$0x180];
	_ =	sdelay $0x4  }
0x494: {  	v18 =	vshll.u32 v17, $0x1  }
0x495: {  	v17 =	vand.u32 $0x7, v17;
	v18 =	vand.u32 $0xFFFFFFF0, v18  }
0x496: {  	v17 =	vor.u32 v17, v18  }
0x497: {  	v18 =	vperm.xlane v17, v2;
	_ =	sdelay $0x1  }
0x498: {  	v19 =	vperm.xlane v17, v1;
	v18 =	vadd.s32 v3, v18;
	_ =	sdelay $0x1  }
0x499: {  	v48 =	vperm.xlane v17, v4;
	v19 =	vadd.s32 v3, v19;
	_ =	sdelay $0x1  }
0x49a: {  	v49 =	vperm.xlane v17, v5;
	v20 =	vadd.s32 v3, v48  }
0x49b: {  	[tilespmem:s5], [sflag:$0x2] =	stream.indirect_vreg.gather [hbm4b:s0+s8], $0x80, v18, vm0, $0xb8;
	[tilespmem:$0x1C400] =	vst v63  }
0x49c: {  	s3 =	simm.s32 $0x480;
	v50 =	vperm.xlane v17, v6;
	v18 =	vadd.s32 v3, v49  }
0x49d: {  	[tilespmem:s3], [sflag:$0x2] =	stream.indirect_vreg.gather [hbm4b:s0+s8], $0x80, v19, vm0, $0xb8;
	[tilespmem:$0x1C400] =	vst v63  }
0x49e: {  	v51 =	vperm.xlane v17, v7;
	v19 =	vadd.s32 v3, v50;
	s3 =	simm.s32 $0x500  }
0x49f: {  	[tilespmem:s3], [sflag:$0x2] =	stream.indirect_vreg.gather [hbm4b:s0+s8], $0x80, v20, vm0, $0xb8;
	[tilespmem:$0x1C400] =	vst v63  }
0x4a0: {  	v53 =	vperm.xlane v17, v8;
	v52 =	vadd.s32 v3, v51;
	s3 =	simm.s32 $0x580  }
0x4a1: {  	[tilespmem:s3], [sflag:$0x2] =	stream.indirect_vreg.gather [hbm4b:s0+s8], $0x80, v18, vm0, $0xb8;
	[tilespmem:$0x1C400] =	vst v63  }
0x4a2: {  	v54 =	vperm.xlane v17, v0;
	v18 =	vadd.s32 v3, v53  }
0x4a3: {  	[tilespmem:s6], [sflag:$0x2] =	stream.indirect_vreg.gather [hbm4b:s0+s8], $0x80, v19, vm0, $0xb8;
	[tilespmem:$0x1C400] =	vst v63  }
0x4a4: {  	v55 =	vperm.xlane v17, v9;
	v19 =	vadd.s32 v3, v54  }
0x4a5: {  	[tilespmem:s7], [sflag:$0x2] =	stream.indirect_vreg.gather [hbm4b:s0+s8], $0x80, v52, vm0, $0xb8;
	[tilespmem:$0x1C400] =	vst v63  }
0x4a6: {  	v57 =	vperm.xlane v17, v10;
	v56 =	vadd.s32 v3, v55  }
0x4a7: {  	[tilespmem:s9], [sflag:$0x2] =	stream.indirect_vreg.gather [hbm4b:s0+s8], $0x80, v18, vm0, $0xb8;
	[tilespmem:$0x1C400] =	vst v63  }
0x4a8: {  	v58 =	vperm.xlane v17, v11;
	v18 =	vadd.s32 v3, v57  }
0x4a9: {  	[tilespmem:s10], [sflag:$0x2] =	stream.indirect_vreg.gather [hbm4b:s0+s8], $0x80, v19, vm0, $0xb8;
	[tilespmem:$0x1C400] =	vst v63  }
0x4aa: {  	v59 =	vperm.xlane v17, v12;
	v19 =	vadd.s32 v3, v58  }
0x4ab: {  	[tilespmem:s11], [sflag:$0x2] =	stream.indirect_vreg.gather [hbm4b:s0+s8], $0x80, v56, vm0, $0xb8;
	[tilespmem:$0x1C400] =	vst v63  }
0x4ac: {  	v61 =	vperm.xlane v17, v13;
	v60 =	vadd.s32 v3, v59  }
0x4ad: {  	[tilespmem:s12], [sflag:$0x2] =	stream.indirect_vreg.gather [hbm4b:s0+s8], $0x80, v18, vm0, $0xb8;
	[tilespmem:$0x1C400] =	vst v63  }
0x4ae: {  	v62 =	vperm.xlane v17, v14;
	v18 =	vadd.s32 v3, v61  }
0x4af: {  	[tilespmem:s13], [sflag:$0x2] =	stream.indirect_vreg.gather [hbm4b:s0+s8], $0x80, v19, vm0, $0xb8;
	[tilespmem:$0x1C400] =	vst v63  }
0x4b0: {  	v63 =	vperm.xlane v17, v15;
	v19 =	vadd.s32 v3, v62  }
0x4b1: {  	[tilespmem:s14], [sflag:$0x2] =	stream.indirect_vreg.gather [hbm4b:s0+s8], $0x80, v60, vm0, $0xb8;
	[tilespmem:$0x1C400] =	vst v63  }
0x4b2: {  	v17 =	vperm.xlane v17, v16;
	v24 =	vadd.s32 v3, v63  }
0x4b3: {  	[tilespmem:s15], [sflag:$0x2] =	stream.indirect_vreg.gather [hbm4b:s0+s8], $0x80, v18, vm0, $0xb8;
	[tilespmem:$0x1C400] =	vst v63  }
0x4b4: {  	v17 =	vadd.s32 v3, v17  }
0x4b5: {  	[tilespmem:s16], [sflag:$0x2] =	stream.indirect_vreg.gather [hbm4b:s0+s8], $0x80, v19, vm0, $0xb8;
	[tilespmem:$0x1C400] =	vst v63  }
0x4b6: {  	_ = 	snop  }
0x4b7: {  	[tilespmem:s17], [sflag:$0x2] =	stream.indirect_vreg.gather [hbm4b:s0+s8], $0x80, v24, vm0, $0xb8;
	[tilespmem:$0x1C400] =	vst v63  }
0x4b8: {  	_ = 	snop  }
0x4b9: {  	[tilespmem:s18], [sflag:$0x2] =	stream.indirect_vreg.gather [hbm4b:s0+s8], $0x80, v17, vm0, $0xb8;
	[tilespmem:$0x1C400] =	vst v63  }
0x4ba: {  	v17 =	vld [tilespmem:$0x190];
	_ =	sdelay $0x4  }
0x4bb: {  	v18 =	vshll.u32 v17, $0x1  }
0x4bc: {  	v17 =	vand.u32 $0x7, v17;
	v18 =	vand.u32 $0xFFFFFFF0, v18  }
0x4bd: {  	v17 =	vor.u32 v17, v18  }
0x4be: {  	v18 =	vperm.xlane v17, v2;
	_ =	sdelay $0x1  }
0x4bf: {  	v19 =	vperm.xlane v17, v1;
	v18 =	vadd.s32 v3, v18;
	_ =	sdelay $0x1  }
0x4c0: {  	v25 =	vperm.xlane v17, v4;
	v19 =	vadd.s32 v3, v19;
	_ =	sdelay $0x1  }
0x4c1: {  	v26 =	vperm.xlane v17, v5;
	v20 =	vadd.s32 v3, v25  }
0x4c2: {  	[tilespmem:s19], [sflag:$0x2] =	stream.indirect_vreg.gather [hbm4b:s0+s8], $0x80, v18, vm0, $0xb8;
	[tilespmem:$0x1C400] =	vst v63  }
0x4c3: {  	v27 =	vperm.xlane v17, v6;
	v18 =	vadd.s32 v3, v26  }
0x4c4: {  	[tilespmem:s20], [sflag:$0x2] =	stream.indirect_vreg.gather [hbm4b:s0+s8], $0x80, v19, vm0, $0xb8;
	[tilespmem:$0x1C400] =	vst v63  }
0x4c5: {  	v28 =	vperm.xlane v17, v7;
	v19 =	vadd.s32 v3, v27  }
0x4c6: {  	[tilespmem:s21], [sflag:$0x2] =	stream.indirect_vreg.gather [hbm4b:s0+s8], $0x80, v20, vm0, $0xb8;
	[tilespmem:$0x1C400] =	vst v63  }
0x4c7: {  	v30 =	vperm.xlane v17, v8;
	v29 =	vadd.s32 v3, v28  }
0x4c8: {  	[tilespmem:s22], [sflag:$0x2] =	stream.indirect_vreg.gather [hbm4b:s0+s8], $0x80, v18, vm0, $0xb8;
	[tilespmem:$0x1C400] =	vst v63  }
0x4c9: {  	v31 =	vperm.xlane v17, v0;
	v18 =	vadd.s32 v3, v30  }
0x4ca: {  	[tilespmem:s23], [sflag:$0x2] =	stream.indirect_vreg.gather [hbm4b:s0+s8], $0x80, v19, vm0, $0xb8;
	[tilespmem:$0x1C400] =	vst v63  }
0x4cb: {  	v32 =	vperm.xlane v17, v9;
	v19 =	vadd.s32 v3, v31  }
0x4cc: {  	[tilespmem:s24], [sflag:$0x2] =	stream.indirect_vreg.gather [hbm4b:s0+s8], $0x80, v29, vm0, $0xb8;
	[tilespmem:$0x1C400] =	vst v63  }
0x4cd: {  	v34 =	vperm.xlane v17, v10;
	v33 =	vadd.s32 v3, v32  }
0x4ce: {  	[tilespmem:s25], [sflag:$0x2] =	stream.indirect_vreg.gather [hbm4b:s0+s8], $0x80, v18, vm0, $0xb8;
	[tilespmem:$0x1C400] =	vst v63  }
0x4cf: {  	v35 =	vperm.xlane v17, v11;
	v18 =	vadd.s32 v3, v34  }
0x4d0: {  	[tilespmem:s26], [sflag:$0x2] =	stream.indirect_vreg.gather [hbm4b:s0+s8], $0x80, v19, vm0, $0xb8;
	[tilespmem:$0x1C400] =	vst v63  }
0x4d1: {  	v36 =	vperm.xlane v17, v12;
	v19 =	vadd.s32 v3, v35  }
0x4d2: {  	[tilespmem:s28], [sflag:$0x2] =	stream.indirect_vreg.gather [hbm4b:s0+s8], $0x80, v33, vm0, $0xb8;
	[tilespmem:$0x1C400] =	vst v63  }
0x4d3: {  	v38 =	vperm.xlane v17, v13;
	v37 =	vadd.s32 v3, v36  }
0x4d4: {  	[tilespmem:s29], [sflag:$0x2] =	stream.indirect_vreg.gather [hbm4b:s0+s8], $0x80, v18, vm0, $0xb8;
	[tilespmem:$0x1C400] =	vst v63  }
0x4d5: {  	v39 =	vperm.xlane v17, v14;
	v18 =	vadd.s32 v3, v38  }
0x4d6: {  	[tilespmem:s30], [sflag:$0x2] =	stream.indirect_vreg.gather [hbm4b:s0+s8], $0x80, v19, vm0, $0xb8;
	[tilespmem:$0x1C400] =	vst v63  }
0x4d7: {  	v40 =	vperm.xlane v17, v15;
	v19 =	vadd.s32 v3, v39  }
0x4d8: {  	[tilespmem:s31], [sflag:$0x2] =	stream.indirect_vreg.gather [hbm4b:s0+s8], $0x80, v37, vm0, $0xb8;
	[tilespmem:$0x1C400] =	vst v63  }
0x4d9: {  	v17 =	vperm.xlane v17, v16;
	v41 =	vadd.s32 v3, v40;
	s19 =	simm.s32 $0x1200  }
0x4da: {  	[tilespmem:s19], [sflag:$0x2] =	stream.indirect_vreg.gather [hbm4b:s0+s8], $0x80, v18, vm0, $0xb8;
	[tilespmem:$0x1C400] =	vst v63  }
0x4db: {  	v17 =	vadd.s32 v3, v17;
	s20 =	simm.s32 $0x1280  }
0x4dc: {  	[tilespmem:s20], [sflag:$0x2] =	stream.indirect_vreg.gather [hbm4b:s0+s8], $0x80, v19, vm0, $0xb8;
	[tilespmem:$0x1C400] =	vst v63  }
0x4dd: {  	s21 =	simm.s32 $0x1300  }
0x4de: {  	[tilespmem:s21], [sflag:$0x2] =	stream.indirect_vreg.gather [hbm4b:s0+s8], $0x80, v41, vm0, $0xb8;
	[tilespmem:$0x1C400] =	vst v63  }
0x4df: {  	s22 =	simm.s32 $0x1380  }
0x4e0: {  	[tilespmem:s22], [sflag:$0x2] =	stream.indirect_vreg.gather [hbm4b:s0+s8], $0x80, v17, vm0, $0xb8;
	[tilespmem:$0x1C400] =	vst v63  }
0x4e1: {  	v17 =	vld [tilespmem:$0x1A0];
	_ =	sdelay $0x4  }
0x4e2: {  	v18 =	vshll.u32 v17, $0x1  }
0x4e3: {  	v17 =	vand.u32 $0x7, v17;
	v18 =	vand.u32 $0xFFFFFFF0, v18  }
0x4e4: {  	v17 =	vor.u32 v17, v18  }
0x4e5: {  	v18 =	vperm.xlane v17, v2;
	_ =	sdelay $0x1  }
0x4e6: {  	v19 =	vperm.xlane v17, v1;
	v18 =	vadd.s32 v3, v18;
	_ =	sdelay $0x1  }
0x4e7: {  	v42 =	vperm.xlane v17, v4;
	v19 =	vadd.s32 v3, v19;
	_ =	sdelay $0x1  }
0x4e8: {  	s23 =	simm.s32 $0x1400;
	v43 =	vperm.xlane v17, v5;
	v20 =	vadd.s32 v3, v42  }
0x4e9: {  	[tilespmem:s23], [sflag:$0x2] =	stream.indirect_vreg.gather [hbm4b:s0+s8], $0x80, v18, vm0, $0xb8;
	[tilespmem:$0x1C400] =	vst v63  }
0x4ea: {  	s24 =	simm.s32 $0x1480;
	v44 =	vperm.xlane v17, v6;
	v18 =	vadd.s32 v3, v43  }
0x4eb: {  	[tilespmem:s24], [sflag:$0x2] =	stream.indirect_vreg.gather [hbm4b:s0+s8], $0x80, v19, vm0, $0xb8;
	[tilespmem:$0x1C400] =	vst v63  }
0x4ec: {  	s25 =	simm.s32 $0x1500;
	v45 =	vperm.xlane v17, v7;
	v19 =	vadd.s32 v3, v44  }
0x4ed: {  	[tilespmem:s25], [sflag:$0x2] =	stream.indirect_vreg.gather [hbm4b:s0+s8], $0x80, v20, vm0, $0xb8;
	[tilespmem:$0x1C400] =	vst v63  }
0x4ee: {  	s26 =	simm.s32 $0x1580;
	v47 =	vperm.xlane v17, v8;
	v46 =	vadd.s32 v3, v45  }
0x4ef: {  	[tilespmem:s26], [sflag:$0x2] =	stream.indirect_vreg.gather [hbm4b:s0+s8], $0x80, v18, vm0, $0xb8;
	[tilespmem:$0x1C400] =	vst v63  }
0x4f0: {  	s28 =	simm.s32 $0x1600;
	v48 =	vperm.xlane v17, v0;
	v18 =	vadd.s32 v3, v47  }
0x4f1: {  	[tilespmem:s28], [sflag:$0x2] =	stream.indirect_vreg.gather [hbm4b:s0+s8], $0x80, v19, vm0, $0xb8;
	[tilespmem:$0x1C400] =	vst v63  }
0x4f2: {  	s29 =	simm.s32 $0x1680;
	v49 =	vperm.xlane v17, v9;
	v19 =	vadd.s32 v3, v48  }
0x4f3: {  	[tilespmem:s29], [sflag:$0x2] =	stream.indirect_vreg.gather [hbm4b:s0+s8], $0x80, v46, vm0, $0xb8;
	[tilespmem:$0x1C400] =	vst v63  }
0x4f4: {  	s30 =	simm.s32 $0x1700;
	v51 =	vperm.xlane v17, v10;
	v50 =	vadd.s32 v3, v49  }
0x4f5: {  	[tilespmem:s30], [sflag:$0x2] =	stream.indirect_vreg.gather [hbm4b:s0+s8], $0x80, v18, vm0, $0xb8;
	[tilespmem:$0x1C400] =	vst v63  }
0x4f6: {  	s31 =	simm.s32 $0x1780;
	v52 =	vperm.xlane v17, v11;
	v18 =	vadd.s32 v3, v51  }
0x4f7: {  	[tilespmem:s31], [sflag:$0x2] =	stream.indirect_vreg.gather [hbm4b:s0+s8], $0x80, v19, vm0, $0xb8;
	[tilespmem:$0x1C400] =	vst v63  }
0x4f8: {  	s6 =	simm.s32 $0x1800;
	v53 =	vperm.xlane v17, v12;
	v19 =	vadd.s32 v3, v52  }
0x4f9: {  	[tilespmem:s6], [sflag:$0x2] =	stream.indirect_vreg.gather [hbm4b:s0+s8], $0x80, v50, vm0, $0xb8;
	[tilespmem:$0x1C400] =	vst v63  }
0x4fa: {  	s7 =	simm.s32 $0x1880;
	v55 =	vperm.xlane v17, v13;
	v54 =	vadd.s32 v3, v53  }
0x4fb: {  	[tilespmem:s7], [sflag:$0x2] =	stream.indirect_vreg.gather [hbm4b:s0+s8], $0x80, v18, vm0, $0xb8;
	[tilespmem:$0x1C400] =	vst v63  }
0x4fc: {  	s9 =	simm.s32 $0x1900;
	v56 =	vperm.xlane v17, v14;
	v18 =	vadd.s32 v3, v55  }
0x4fd: {  	[tilespmem:s9], [sflag:$0x2] =	stream.indirect_vreg.gather [hbm4b:s0+s8], $0x80, v19, vm0, $0xb8;
	[tilespmem:$0x1C400] =	vst v63  }
0x4fe: {  	s10 =	simm.s32 $0x1980;
	v57 =	vperm.xlane v17, v15;
	v19 =	vadd.s32 v3, v56  }
0x4ff: {  	[tilespmem:s10], [sflag:$0x2] =	stream.indirect_vreg.gather [hbm4b:s0+s8], $0x80, v54, vm0, $0xb8;
	[tilespmem:$0x1C400] =	vst v63  }
0x500: {  	s11 =	simm.s32 $0x1A00;
	v17 =	vperm.xlane v17, v16;
	v58 =	vadd.s32 v3, v57  }
0x501: {  	[tilespmem:s11], [sflag:$0x2] =	stream.indirect_vreg.gather [hbm4b:s0+s8], $0x80, v18, vm0, $0xb8;
	[tilespmem:$0x1C400] =	vst v63  }
0x502: {  	s12 =	simm.s32 $0x1A80;
	v17 =	vadd.s32 v3, v17  }
0x503: {  	[tilespmem:s12], [sflag:$0x2] =	stream.indirect_vreg.gather [hbm4b:s0+s8], $0x80, v19, vm0, $0xb8;
	[tilespmem:$0x1C400] =	vst v63  }
0x504: {  	s13 =	simm.s32 $0x1B00  }
0x505: {  	[tilespmem:s13], [sflag:$0x2] =	stream.indirect_vreg.gather [hbm4b:s0+s8], $0x80, v58, vm0, $0xb8;
	[tilespmem:$0x1C400] =	vst v63  }
0x506: {  	s14 =	simm.s32 $0x1B80  }
0x507: {  	[tilespmem:s14], [sflag:$0x2] =	stream.indirect_vreg.gather [hbm4b:s0+s8], $0x80, v17, vm0, $0xb8;
	[tilespmem:$0x1C400] =	vst v63  }
0x508: {  	v17 =	vld [tilespmem:$0x1B0];
	_ =	sdelay $0x4  }
0x509: {  	v18 =	vshll.u32 v17, $0x1  }
0x50a: {  	v17 =	vand.u32 $0x7, v17;
	v18 =	vand.u32 $0xFFFFFFF0, v18  }
0x50b: {  	v17 =	vor.u32 v17, v18  }
0x50c: {  	v18 =	vperm.xlane v17, v2;
	_ =	sdelay $0x1  }
0x50d: {  	v19 =	vperm.xlane v17, v1;
	v18 =	vadd.s32 v3, v18;
	_ =	sdelay $0x1  }
0x50e: {  	v59 =	vperm.xlane v17, v4;
	v19 =	vadd.s32 v3, v19;
	_ =	sdelay $0x1  }
0x50f: {  	s15 =	simm.s32 $0x1C00;
	v60 =	vperm.xlane v17, v5;
	v20 =	vadd.s32 v3, v59  }
0x510: {  	[tilespmem:s15], [sflag:$0x2] =	stream.indirect_vreg.gather [hbm4b:s0+s8], $0x80, v18, vm0, $0xb8;
	[tilespmem:$0x1C400] =	vst v63  }
0x511: {  	s16 =	simm.s32 $0x1C80;
	v61 =	vperm.xlane v17, v6;
	v18 =	vadd.s32 v3, v60  }
0x512: {  	[tilespmem:s16], [sflag:$0x2] =	stream.indirect_vreg.gather [hbm4b:s0+s8], $0x80, v19, vm0, $0xb8;
	[tilespmem:$0x1C400] =	vst v63  }
0x513: {  	s17 =	simm.s32 $0x1D00;
	v62 =	vperm.xlane v17, v7;
	v19 =	vadd.s32 v3, v61  }
0x514: {  	[tilespmem:s17], [sflag:$0x2] =	stream.indirect_vreg.gather [hbm4b:s0+s8], $0x80, v20, vm0, $0xb8;
	[tilespmem:$0x1C400] =	vst v63  }
0x515: {  	s18 =	simm.s32 $0x1D80;
	v24 =	vperm.xlane v17, v8;
	v63 =	vadd.s32 v3, v62  }
0x516: {  	[tilespmem:s18], [sflag:$0x2] =	stream.indirect_vreg.gather [hbm4b:s0+s8], $0x80, v18, vm0, $0xb8;
	[tilespmem:$0x1C400] =	vst v63  }
0x517: {  	s19 =	simm.s32 $0x1E00;
	v25 =	vperm.xlane v17, v0;
	v18 =	vadd.s32 v3, v24  }
0x518: {  	[tilespmem:s19], [sflag:$0x2] =	stream.indirect_vreg.gather [hbm4b:s0+s8], $0x80, v19, vm0, $0xb8;
	[tilespmem:$0x1C400] =	vst v63  }
0x519: {  	s20 =	simm.s32 $0x1E80;
	v26 =	vperm.xlane v17, v9;
	v19 =	vadd.s32 v3, v25  }
0x51a: {  	[tilespmem:s20], [sflag:$0x2] =	stream.indirect_vreg.gather [hbm4b:s0+s8], $0x80, v63, vm0, $0xb8;
	[tilespmem:$0x1C400] =	vst v63  }
0x51b: {  	s21 =	simm.s32 $0x1F00;
	v28 =	vperm.xlane v17, v10;
	v27 =	vadd.s32 v3, v26  }
0x51c: {  	[tilespmem:s21], [sflag:$0x2] =	stream.indirect_vreg.gather [hbm4b:s0+s8], $0x80, v18, vm0, $0xb8;
	[tilespmem:$0x1C400] =	vst v63  }
0x51d: {  	s22 =	simm.s32 $0x1F80;
	v29 =	vperm.xlane v17, v11;
	v18 =	vadd.s32 v3, v28  }
0x51e: {  	[tilespmem:s22], [sflag:$0x2] =	stream.indirect_vreg.gather [hbm4b:s0+s8], $0x80, v19, vm0, $0xb8;
	[tilespmem:$0x1C400] =	vst v63  }
0x51f: {  	s23 =	simm.s32 $0x2000;
	v30 =	vperm.xlane v17, v12;
	v19 =	vadd.s32 v3, v29  }
0x520: {  	[tilespmem:s23], [sflag:$0x2] =	stream.indirect_vreg.gather [hbm4b:s0+s8], $0x80, v27, vm0, $0xb8;
	[tilespmem:$0x1C400] =	vst v63  }
0x521: {  	s24 =	simm.s32 $0x2080;
	v32 =	vperm.xlane v17, v13;
	v31 =	vadd.s32 v3, v30  }
0x522: {  	[tilespmem:s24], [sflag:$0x2] =	stream.indirect_vreg.gather [hbm4b:s0+s8], $0x80, v18, vm0, $0xb8;
	[tilespmem:$0x1C400] =	vst v63  }
0x523: {  	s25 =	simm.s32 $0x2100;
	v33 =	vperm.xlane v17, v14;
	v18 =	vadd.s32 v3, v32  }
0x524: {  	[tilespmem:s25], [sflag:$0x2] =	stream.indirect_vreg.gather [hbm4b:s0+s8], $0x80, v19, vm0, $0xb8;
	[tilespmem:$0x1C400] =	vst v63  }
0x525: {  	s26 =	simm.s32 $0x2180;
	v34 =	vperm.xlane v17, v15;
	v19 =	vadd.s32 v3, v33  }
0x526: {  	[tilespmem:s26], [sflag:$0x2] =	stream.indirect_vreg.gather [hbm4b:s0+s8], $0x80, v31, vm0, $0xb8;
	[tilespmem:$0x1C400] =	vst v63  }
0x527: {  	s28 =	simm.s32 $0x2200;
	v17 =	vperm.xlane v17, v16;
	v35 =	vadd.s32 v3, v34  }
0x528: {  	[tilespmem:s28], [sflag:$0x2] =	stream.indirect_vreg.gather [hbm4b:s0+s8], $0x80, v18, vm0, $0xb8;
	[tilespmem:$0x1C400] =	vst v63  }
0x529: {  	s29 =	simm.s32 $0x2280;
	v17 =	vadd.s32 v3, v17  }
0x52a: {  	[tilespmem:s29], [sflag:$0x2] =	stream.indirect_vreg.gather [hbm4b:s0+s8], $0x80, v19, vm0, $0xb8;
	[tilespmem:$0x1C400] =	vst v63  }
0x52b: {  	s30 =	simm.s32 $0x2300  }
0x52c: {  	[tilespmem:s30], [sflag:$0x2] =	stream.indirect_vreg.gather [hbm4b:s0+s8], $0x80, v35, vm0, $0xb8;
	[tilespmem:$0x1C400] =	vst v63  }
0x52d: {  	s31 =	simm.s32 $0x2380  }
0x52e: {  	[tilespmem:s31], [sflag:$0x2] =	stream.indirect_vreg.gather [hbm4b:s0+s8], $0x80, v17, vm0, $0xb8;
	[tilespmem:$0x1C400] =	vst v63  }
0x52f: {  	v17 =	vld [tilespmem:$0x1C0];
	_ =	sdelay $0x4  }
0x530: {  	v18 =	vshll.u32 v17, $0x1  }
0x531: {  	v17 =	vand.u32 $0x7, v17;
	v18 =	vand.u32 $0xFFFFFFF0, v18  }
0x532: {  	v17 =	vor.u32 v17, v18  }
0x533: {  	v18 =	vperm.xlane v17, v2;
	_ =	sdelay $0x1  }
0x534: {  	v19 =	vperm.xlane v17, v1;
	v18 =	vadd.s32 v3, v18;
	_ =	sdelay $0x1  }
0x535: {  	v36 =	vperm.xlane v17, v4;
	v19 =	vadd.s32 v3, v19;
	_ =	sdelay $0x1  }
0x536: {  	s6 =	simm.s32 $0x2400;
	v37 =	vperm.xlane v17, v5;
	v20 =	vadd.s32 v3, v36  }
0x537: {  	[tilespmem:s6], [sflag:$0x2] =	stream.indirect_vreg.gather [hbm4b:s0+s8], $0x80, v18, vm0, $0xb8;
	[tilespmem:$0x1C400] =	vst v63  }
0x538: {  	s7 =	simm.s32 $0x2480;
	v38 =	vperm.xlane v17, v6;
	v18 =	vadd.s32 v3, v37  }
0x539: {  	[tilespmem:s7], [sflag:$0x2] =	stream.indirect_vreg.gather [hbm4b:s0+s8], $0x80, v19, vm0, $0xb8;
	[tilespmem:$0x1C400] =	vst v63  }
0x53a: {  	s9 =	simm.s32 $0x2500;
	v39 =	vperm.xlane v17, v7;
	v19 =	vadd.s32 v3, v38  }
0x53b: {  	[tilespmem:s9], [sflag:$0x2] =	stream.indirect_vreg.gather [hbm4b:s0+s8], $0x80, v20, vm0, $0xb8;
	[tilespmem:$0x1C400] =	vst v63  }
0x53c: {  	s10 =	simm.s32 $0x2580;
	v41 =	vperm.xlane v17, v8;
	v40 =	vadd.s32 v3, v39  }
0x53d: {  	[tilespmem:s10], [sflag:$0x2] =	stream.indirect_vreg.gather [hbm4b:s0+s8], $0x80, v18, vm0, $0xb8;
	[tilespmem:$0x1C400] =	vst v63  }
0x53e: {  	s11 =	simm.s32 $0x2600;
	v42 =	vperm.xlane v17, v0;
	v18 =	vadd.s32 v3, v41  }
0x53f: {  	[tilespmem:s11], [sflag:$0x2] =	stream.indirect_vreg.gather [hbm4b:s0+s8], $0x80, v19, vm0, $0xb8;
	[tilespmem:$0x1C400] =	vst v63  }
0x540: {  	s12 =	simm.s32 $0x2680;
	v43 =	vperm.xlane v17, v9;
	v19 =	vadd.s32 v3, v42  }
0x541: {  	[tilespmem:s12], [sflag:$0x2] =	stream.indirect_vreg.gather [hbm4b:s0+s8], $0x80, v40, vm0, $0xb8;
	[tilespmem:$0x1C400] =	vst v63  }
0x542: {  	s13 =	simm.s32 $0x2700;
	v45 =	vperm.xlane v17, v10;
	v44 =	vadd.s32 v3, v43  }
0x543: {  	[tilespmem:s13], [sflag:$0x2] =	stream.indirect_vreg.gather [hbm4b:s0+s8], $0x80, v18, vm0, $0xb8;
	[tilespmem:$0x1C400] =	vst v63  }
0x544: {  	s14 =	simm.s32 $0x2780;
	v46 =	vperm.xlane v17, v11;
	v18 =	vadd.s32 v3, v45  }
0x545: {  	[tilespmem:s14], [sflag:$0x2] =	stream.indirect_vreg.gather [hbm4b:s0+s8], $0x80, v19, vm0, $0xb8;
	[tilespmem:$0x1C400] =	vst v63  }
0x546: {  	s15 =	simm.s32 $0x2800;
	v47 =	vperm.xlane v17, v12;
	v19 =	vadd.s32 v3, v46  }
0x547: {  	[tilespmem:s15], [sflag:$0x2] =	stream.indirect_vreg.gather [hbm4b:s0+s8], $0x80, v44, vm0, $0xb8;
	[tilespmem:$0x1C400] =	vst v63  }
0x548: {  	s16 =	simm.s32 $0x2880;
	v49 =	vperm.xlane v17, v13;
	v48 =	vadd.s32 v3, v47  }
0x549: {  	[tilespmem:s16], [sflag:$0x2] =	stream.indirect_vreg.gather [hbm4b:s0+s8], $0x80, v18, vm0, $0xb8;
	[tilespmem:$0x1C400] =	vst v63  }
0x54a: {  	s17 =	simm.s32 $0x2900;
	v50 =	vperm.xlane v17, v14;
	v18 =	vadd.s32 v3, v49  }
0x54b: {  	[tilespmem:s17], [sflag:$0x2] =	stream.indirect_vreg.gather [hbm4b:s0+s8], $0x80, v19, vm0, $0xb8;
	[tilespmem:$0x1C400] =	vst v63  }
0x54c: {  	s18 =	simm.s32 $0x2980;
	v51 =	vperm.xlane v17, v15;
	v19 =	vadd.s32 v3, v50  }
0x54d: {  	[tilespmem:s18], [sflag:$0x2] =	stream.indirect_vreg.gather [hbm4b:s0+s8], $0x80, v48, vm0, $0xb8;
	[tilespmem:$0x1C400] =	vst v63  }
0x54e: {  	s19 =	simm.s32 $0x2A00;
	v17 =	vperm.xlane v17, v16;
	v52 =	vadd.s32 v3, v51  }
0x54f: {  	[tilespmem:s19], [sflag:$0x2] =	stream.indirect_vreg.gather [hbm4b:s0+s8], $0x80, v18, vm0, $0xb8;
	[tilespmem:$0x1C400] =	vst v63  }
0x550: {  	s20 =	simm.s32 $0x2A80;
	v17 =	vadd.s32 v3, v17  }
0x551: {  	[tilespmem:s20], [sflag:$0x2] =	stream.indirect_vreg.gather [hbm4b:s0+s8], $0x80, v19, vm0, $0xb8;
	[tilespmem:$0x1C400] =	vst v63  }
0x552: {  	s21 =	simm.s32 $0x2B00  }
0x553: {  	[tilespmem:s21], [sflag:$0x2] =	stream.indirect_vreg.gather [hbm4b:s0+s8], $0x80, v52, vm0, $0xb8;
	[tilespmem:$0x1C400] =	vst v63  }
0x554: {  	s22 =	simm.s32 $0x2B80  }
0x555: {  	[tilespmem:s22], [sflag:$0x2] =	stream.indirect_vreg.gather [hbm4b:s0+s8], $0x80, v17, vm0, $0xb8;
	[tilespmem:$0x1C400] =	vst v63  }
0x556: {  	v17 =	vld [tilespmem:$0x1D0];
	_ =	sdelay $0x4  }
0x557: {  	v18 =	vshll.u32 v17, $0x1  }
0x558: {  	v17 =	vand.u32 $0x7, v17;
	v18 =	vand.u32 $0xFFFFFFF0, v18  }
0x559: {  	v17 =	vor.u32 v17, v18  }
0x55a: {  	v18 =	vperm.xlane v17, v2;
	_ =	sdelay $0x1  }
0x55b: {  	v19 =	vperm.xlane v17, v1;
	v18 =	vadd.s32 v3, v18;
	_ =	sdelay $0x1  }
0x55c: {  	v53 =	vperm.xlane v17, v4;
	v19 =	vadd.s32 v3, v19;
	_ =	sdelay $0x1  }
0x55d: {  	s23 =	simm.s32 $0x2C00;
	v54 =	vperm.xlane v17, v5;
	v20 =	vadd.s32 v3, v53  }
0x55e: {  	[tilespmem:s23], [sflag:$0x2] =	stream.indirect_vreg.gather [hbm4b:s0+s8], $0x80, v18, vm0, $0xb8;
	[tilespmem:$0x1C400] =	vst v63  }
0x55f: {  	s24 =	simm.s32 $0x2C80;
	v55 =	vperm.xlane v17, v6;
	v18 =	vadd.s32 v3, v54  }
0x560: {  	[tilespmem:s24], [sflag:$0x2] =	stream.indirect_vreg.gather [hbm4b:s0+s8], $0x80, v19, vm0, $0xb8;
	[tilespmem:$0x1C400] =	vst v63  }
0x561: {  	s25 =	simm.s32 $0x2D00;
	v56 =	vperm.xlane v17, v7;
	v19 =	vadd.s32 v3, v55  }
0x562: {  	[tilespmem:s25], [sflag:$0x2] =	stream.indirect_vreg.gather [hbm4b:s0+s8], $0x80, v20, vm0, $0xb8;
	[tilespmem:$0x1C400] =	vst v63  }
0x563: {  	s26 =	simm.s32 $0x2D80;
	v58 =	vperm.xlane v17, v8;
	v57 =	vadd.s32 v3, v56  }
0x564: {  	[tilespmem:s26], [sflag:$0x2] =	stream.indirect_vreg.gather [hbm4b:s0+s8], $0x80, v18, vm0, $0xb8;
	[tilespmem:$0x1C400] =	vst v63  }
0x565: {  	s28 =	simm.s32 $0x2E00;
	v59 =	vperm.xlane v17, v0;
	v18 =	vadd.s32 v3, v58  }
0x566: {  	[tilespmem:s28], [sflag:$0x2] =	stream.indirect_vreg.gather [hbm4b:s0+s8], $0x80, v19, vm0, $0xb8;
	[tilespmem:$0x1C400] =	vst v63  }
0x567: {  	s29 =	simm.s32 $0x2E80;
	v60 =	vperm.xlane v17, v9;
	v19 =	vadd.s32 v3, v59  }
0x568: {  	[tilespmem:s29], [sflag:$0x2] =	stream.indirect_vreg.gather [hbm4b:s0+s8], $0x80, v57, vm0, $0xb8;
	[tilespmem:$0x1C400] =	vst v63  }
0x569: {  	s30 =	simm.s32 $0x2F00;
	v62 =	vperm.xlane v17, v10;
	v61 =	vadd.s32 v3, v60  }
0x56a: {  	[tilespmem:s30], [sflag:$0x2] =	stream.indirect_vreg.gather [hbm4b:s0+s8], $0x80, v18, vm0, $0xb8;
	[tilespmem:$0x1C400] =	vst v63  }
0x56b: {  	s31 =	simm.s32 $0x2F80;
	v63 =	vperm.xlane v17, v11;
	v18 =	vadd.s32 v3, v62  }
0x56c: {  	[tilespmem:s31], [sflag:$0x2] =	stream.indirect_vreg.gather [hbm4b:s0+s8], $0x80, v19, vm0, $0xb8;
	[tilespmem:$0x1C400] =	vst v63  }
0x56d: {  	s6 =	simm.s32 $0x3000;
	v24 =	vperm.xlane v17, v12;
	v19 =	vadd.s32 v3, v63  }
0x56e: {  	[tilespmem:s6], [sflag:$0x2] =	stream.indirect_vreg.gather [hbm4b:s0+s8], $0x80, v61, vm0, $0xb8;
	[tilespmem:$0x1C400] =	vst v63  }
0x56f: {  	s7 =	simm.s32 $0x3080;
	v26 =	vperm.xlane v17, v13;
	v25 =	vadd.s32 v3, v24  }
0x570: {  	[tilespmem:s7], [sflag:$0x2] =	stream.indirect_vreg.gather [hbm4b:s0+s8], $0x80, v18, vm0, $0xb8;
	[tilespmem:$0x1C400] =	vst v63  }
0x571: {  	s9 =	simm.s32 $0x3100;
	v27 =	vperm.xlane v17, v14;
	v18 =	vadd.s32 v3, v26  }
0x572: {  	[tilespmem:s9], [sflag:$0x2] =	stream.indirect_vreg.gather [hbm4b:s0+s8], $0x80, v19, vm0, $0xb8;
	[tilespmem:$0x1C400] =	vst v63  }
0x573: {  	s10 =	simm.s32 $0x3180;
	v28 =	vperm.xlane v17, v15;
	v19 =	vadd.s32 v3, v27  }
0x574: {  	[tilespmem:s10], [sflag:$0x2] =	stream.indirect_vreg.gather [hbm4b:s0+s8], $0x80, v25, vm0, $0xb8;
	[tilespmem:$0x1C400] =	vst v63  }
0x575: {  	s11 =	simm.s32 $0x3200;
	v17 =	vperm.xlane v17, v16;
	v29 =	vadd.s32 v3, v28  }
0x576: {  	[tilespmem:s11], [sflag:$0x2] =	stream.indirect_vreg.gather [hbm4b:s0+s8], $0x80, v18, vm0, $0xb8;
	[tilespmem:$0x1C400] =	vst v63  }
0x577: {  	s12 =	simm.s32 $0x3280;
	v17 =	vadd.s32 v3, v17  }
0x578: {  	[tilespmem:s12], [sflag:$0x2] =	stream.indirect_vreg.gather [hbm4b:s0+s8], $0x80, v19, vm0, $0xb8;
	[tilespmem:$0x1C400] =	vst v63  }
0x579: {  	s13 =	simm.s32 $0x3300  }
0x57a: {  	[tilespmem:s13], [sflag:$0x2] =	stream.indirect_vreg.gather [hbm4b:s0+s8], $0x80, v29, vm0, $0xb8;
	[tilespmem:$0x1C400] =	vst v63  }
0x57b: {  	s14 =	simm.s32 $0x3380  }
0x57c: {  	[tilespmem:s14], [sflag:$0x2] =	stream.indirect_vreg.gather [hbm4b:s0+s8], $0x80, v17, vm0, $0xb8;
	[tilespmem:$0x1C400] =	vst v63  }
0x57d: {  	v17 =	vld [tilespmem:$0x1E0];
	_ =	sdelay $0x4  }
0x57e: {  	v18 =	vshll.u32 v17, $0x1  }
0x57f: {  	v17 =	vand.u32 $0x7, v17;
	v18 =	vand.u32 $0xFFFFFFF0, v18  }
0x580: {  	v17 =	vor.u32 v17, v18  }
0x581: {  	v18 =	vperm.xlane v17, v2;
	_ =	sdelay $0x1  }
0x582: {  	v19 =	vperm.xlane v17, v1;
	v18 =	vadd.s32 v3, v18;
	_ =	sdelay $0x1  }
0x583: {  	v30 =	vperm.xlane v17, v4;
	v19 =	vadd.s32 v3, v19;
	_ =	sdelay $0x1  }
0x584: {  	s15 =	simm.s32 $0x3400;
	v31 =	vperm.xlane v17, v5;
	v20 =	vadd.s32 v3, v30  }
0x585: {  	[tilespmem:s15], [sflag:$0x2] =	stream.indirect_vreg.gather [hbm4b:s0+s8], $0x80, v18, vm0, $0xb8;
	[tilespmem:$0x1C400] =	vst v63  }
0x586: {  	s16 =	simm.s32 $0x3480;
	v32 =	vperm.xlane v17, v6;
	v18 =	vadd.s32 v3, v31  }
0x587: {  	[tilespmem:s16], [sflag:$0x2] =	stream.indirect_vreg.gather [hbm4b:s0+s8], $0x80, v19, vm0, $0xb8;
	[tilespmem:$0x1C400] =	vst v63  }
0x588: {  	s17 =	simm.s32 $0x3500;
	v33 =	vperm.xlane v17, v7;
	v19 =	vadd.s32 v3, v32  }
0x589: {  	[tilespmem:s17], [sflag:$0x2] =	stream.indirect_vreg.gather [hbm4b:s0+s8], $0x80, v20, vm0, $0xb8;
	[tilespmem:$0x1C400] =	vst v63  }
0x58a: {  	s18 =	simm.s32 $0x3580;
	v35 =	vperm.xlane v17, v8;
	v34 =	vadd.s32 v3, v33  }
0x58b: {  	[tilespmem:s18], [sflag:$0x2] =	stream.indirect_vreg.gather [hbm4b:s0+s8], $0x80, v18, vm0, $0xb8;
	[tilespmem:$0x1C400] =	vst v63  }
0x58c: {  	s19 =	simm.s32 $0x3600;
	v36 =	vperm.xlane v17, v0;
	v18 =	vadd.s32 v3, v35  }
0x58d: {  	[tilespmem:s19], [sflag:$0x2] =	stream.indirect_vreg.gather [hbm4b:s0+s8], $0x80, v19, vm0, $0xb8;
	[tilespmem:$0x1C400] =	vst v63  }
0x58e: {  	s20 =	simm.s32 $0x3680;
	v37 =	vperm.xlane v17, v9;
	v19 =	vadd.s32 v3, v36  }
0x58f: {  	[tilespmem:s20], [sflag:$0x2] =	stream.indirect_vreg.gather [hbm4b:s0+s8], $0x80, v34, vm0, $0xb8;
	[tilespmem:$0x1C400] =	vst v63  }
0x590: {  	s21 =	simm.s32 $0x3700;
	v39 =	vperm.xlane v17, v10;
	v38 =	vadd.s32 v3, v37  }
0x591: {  	[tilespmem:s21], [sflag:$0x2] =	stream.indirect_vreg.gather [hbm4b:s0+s8], $0x80, v18, vm0, $0xb8;
	[tilespmem:$0x1C400] =	vst v63  }
0x592: {  	s22 =	simm.s32 $0x3780;
	v40 =	vperm.xlane v17, v11;
	v18 =	vadd.s32 v3, v39  }
0x593: {  	[tilespmem:s22], [sflag:$0x2] =	stream.indirect_vreg.gather [hbm4b:s0+s8], $0x80, v19, vm0, $0xb8;
	[tilespmem:$0x1C400] =	vst v63  }
0x594: {  	s23 =	simm.s32 $0x3800;
	v41 =	vperm.xlane v17, v12;
	v19 =	vadd.s32 v3, v40  }
0x595: {  	[tilespmem:s23], [sflag:$0x2] =	stream.indirect_vreg.gather [hbm4b:s0+s8], $0x80, v38, vm0, $0xb8;
	[tilespmem:$0x1C400] =	vst v63  }
0x596: {  	s24 =	simm.s32 $0x3880;
	v43 =	vperm.xlane v17, v13;
	v42 =	vadd.s32 v3, v41  }
0x597: {  	[tilespmem:s24], [sflag:$0x2] =	stream.indirect_vreg.gather [hbm4b:s0+s8], $0x80, v18, vm0, $0xb8;
	[tilespmem:$0x1C400] =	vst v63  }
0x598: {  	s25 =	simm.s32 $0x3900;
	v44 =	vperm.xlane v17, v14;
	v18 =	vadd.s32 v3, v43  }
0x599: {  	[tilespmem:s25], [sflag:$0x2] =	stream.indirect_vreg.gather [hbm4b:s0+s8], $0x80, v19, vm0, $0xb8;
	[tilespmem:$0x1C400] =	vst v63  }
0x59a: {  	s26 =	simm.s32 $0x3980;
	v45 =	vperm.xlane v17, v15;
	v19 =	vadd.s32 v3, v44  }
0x59b: {  	[tilespmem:s26], [sflag:$0x2] =	stream.indirect_vreg.gather [hbm4b:s0+s8], $0x80, v42, vm0, $0xb8;
	[tilespmem:$0x1C400] =	vst v63  }
0x59c: {  	s28 =	simm.s32 $0x3A00;
	v17 =	vperm.xlane v17, v16;
	v46 =	vadd.s32 v3, v45  }
0x59d: {  	[tilespmem:s28], [sflag:$0x2] =	stream.indirect_vreg.gather [hbm4b:s0+s8], $0x80, v18, vm0, $0xb8;
	[tilespmem:$0x1C400] =	vst v63  }
0x59e: {  	s29 =	simm.s32 $0x3A80;
	v17 =	vadd.s32 v3, v17  }
0x59f: {  	[tilespmem:s29], [sflag:$0x2] =	stream.indirect_vreg.gather [hbm4b:s0+s8], $0x80, v19, vm0, $0xb8;
	[tilespmem:$0x1C400] =	vst v63  }
0x5a0: {  	s30 =	simm.s32 $0x3B00  }
0x5a1: {  	[tilespmem:s30], [sflag:$0x2] =	stream.indirect_vreg.gather [hbm4b:s0+s8], $0x80, v46, vm0, $0xb8;
	[tilespmem:$0x1C400] =	vst v63  }
0x5a2: {  	s31 =	simm.s32 $0x3B80  }
0x5a3: {  	[tilespmem:s31], [sflag:$0x2] =	stream.indirect_vreg.gather [hbm4b:s0+s8], $0x80, v17, vm0, $0xb8;
	[tilespmem:$0x1C400] =	vst v63  }
0x5a4: {  	v17 =	vld [tilespmem:$0x1F0];
	_ =	sdelay $0x4  }
0x5a5: {  	v18 =	vshll.u32 v17, $0x1  }
0x5a6: {  	v17 =	vand.u32 $0x7, v17;
	v18 =	vand.u32 $0xFFFFFFF0, v18  }
0x5a7: {  	v17 =	vor.u32 v17, v18  }
0x5a8: {  	v18 =	vperm.xlane v17, v2;
	_ =	sdelay $0x1  }
0x5a9: {  	v19 =	vperm.xlane v17, v1;
	v18 =	vadd.s32 v3, v18;
	_ =	sdelay $0x1  }
0x5aa: {  	v47 =	vperm.xlane v17, v4;
	v19 =	vadd.s32 v3, v19;
	_ =	sdelay $0x1  }
0x5ab: {  	s6 =	simm.s32 $0x3C00;
	v48 =	vperm.xlane v17, v5;
	v20 =	vadd.s32 v3, v47  }
0x5ac: {  	[tilespmem:s6], [sflag:$0x2] =	stream.indirect_vreg.gather [hbm4b:s0+s8], $0x80, v18, vm0, $0xb8;
	[tilespmem:$0x1C400] =	vst v63  }
0x5ad: {  	s7 =	simm.s32 $0x3C80;
	v49 =	vperm.xlane v17, v6;
	v18 =	vadd.s32 v3, v48  }
0x5ae: {  	[tilespmem:s7], [sflag:$0x2] =	stream.indirect_vreg.gather [hbm4b:s0+s8], $0x80, v19, vm0, $0xb8;
	[tilespmem:$0x1C400] =	vst v63  }
0x5af: {  	s9 =	simm.s32 $0x3D00;
	v50 =	vperm.xlane v17, v7;
	v19 =	vadd.s32 v3, v49  }
0x5b0: {  	[tilespmem:s9], [sflag:$0x2] =	stream.indirect_vreg.gather [hbm4b:s0+s8], $0x80, v20, vm0, $0xb8;
	[tilespmem:$0x1C400] =	vst v63  }
0x5b1: {  	s10 =	simm.s32 $0x3D80;
	v52 =	vperm.xlane v17, v8;
	v51 =	vadd.s32 v3, v50  }
0x5b2: {  	[tilespmem:s10], [sflag:$0x2] =	stream.indirect_vreg.gather [hbm4b:s0+s8], $0x80, v18, vm0, $0xb8;
	[tilespmem:$0x1C400] =	vst v63  }
0x5b3: {  	s11 =	simm.s32 $0x3E00;
	v53 =	vperm.xlane v17, v0;
	v18 =	vadd.s32 v3, v52  }
0x5b4: {  	[tilespmem:s11], [sflag:$0x2] =	stream.indirect_vreg.gather [hbm4b:s0+s8], $0x80, v19, vm0, $0xb8;
	[tilespmem:$0x1C400] =	vst v63  }
0x5b5: {  	s12 =	simm.s32 $0x3E80;
	v54 =	vperm.xlane v17, v9;
	v19 =	vadd.s32 v3, v53  }
0x5b6: {  	[tilespmem:s12], [sflag:$0x2] =	stream.indirect_vreg.gather [hbm4b:s0+s8], $0x80, v51, vm0, $0xb8;
	[tilespmem:$0x1C400] =	vst v63  }
0x5b7: {  	s13 =	simm.s32 $0x3F00;
	v56 =	vperm.xlane v17, v10;
	v55 =	vadd.s32 v3, v54  }
0x5b8: {  	[tilespmem:s13], [sflag:$0x2] =	stream.indirect_vreg.gather [hbm4b:s0+s8], $0x80, v18, vm0, $0xb8;
	[tilespmem:$0x1C400] =	vst v63  }
0x5b9: {  	s14 =	simm.s32 $0x3F80;
	v57 =	vperm.xlane v17, v11;
	v18 =	vadd.s32 v3, v56  }
0x5ba: {  	[tilespmem:s14], [sflag:$0x2] =	stream.indirect_vreg.gather [hbm4b:s0+s8], $0x80, v19, vm0, $0xb8;
	[tilespmem:$0x1C400] =	vst v63  }
0x5bb: {  	s15 =	simm.s32 $0x4000;
	v58 =	vperm.xlane v17, v12;
	v19 =	vadd.s32 v3, v57  }
0x5bc: {  	[tilespmem:s15], [sflag:$0x2] =	stream.indirect_vreg.gather [hbm4b:s0+s8], $0x80, v55, vm0, $0xb8;
	[tilespmem:$0x1C400] =	vst v63  }
0x5bd: {  	s16 =	simm.s32 $0x4080;
	v60 =	vperm.xlane v17, v13;
	v59 =	vadd.s32 v3, v58  }
0x5be: {  	[tilespmem:s16], [sflag:$0x2] =	stream.indirect_vreg.gather [hbm4b:s0+s8], $0x80, v18, vm0, $0xb8;
	[tilespmem:$0x1C400] =	vst v63  }
0x5bf: {  	s17 =	simm.s32 $0x4100;
	v61 =	vperm.xlane v17, v14;
	v18 =	vadd.s32 v3, v60  }
0x5c0: {  	[tilespmem:s17], [sflag:$0x2] =	stream.indirect_vreg.gather [hbm4b:s0+s8], $0x80, v19, vm0, $0xb8;
	[tilespmem:$0x1C400] =	vst v63  }
0x5c1: {  	s18 =	simm.s32 $0x4180;
	v62 =	vperm.xlane v17, v15;
	v19 =	vadd.s32 v3, v61  }
0x5c2: {  	[tilespmem:s18], [sflag:$0x2] =	stream.indirect_vreg.gather [hbm4b:s0+s8], $0x80, v59, vm0, $0xb8;
	[tilespmem:$0x1C400] =	vst v63  }
0x5c3: {  	s19 =	simm.s32 $0x4200;
	v17 =	vperm.xlane v17, v16;
	v63 =	vadd.s32 v3, v62  }
0x5c4: {  	[tilespmem:s19], [sflag:$0x2] =	stream.indirect_vreg.gather [hbm4b:s0+s8], $0x80, v18, vm0, $0xb8;
	[tilespmem:$0x1C400] =	vst v63  }
0x5c5: {  	s20 =	simm.s32 $0x4280;
	v17 =	vadd.s32 v3, v17  }
0x5c6: {  	[tilespmem:s20], [sflag:$0x2] =	stream.indirect_vreg.gather [hbm4b:s0+s8], $0x80, v19, vm0, $0xb8;
	[tilespmem:$0x1C400] =	vst v63  }
0x5c7: {  	s21 =	simm.s32 $0x4300  }
0x5c8: {  	[tilespmem:s21], [sflag:$0x2] =	stream.indirect_vreg.gather [hbm4b:s0+s8], $0x80, v63, vm0, $0xb8;
	[tilespmem:$0x1C400] =	vst v63  }
0x5c9: {  	s22 =	simm.s32 $0x4380  }
0x5ca: {  	[tilespmem:s22], [sflag:$0x2] =	stream.indirect_vreg.gather [hbm4b:s0+s8], $0x80, v17, vm0, $0xb8;
	[tilespmem:$0x1C400] =	vst v63  }
0x5cb: {  	_ =	swait.ge [sflag:s2], $0x4000  }
0x5cc: {  	[sflag:s2] =	ssyncset.done $0x0  }
0x5cd: {  	s23 =	rddreg [dreg:$0x15];
	[sflag:s2] =	ssyncadd.s32 $0xFFFFC000  }
0x5ce: {  	[hbm4b:s23+s8] =	stream.linear.scatter [tilespmem:s4], [sflag:$0x4], $0x4000, $0x38;
	[tilespmem:$0x1C400] =	vst v63  }
0x5cf: {  	_ =	swait.ge [sflag:s2], $0x4000  }
0x5d0: {  	[sflag:s2] =	ssyncset.done $0x0  }
0x5d1: {  	s25 =	simm.s32 $0x3;
	s24 =	rddreg [dreg:$0x16];
	[sflag:s2] =	ssyncadd.s32 $0xFFFFC000  }
0x5d2: {  	[hbm4b:s24+s8] =	stream.linear.scatter [tilespmem:s5], [sflag:$0x4], $0x4000, $0x38;
	[tilespmem:$0x1C400] =	vst v63  }
0x5d3: {  	_ =	swait.ge [sflag:s25], $0x10000  }
0x5d4: {  	s28 =	simm.s32 $0xC400;
	[sflag:s25] =	ssyncset.done $0x0  }
0x5d5: {  	s29 =	simm.s32 $0x5;
	s26 =	rddreg [dreg:$0x17];
	[sflag:s25] =	ssyncadd.s32 $0xFFFF0000  }
0x5d6: {  	[hbm4b:s26+s8] =	stream.linear.scatter [tilespmem:s28], [sflag:$0x5], $0x10000, $0x38;
	[tilespmem:$0x1C400] =	vst v63  }
0x5d7: {  	_ =	swait.ge [sflag:s29], $0x10000  }
0x5d8: {  	[sflag:s29] =	ssyncset.done $0x0  }
0x5d9: {  	[sflag:s29] =	ssyncadd.s32 $0xFFFF0000  }
0x5da: {  	_ =	swait.ge [sflag:s1], $0x4000  }
0x5db: {  	[sflag:s1] =	ssyncset.done $0x0  }
0x5dc: {  	[sflag:s1] =	ssyncadd.s32 $0xFFFFC000  }
0x5dd: {  	_ =	swait.ge [sflag:s1], $0x4000  }
0x5de: {  	[sflag:s1] =	ssyncset.done $0x0  }
0x5df: {  	[sflag:s1] =	ssyncadd.s32 $0xFFFFC000  }
0x5e0: {  	_ =	swait.ge [sflag:s1], $0x4000  }
0x5e1: {  	s30 =	rddreg [dreg:$0x19]  }
0x5e2: {  	s31 =	rddreg [dreg:$0x18];
	s2 =	sadd.s32 $0x1, s30  }
0x5e3: {  	p0 =	sne.s32 s2, s31  }
.Ltmp1:
0x5e4: {  	_ = 	snop;
	(pc) =	sbr.rel @p0 .LBB2_1-.Ltmp1, $3  }
0x5e5: {  	_ =	sdelay $0x1  }
0x5e6: {  	[sflag:s1] =	ssyncset.done $0x0  }
0x5e7: {  	[sflag:s1] =	ssyncadd.s32 $0xFFFFC000  }
0x5e8: {  	_ =	sfence.sel $0x180000  }
0x5e9: {  	[bflag:$0x0] =	sbarrier.arrive $0xFFFF  }
0x5ea: {  	_ =	strace $0x90000047  }
0x5eb: {  	s0 =	stileid.u32;
	[bflag:$0x2] =	sbarrier.arrive $0xFFFF  }
0x5ec: {  	p0 =	sne.s32 s0, $0x0;
	s0 =	rddreg [dreg:$0x3]  }
0x5ed: {  	s0 =	sadd.s32 @!p0 $0x100000, s0  }
0x5ee: {  	[sflag:s0] =	ssyncadd.tile.s32 @!p0 $0x1;
	_ =	shalt  }
.Lfunc_end2:
_tile_overlayer_lowered:
.L_overlay_start_2:
0x5ef: {  	(tag) =	ssettag $0x2  }
0x5f0: {  	s0 =	rddreg [dreg:$0x0];
	s2 =	stileid.u32  }
0x5f1: {  	s1 =	rddreg [dreg:$0x1];
	p0 =	sne.s32 s2, $0x0  }
0x5f2: {  	s3 =	rddreg [dreg:$0x2];
	[bflag:$0x3] =	sbarrier.arrive $0xFFFF;
	s2 =	simm.s32 @!p0 $0x1C05  }
0x5f3: {  	[timem:s3], [sflag:s2] =	dma.local @!p0 [hbm:s0], s1  }
0x5f4: {  	s0 =	simm.s32 @!p0 $0x5  }
0x5f5: {  	_ =	swait.ge @!p0 [sflag:s0], s1  }
0x5f6: {  	s1 =	ssub.s32 @!p0 $0x0, s1;
	[sflag:s0] =	ssyncset.done @!p0 $0x0  }
0x5f7: {  	[sflag:s0] =	ssyncadd.s32 @!p0 s1  }
0x5f8: {  	[bflag:$0x3] =	sbarrier.arrive $0xFFFF  }
0x5f9: {  	_ =	shalt  }

</sc_bundles>
